<compile_context>
chip_gen: v7x
topology: tpu7x:2x2x1
jax: 0.10.2.dev20260603
libtpu: 0.0.44.dev20260713+nightly
codegen_flags: <defaults>
</compile_context>

<pallas_src>
import functools

import jax
import jax.numpy as jnp
from jax import lax
from jax.experimental import pallas as pl
from jax.experimental.pallas import tpu as pltpu
from jax.experimental.pallas import tpu_sc as plsc

N = 10000
E = 320000
D = 128
BN_EPS = 1e-5

NC = 2
NS = 16
NW = NC * NS
EPT = E // NW
CK = 40
CH = EPT // CK
NP = 10112
RPT = NP // NS
NB = 2
NGP = CH // NB
NSL = 4
NFULL = RPT // CK
REM = RPT - NFULL * CK


def _sc_agg(h, srcg, dstg):
    mesh = plsc.VectorSubcoreMesh(core_axis_name="c", subcore_axis_name="s")

    @functools.partial(
        pl.kernel,
        mesh=mesh,
        out_type=jax.ShapeDtypeStruct((NC, NP, D), jnp.float32),
        scratch_types=[
            pltpu.VMEM((NSL, NB, CK), jnp.int32),
            pltpu.VMEM((NSL, NB, CK), jnp.int32),
            pltpu.VMEM((2, NB, CK, D), jnp.float32),
            pltpu.VMEM_SHARED((NP, D), jnp.float32),
            pltpu.SemaphoreType.DMA((2, NB)),
            pltpu.SemaphoreType.DMA((2, NB)),
            pltpu.SemaphoreType.DMA((NSL,)),
            pltpu.SemaphoreType.DMA((NSL,)),
        ],
    )
    def k(h_hbm, srcg_hbm, dstg_hbm, out_hbm,
          sidx, didx, rows_v, acc, gsem, ssem, isems, isemd):
        cid = lax.axis_index("c")
        sid = lax.axis_index("s")
        wid = cid * NS + sid
        r0 = sid * RPT

        pltpu.async_copy(srcg_hbm.at[wid, 0], sidx.at[0], isems.at[0])
        pltpu.async_copy(dstg_hbm.at[wid, 0], didx.at[0], isemd.at[0])
        pltpu.async_copy(srcg_hbm.at[wid, 1], sidx.at[1], isems.at[1])
        pltpu.async_copy(dstg_hbm.at[wid, 1], didx.at[1], isemd.at[1])

        zv = jnp.zeros((16,), jnp.float32)

        @pl.loop(0, CK)
        def _(i):
            for q in range(D // 16):
                rows_v[0, 0, i, pl.ds(q * 16, 16)] = zv

        @pl.loop(0, NFULL)
        def _(kk):
            pltpu.async_copy(rows_v.at[0, 0],
                             acc.at[pl.ds(r0 + kk * CK, CK)], gsem.at[0, 0])

        @pl.loop(0, NFULL)
        def _(kk):
            pltpu.make_async_copy(
                rows_v.at[0, 0], acc.at[pl.ds(r0 + kk * CK, CK)],
                gsem.at[0, 0]).wait()

        if REM:
            pltpu.sync_copy(rows_v.at[0, 0, pl.ds(0, REM)],
                            acc.at[pl.ds(r0 + NFULL * CK, REM)])

        pltpu.make_async_copy(srcg_hbm.at[wid, 0], sidx.at[0],
                              isems.at[0]).wait()
        pltpu.make_async_copy(dstg_hbm.at[wid, 0], didx.at[0],
                              isemd.at[0]).wait()
        plsc.subcore_barrier()
        for b in range(NB):
            pltpu.async_copy(h_hbm.at[sidx.at[0, b]], rows_v.at[0, b],
                             gsem.at[0, b])

        @pl.loop(0, NGP)
        def _(g):
            w = lax.rem(g, 2)
            s = lax.rem(g, NSL)

            @pl.when(g + 2 < NGP)
            def _():
                s2 = lax.rem(g + 2, NSL)
                pltpu.async_copy(srcg_hbm.at[wid, g + 2], sidx.at[s2],
                                 isems.at[s2])
                pltpu.async_copy(dstg_hbm.at[wid, g + 2], didx.at[s2],
                                 isemd.at[s2])

            for b in range(NB):
                pltpu.make_async_copy(
                    h_hbm.at[sidx.at[s, b]], rows_v.at[w, b], gsem.at[w, b]
                ).wait()
                pltpu.async_copy(
                    rows_v.at[w, b], acc.at[didx.at[s, b]], ssem.at[w, b],
                    add=True)

            @pl.when(g > 0)
            def _():
                wp = lax.rem(g + 1, 2)
                sp = lax.rem(g + NSL - 1, NSL)
                for b in range(NB):
                    pltpu.make_async_copy(
                        rows_v.at[wp, b], acc.at[didx.at[sp, b]],
                        ssem.at[wp, b]).wait()

            @pl.when(g + 1 < NGP)
            def _():
                wn = lax.rem(g + 1, 2)
                sn = lax.rem(g + 1, NSL)
                pltpu.make_async_copy(srcg_hbm.at[wid, g + 1], sidx.at[sn],
                                      isems.at[sn]).wait()
                pltpu.make_async_copy(dstg_hbm.at[wid, g + 1], didx.at[sn],
                                      isemd.at[sn]).wait()
                for b in range(NB):
                    pltpu.async_copy(h_hbm.at[sidx.at[sn, b]],
                                     rows_v.at[wn, b], gsem.at[wn, b])

        wl = (NGP - 1) % 2
        sl = (NGP - 1) % NSL
        for b in range(NB):
            pltpu.make_async_copy(rows_v.at[wl, b], acc.at[didx.at[sl, b]],
                                  ssem.at[wl, b]).wait()

        plsc.subcore_barrier()

        for q in range(2 * NB):
            pltpu.async_copy(acc.at[pl.ds(r0 + q * CK, CK)],
                             rows_v.at[q // NB, q % NB],
                             ssem.at[q // NB, q % NB])

        @pl.loop(0, NFULL)
        def _(kk):
            q = lax.rem(kk, 2 * NB)
            qw = q // NB
            qb = lax.rem(q, NB)
            pltpu.make_async_copy(
                acc.at[pl.ds(r0 + kk * CK, CK)], rows_v.at[qw, qb],
                ssem.at[qw, qb]).wait()
            pltpu.async_copy(rows_v.at[qw, qb],
                             out_hbm.at[cid, pl.ds(r0 + kk * CK, CK)],
                             gsem.at[qw, qb])

            @pl.when(kk + 2 * NB < NFULL)
            def _():
                pltpu.make_async_copy(
                    rows_v.at[qw, qb],
                    out_hbm.at[cid, pl.ds(r0 + kk * CK, CK)],
                    gsem.at[qw, qb]).wait()
                pltpu.async_copy(
                    acc.at[pl.ds(r0 + (kk + 2 * NB) * CK, CK)],
                    rows_v.at[qw, qb], ssem.at[qw, qb])

        for q in range(2 * NB):
            kk = NFULL - 2 * NB + q
            pltpu.make_async_copy(
                rows_v.at[(kk % (2 * NB)) // NB, (kk % (2 * NB)) % NB],
                out_hbm.at[cid, pl.ds(r0 + kk * CK, CK)],
                gsem.at[(kk % (2 * NB)) // NB, (kk % (2 * NB)) % NB]).wait()

        if REM:
            pltpu.sync_copy(acc.at[pl.ds(r0 + NFULL * CK, REM)],
                            rows_v.at[0, 0, pl.ds(0, REM)])
            pltpu.sync_copy(rows_v.at[0, 0, pl.ds(0, REM)],
                            out_hbm.at[cid, pl.ds(r0 + NFULL * CK, REM)])

    return k(h, srcg, dstg)


def _tc_mlp(h, p, Wi, bi, gi, bei, Wo, bo, final_relu):

    def body(h_ref, p_ref, wi_ref, bi_ref, gi_ref, bei_ref,
             wo_ref, bo_ref, o_ref):
        z = h_ref[...] + p_ref[0, :N, :] + p_ref[1, :N, :]
        z = jnp.dot(z, wi_ref[...], preferred_element_type=jnp.float32)
        z = z + bi_ref[...]
        mu = jnp.mean(z, axis=0, keepdims=True)
        var = jnp.mean((z - mu) ** 2, axis=0, keepdims=True)
        z = (z - mu) / jnp.sqrt(var + BN_EPS) * gi_ref[...] + bei_ref[...]
        z = jnp.maximum(z, 0.0)
        z = jnp.dot(z, wo_ref[...], preferred_element_type=jnp.float32)
        z = z + bo_ref[...]
        if final_relu:
            z = jnp.maximum(z, 0.0)
        o_ref[...] = z

    return pl.pallas_call(
        body,
        out_shape=jax.ShapeDtypeStruct((N, D), jnp.float32),
    )(h, p, Wi, bi.reshape(1, D), gi.reshape(1, D), bei.reshape(1, D),
      Wo, bo.reshape(1, D))


def kernel(x, edge_index, W1a, b1a, g1a, be1a, W2a, b2a,
           W1b, b1b, g1b, be1b, W2b, b2b):
    srcg = edge_index[0].reshape(NW, NGP, NB, CK)
    dstg = edge_index[1].reshape(NW, NGP, NB, CK)

    p = _sc_agg(x, srcg, dstg)
    h1 = _tc_mlp(x, p, W1a, b1a, g1a, be1a, W2a, b2a, final_relu=True)
    p2 = _sc_agg(h1, srcg, dstg)
    out = _tc_mlp(h1, p2, W1b, b1b, g1b, be1b, W2b, b2b, final_relu=False)
    return out

# --- scband reference (transcript-rebuilt; emitter-appended) ---
"""Pipeline reference for scband-gin-7327214207515 (READ-ONLY COPY).

The authoritative reference and input builder live on the scoring server;
editing this copy changes nothing except your own understanding.
"""

import jax, jax.numpy as jnp
import numpy as np

N = 10000
E = 320000
D = 128
H = 128
O = 128
BN_EPS = 1e-5


def _linear_init(key, fan_in, fan_out):
    bound = 1.0 / np.sqrt(fan_in)
    kw, kb = jax.random.split(key)
    W = jax.random.uniform(kw, (fan_in, fan_out), minval=-bound, maxval=bound, dtype=jnp.float32)
    b = jax.random.uniform(kb, (fan_out,), minval=-bound, maxval=bound, dtype=jnp.float32)
    return W, b


def setup_inputs(seed: int = 0) -> dict:
    key = jax.random.key(seed)
    ks = jax.random.split(key, 8)
    x = jax.random.normal(ks[0], (N, D), dtype=jnp.float32)
    edge_index = jax.random.randint(ks[1], (2, E), 0, N, dtype=jnp.int32)
    W1a, b1a = _linear_init(ks[2], D, H)
    W2a, b2a = _linear_init(ks[3], H, H)
    W1b, b1b = _linear_init(ks[4], H, O)
    W2b, b2b = _linear_init(ks[5], O, O)
    g1a = jnp.ones((H,), jnp.float32); be1a = jnp.zeros((H,), jnp.float32)
    g1b = jnp.ones((O,), jnp.float32); be1b = jnp.zeros((O,), jnp.float32)
    return {"x": x, "edge_index": edge_index,
            "W1a": W1a, "b1a": b1a, "g1a": g1a, "be1a": be1a, "W2a": W2a, "b2a": b2a,
            "W1b": W1b, "b1b": b1b, "g1b": g1b, "be1b": be1b, "W2b": W2b, "b2b": b2b}


def _batchnorm(h, g, b):
    mu = jnp.mean(h, axis=0)
    var = jnp.mean((h - mu) ** 2, axis=0)
    return (h - mu) / jnp.sqrt(var + BN_EPS) * g + b


def _gin_conv(h, src, dst, Wi, bi, gi, bei, Wo, bo):
    # GINConv: out = MLP((1 + eps) * x + sum_{j in N(i)} x_j), eps = 0
    msgs = jnp.take(h, src, axis=0)
    agg = jax.ops.segment_sum(msgs, dst, num_segments=N)
    z = h + agg
    z = z @ Wi + bi
    z = _batchnorm(z, gi, bei)
    z = jax.nn.relu(z)
    z = z @ Wo + bo
    return z


def reference(x, edge_index, W1a, b1a, g1a, be1a, W2a, b2a, W1b, b1b, g1b, be1b, W2b, b2b):
    src = edge_index[0]
    dst = edge_index[1]
    h = _gin_conv(x, src, dst, W1a, b1a, g1a, be1a, W2a, b2a)
    h = jax.nn.relu(h)  # inter-layer activation (dropout_rate=0 -> identity)
    h = _gin_conv(h, src, dst, W1b, b1b, g1b, be1b, W2b, b2b)
    return h

if __name__ == "__main__":
    import jax
    _d = setup_inputs()
    print(jax.jit(kernel)(*tuple(_d.values())))

</pallas_src>

<mosaic_0001>
#map = affine_map<(d0, d1) -> (0, 0)>
#map1 = affine_map<(d0, d1) -> (0, 0, 0, 0)>
#map2 = affine_map<(d0, d1) -> (0, 0, 0)>
module attributes {stable_mosaic.version = 14 : i64} {
  func.func @k(%arg0: i32, %arg1: i32, %arg2: memref<10000x128xf32, #tpu.memory_space<hbm>>, %arg3: memref<32x125x2x40xi32, #tpu.memory_space<hbm>>, %arg4: memref<32x125x2x40xi32, #tpu.memory_space<hbm>>, %arg5: memref<2x10112x128xf32, #tpu.memory_space<hbm>>, %arg6: memref<4x2x40xi32, #tpu.memory_space<vmem>>, %arg7: memref<4x2x40xi32, #tpu.memory_space<vmem>>, %arg8: memref<2x2x40x128xf32, #tpu.memory_space<vmem>>, %arg9: memref<10112x128xf32, #tpu.memory_space<vmem_shared>>, %arg10: memref<2x2x!tpu.dma_semaphore, #tpu.memory_space<semaphore_mem>>, %arg11: memref<2x2x!tpu.dma_semaphore, #tpu.memory_space<semaphore_mem>>, %arg12: memref<4x!tpu.dma_semaphore, #tpu.memory_space<semaphore_mem>>, %arg13: memref<4x!tpu.dma_semaphore, #tpu.memory_space<semaphore_mem>>) attributes {dimension_semantics = [#tpu.dimension_semantics<core_parallel>, #tpu.dimension_semantics<subcore_parallel>], iteration_bounds = array<i64: 2, 16>, scalar_prefetch = 0 : i64, scratch_operands = 8 : i64, tpu.core_type = #tpu.core_type<sc_vector_subcore>, window_params = [{transform_indices = #map}, {transform_indices = #map1}, {transform_indices = #map1}, {transform_indices = #map2}]} {
    %mul3A = arith.constant 16 : i32
    %mul3A_0 = arith.muli %arg0, %mul3A : i32
    %add3A = arith.addi %mul3A_0, %arg1 : i32
    %mul3A_1 = arith.constant 632 : i32
    %mul3A_2 = arith.muli %arg1, %mul3A_1 : i32
    %dma_start3A = arith.constant 0 : i32
    %dma_start3A_3 = arith.constant 0 : i32
    %dma_start3A_4 = arith.constant 0 : i32
    %dma_start3A_5 = arith.constant 0 : i32
    %dma_start3A_6 = arith.constant 0 : i32
    %dma_start3A_7 = tpu.memref_slice %arg6[%dma_start3A_3, %dma_start3A_5, %dma_start3A_6] : memref<4x2x40xi32, #tpu.memory_space<vmem>> -> memref<1x2x40xi32, #tpu.memory_space<vmem>>
    %dma_start3A_8 = tpu.memref_squeeze %dma_start3A_7 : memref<1x2x40xi32, #tpu.memory_space<vmem>> -> memref<2x40xi32, #tpu.memory_space<vmem>>
    %dma_start3A_9 = arith.constant 0 : i32
    %dma_start3A_10 = arith.constant 0 : i32
    %dma_start3A_11 = tpu.memref_slice %arg3[%add3A, %dma_start3A, %dma_start3A_9, %dma_start3A_10] : memref<32x125x2x40xi32, #tpu.memory_space<hbm>> -> memref<1x1x2x40xi32, #tpu.memory_space<hbm>>
    %dma_start3A_12 = tpu.memref_squeeze %dma_start3A_11 : memref<1x1x2x40xi32, #tpu.memory_space<hbm>> -> memref<2x40xi32, #tpu.memory_space<hbm>>
    %dma_start3A_13 = tpu.memref_slice %arg12[%dma_start3A_4] : memref<4x!tpu.dma_semaphore, #tpu.memory_space<semaphore_mem>> -> memref<1x!tpu.dma_semaphore, #tpu.memory_space<semaphore_mem>>
    %dma_start3A_14 = tpu.memref_squeeze %dma_start3A_13 : memref<1x!tpu.dma_semaphore, #tpu.memory_space<semaphore_mem>> -> memref<!tpu.dma_semaphore, #tpu.memory_space<semaphore_mem>>
    %dma_start3A_15 = arith.constant 0 : i32
    %dma_start3A_16 = arith.constant 0 : i32
    %dma_start3A_17 = tpu.memref_slice %arg6[%dma_start3A_3, %dma_start3A_15, %dma_start3A_16] : memref<4x2x40xi32, #tpu.memory_space<vmem>> -> memref<1x2x40xi32, #tpu.memory_space<vmem>>
    %dma_start3A_18 = tpu.memref_squeeze %dma_start3A_17 : memref<1x2x40xi32, #tpu.memory_space<vmem>> -> memref<2x40xi32, #tpu.memory_space<vmem>>
    %dma_start3A_19 = arith.constant 0 : i32
    %dma_start3A_20 = arith.constant 0 : i32
    %dma_start3A_21 = tpu.memref_slice %arg3[%add3A, %dma_start3A, %dma_start3A_19, %dma_start3A_20] : memref<32x125x2x40xi32, #tpu.memory_space<hbm>> -> memref<1x1x2x40xi32, #tpu.memory_space<hbm>>
    %dma_start3A_22 = tpu.memref_squeeze %dma_start3A_21 : memref<1x1x2x40xi32, #tpu.memory_space<hbm>> -> memref<2x40xi32, #tpu.memory_space<hbm>>
    tpu.enqueue_dma source(%dma_start3A_22 : memref<2x40xi32, #tpu.memory_space<hbm>>) target(%dma_start3A_18 : memref<2x40xi32, #tpu.memory_space<vmem>>) target_semaphore(%dma_start3A_14 : memref<!tpu.dma_semaphore, #tpu.memory_space<semaphore_mem>>)
    %dma_start3A_23 = arith.constant 0 : i32
    %dma_start3A_24 = arith.constant 0 : i32
    %dma_start3A_25 = arith.constant 0 : i32
    %dma_start3A_26 = arith.constant 0 : i32
    %dma_start3A_27 = arith.constant 0 : i32
    %dma_start3A_28 = tpu.memref_slice %arg7[%dma_start3A_24, %dma_start3A_26, %dma_start3A_27] : memref<4x2x40xi32, #tpu.memory_space<vmem>> -> memref<1x2x40xi32, #tpu.memory_space<vmem>>
    %dma_start3A_29 = tpu.memref_squeeze %dma_start3A_28 : memref<1x2x40xi32, #tpu.memory_space<vmem>> -> memref<2x40xi32, #tpu.memory_space<vmem>>
    %dma_start3A_30 = arith.constant 0 : i32
    %dma_start3A_31 = arith.constant 0 : i32
    %dma_start3A_32 = tpu.memref_slice %arg4[%add3A, %dma_start3A_23, %dma_start3A_30, %dma_start3A_31] : memref<32x125x2x40xi32, #tpu.memory_space<hbm>> -> memref<1x1x2x40xi32, #tpu.memory_space<hbm>>
    %dma_start3A_33 = tpu.memref_squeeze %dma_start3A_32 : memref<1x1x2x40xi32, #tpu.memory_space<hbm>> -> memref<2x40xi32, #tpu.memory_space<hbm>>
    %dma_start3A_34 = tpu.memref_slice %arg13[%dma_start3A_25] : memref<4x!tpu.dma_semaphore, #tpu.memory_space<semaphore_mem>> -> memref<1x!tpu.dma_semaphore, #tpu.memory_space<semaphore_mem>>
    %dma_start3A_35 = tpu.memref_squeeze %dma_start3A_34 : memref<1x!tpu.dma_semaphore, #tpu.memory_space<semaphore_mem>> -> memref<!tpu.dma_semaphore, #tpu.memory_space<semaphore_mem>>
    %dma_start3A_36 = arith.constant 0 : i32
    %dma_start3A_37 = arith.constant 0 : i32
    %dma_start3A_38 = tpu.memref_slice %arg7[%dma_start3A_24, %dma_start3A_36, %dma_start3A_37] : memref<4x2x40xi32, #tpu.memory_space<vmem>> -> memref<1x2x40xi32, #tpu.memory_space<vmem>>
    %dma_start3A_39 = tpu.memref_squeeze %dma_start3A_38 : memref<1x2x40xi32, #tpu.memory_space<vmem>> -> memref<2x40xi32, #tpu.memory_space<vmem>>
    %dma_start3A_40 = arith.constant 0 : i32
    %dma_start3A_41 = arith.constant 0 : i32
    %dma_start3A_42 = tpu.memref_slice %arg4[%add3A, %dma_start3A_23, %dma_start3A_40, %dma_start3A_41] : memref<32x125x2x40xi32, #tpu.memory_space<hbm>> -> memref<1x1x2x40xi32, #tpu.memory_space<hbm>>
    %dma_start3A_43 = tpu.memref_squeeze %dma_start3A_42 : memref<1x1x2x40xi32, #tpu.memory_space<hbm>> -> memref<2x40xi32, #tpu.memory_space<hbm>>
    tpu.enqueue_dma source(%dma_start3A_43 : memref<2x40xi32, #tpu.memory_space<hbm>>) target(%dma_start3A_39 : memref<2x40xi32, #tpu.memory_space<vmem>>) target_semaphore(%dma_start3A_35 : memref<!tpu.dma_semaphore, #tpu.memory_space<semaphore_mem>>)
    %dma_start3A_44 = arith.constant 1 : i32
    %dma_start3A_45 = arith.constant 1 : i32
    %dma_start3A_46 = arith.constant 1 : i32
    %dma_start3A_47 = arith.constant 0 : i32
    %dma_start3A_48 = arith.constant 0 : i32
    %dma_start3A_49 = tpu.memref_slice %arg6[%dma_start3A_45, %dma_start3A_47, %dma_start3A_48] : memref<4x2x40xi32, #tpu.memory_space<vmem>> -> memref<1x2x40xi32, #tpu.memory_space<vmem>>
    %dma_start3A_50 = tpu.memref_squeeze %dma_start3A_49 : memref<1x2x40xi32, #tpu.memory_space<vmem>> -> memref<2x40xi32, #tpu.memory_space<vmem>>
    %dma_start3A_51 = arith.constant 0 : i32
    %dma_start3A_52 = arith.constant 0 : i32
    %dma_start3A_53 = tpu.memref_slice %arg3[%add3A, %dma_start3A_44, %dma_start3A_51, %dma_start3A_52] : memref<32x125x2x40xi32, #tpu.memory_space<hbm>> -> memref<1x1x2x40xi32, #tpu.memory_space<hbm>>
    %dma_start3A_54 = tpu.memref_squeeze %dma_start3A_53 : memref<1x1x2x40xi32, #tpu.memory_space<hbm>> -> memref<2x40xi32, #tpu.memory_space<hbm>>
    %dma_start3A_55 = tpu.memref_slice %arg12[%dma_start3A_46] : memref<4x!tpu.dma_semaphore, #tpu.memory_space<semaphore_mem>> -> memref<1x!tpu.dma_semaphore, #tpu.memory_space<semaphore_mem>>
    %dma_start3A_56 = tpu.memref_squeeze %dma_start3A_55 : memref<1x!tpu.dma_semaphore, #tpu.memory_space<semaphore_mem>> -> memref<!tpu.dma_semaphore, #tpu.memory_space<semaphore_mem>>
    %dma_start3A_57 = arith.constant 0 : i32
    %dma_start3A_58 = arith.constant 0 : i32
    %dma_start3A_59 = tpu.memref_slice %arg6[%dma_start3A_45, %dma_start3A_57, %dma_start3A_58] : memref<4x2x40xi32, #tpu.memory_space<vmem>> -> memref<1x2x40xi32, #tpu.memory_space<vmem>>
    %dma_start3A_60 = tpu.memref_squeeze %dma_start3A_59 : memref<1x2x40xi32, #tpu.memory_space<vmem>> -> memref<2x40xi32, #tpu.memory_space<vmem>>
    %dma_start3A_61 = arith.constant 0 : i32
    %dma_start3A_62 = arith.constant 0 : i32
    %dma_start3A_63 = tpu.memref_slice %arg3[%add3A, %dma_start3A_44, %dma_start3A_61, %dma_start3A_62] : memref<32x125x2x40xi32, #tpu.memory_space<hbm>> -> memref<1x1x2x40xi32, #tpu.memory_space<hbm>>
    %dma_start3A_64 = tpu.memref_squeeze %dma_start3A_63 : memref<1x1x2x40xi32, #tpu.memory_space<hbm>> -> memref<2x40xi32, #tpu.memory_space<hbm>>
    tpu.enqueue_dma source(%dma_start3A_64 : memref<2x40xi32, #tpu.memory_space<hbm>>) target(%dma_start3A_60 : memref<2x40xi32, #tpu.memory_space<vmem>>) target_semaphore(%dma_start3A_56 : memref<!tpu.dma_semaphore, #tpu.memory_space<semaphore_mem>>)
    %dma_start3A_65 = arith.constant 1 : i32
    %dma_start3A_66 = arith.constant 1 : i32
    %dma_start3A_67 = arith.constant 1 : i32
    %dma_start3A_68 = arith.constant 0 : i32
    %dma_start3A_69 = arith.constant 0 : i32
    %dma_start3A_70 = tpu.memref_slice %arg7[%dma_start3A_66, %dma_start3A_68, %dma_start3A_69] : memref<4x2x40xi32, #tpu.memory_space<vmem>> -> memref<1x2x40xi32, #tpu.memory_space<vmem>>
    %dma_start3A_71 = tpu.memref_squeeze %dma_start3A_70 : memref<1x2x40xi32, #tpu.memory_space<vmem>> -> memref<2x40xi32, #tpu.memory_space<vmem>>
    %dma_start3A_72 = arith.constant 0 : i32
    %dma_start3A_73 = arith.constant 0 : i32
    %dma_start3A_74 = tpu.memref_slice %arg4[%add3A, %dma_start3A_65, %dma_start3A_72, %dma_start3A_73] : memref<32x125x2x40xi32, #tpu.memory_space<hbm>> -> memref<1x1x2x40xi32, #tpu.memory_space<hbm>>
    %dma_start3A_75 = tpu.memref_squeeze %dma_start3A_74 : memref<1x1x2x40xi32, #tpu.memory_space<hbm>> -> memref<2x40xi32, #tpu.memory_space<hbm>>
    %dma_start3A_76 = tpu.memref_slice %arg13[%dma_start3A_67] : memref<4x!tpu.dma_semaphore, #tpu.memory_space<semaphore_mem>> -> memref<1x!tpu.dma_semaphore, #tpu.memory_space<semaphore_mem>>
    %dma_start3A_77 = tpu.memref_squeeze %dma_start3A_76 : memref<1x!tpu.dma_semaphore, #tpu.memory_space<semaphore_mem>> -> memref<!tpu.dma_semaphore, #tpu.memory_space<semaphore_mem>>
    %dma_start3A_78 = arith.constant 0 : i32
    %dma_start3A_79 = arith.constant 0 : i32
    %dma_start3A_80 = tpu.memref_slice %arg7[%dma_start3A_66, %dma_start3A_78, %dma_start3A_79] : memref<4x2x40xi32, #tpu.memory_space<vmem>> -> memref<1x2x40xi32, #tpu.memory_space<vmem>>
    %dma_start3A_81 = tpu.memref_squeeze %dma_start3A_80 : memref<1x2x40xi32, #tpu.memory_space<vmem>> -> memref<2x40xi32, #tpu.memory_space<vmem>>
    %dma_start3A_82 = arith.constant 0 : i32
    %dma_start3A_83 = arith.constant 0 : i32
    %dma_start3A_84 = tpu.memref_slice %arg4[%add3A, %dma_start3A_65, %dma_start3A_82, %dma_start3A_83] : memref<32x125x2x40xi32, #tpu.memory_space<hbm>> -> memref<1x1x2x40xi32, #tpu.memory_space<hbm>>
    %dma_start3A_85 = tpu.memref_squeeze %dma_start3A_84 : memref<1x1x2x40xi32, #tpu.memory_space<hbm>> -> memref<2x40xi32, #tpu.memory_space<hbm>>
    tpu.enqueue_dma source(%dma_start3A_85 : memref<2x40xi32, #tpu.memory_space<hbm>>) target(%dma_start3A_81 : memref<2x40xi32, #tpu.memory_space<vmem>>) target_semaphore(%dma_start3A_77 : memref<!tpu.dma_semaphore, #tpu.memory_space<semaphore_mem>>)
    %broadcast_in_dim3A = arith.constant 0.000000e+00 : f32
    %broadcast_in_dim3A_86 = vector.broadcast %broadcast_in_dim3A : f32 to vector<16xf32>
    %scan3A = arith.constant 0 : i32
    %scan3A_87 = arith.constant 40 : i32
    %scan3A_88 = arith.addi %scan3A, %scan3A_87 : i32
    %scan3A_89 = arith.constant 1 : i32
    scf.for %scan3A_404 = %scan3A to %scan3A_88 step %scan3A_89  : i32 {
      %mul3A_405 = arith.constant 1 : i32
      %mul3A_406 = arith.muli %scan3A_404, %mul3A_405 : i32
      %add3A_407 = arith.constant 0 : i32
      %add3A_408 = arith.addi %add3A_407, %mul3A_406 : i32
      %swap3A = arith.constant 0 : i32
      %swap3A_409 = arith.constant 0 : i32
      %swap3A_410 = arith.index_cast %swap3A : i32 to index
      %swap3A_411 = arith.index_cast %swap3A_409 : i32 to index
      %swap3A_412 = arith.index_cast %add3A_408 : i32 to index
      %swap3A_413 = arith.constant 0 : index
      %swap3A_414 = tpu.vector_load %arg8[%swap3A_410, %swap3A_411, %swap3A_412, %swap3A_413] {strides = array<i32>} : memref<2x2x40x128xf32, #tpu.memory_space<vmem>>, vector<1x1x1x16xf32>,
      %swap3A_415 = vector.shape_cast %swap3A_414 : vector<1x1x1x16xf32> to vector<16xf32>
      %swap3A_416 = vector.shape_cast %broadcast_in_dim3A_86 : vector<16xf32> to vector<1x1x1x16xf32>
      tpu.vector_store %arg8[%swap3A_410, %swap3A_411, %swap3A_412, %swap3A_413], %swap3A_416 {strides = array<i32>} : memref<2x2x40x128xf32, #tpu.memory_space<vmem>>, vector<1x1x1x16xf32>,
      %swap3A_417 = arith.constant 0 : i32
      %swap3A_418 = arith.constant 0 : i32
      %swap3A_419 = arith.index_cast %swap3A_417 : i32 to index
      %swap3A_420 = arith.index_cast %swap3A_418 : i32 to index
      %swap3A_421 = arith.index_cast %add3A_408 : i32 to index
      %swap3A_422 = arith.constant 16 : index
      %swap3A_423 = tpu.vector_load %arg8[%swap3A_419, %swap3A_420, %swap3A_421, %swap3A_422] {strides = array<i32>} : memref<2x2x40x128xf32, #tpu.memory_space<vmem>>, vector<1x1x1x16xf32>,
      %swap3A_424 = vector.shape_cast %swap3A_423 : vector<1x1x1x16xf32> to vector<16xf32>
      %swap3A_425 = vector.shape_cast %broadcast_in_dim3A_86 : vector<16xf32> to vector<1x1x1x16xf32>
      tpu.vector_store %arg8[%swap3A_419, %swap3A_420, %swap3A_421, %swap3A_422], %swap3A_425 {strides = array<i32>} : memref<2x2x40x128xf32, #tpu.memory_space<vmem>>, vector<1x1x1x16xf32>,
      %swap3A_426 = arith.constant 0 : i32
      %swap3A_427 = arith.constant 0 : i32
      %swap3A_428 = arith.index_cast %swap3A_426 : i32 to index
      %swap3A_429 = arith.index_cast %swap3A_427 : i32 to index
      %swap3A_430 = arith.index_cast %add3A_408 : i32 to index
      %swap3A_431 = arith.constant 32 : index
      %swap3A_432 = tpu.vector_load %arg8[%swap3A_428, %swap3A_429, %swap3A_430, %swap3A_431] {strides = array<i32>} : memref<2x2x40x128xf32, #tpu.memory_space<vmem>>, vector<1x1x1x16xf32>,
      %swap3A_433 = vector.shape_cast %swap3A_432 : vector<1x1x1x16xf32> to vector<16xf32>
      %swap3A_434 = vector.shape_cast %broadcast_in_dim3A_86 : vector<16xf32> to vector<1x1x1x16xf32>
      tpu.vector_store %arg8[%swap3A_428, %swap3A_429, %swap3A_430, %swap3A_431], %swap3A_434 {strides = array<i32>} : memref<2x2x40x128xf32, #tpu.memory_space<vmem>>, vector<1x1x1x16xf32>,
      %swap3A_435 = arith.constant 0 : i32
      %swap3A_436 = arith.constant 0 : i32
      %swap3A_437 = arith.index_cast %swap3A_435 : i32 to index
      %swap3A_438 = arith.index_cast %swap3A_436 : i32 to index
      %swap3A_439 = arith.index_cast %add3A_408 : i32 to index
      %swap3A_440 = arith.constant 48 : index
      %swap3A_441 = tpu.vector_load %arg8[%swap3A_437, %swap3A_438, %swap3A_439, %swap3A_440] {strides = array<i32>} : memref<2x2x40x128xf32, #tpu.memory_space<vmem>>, vector<1x1x1x16xf32>,
      %swap3A_442 = vector.shape_cast %swap3A_441 : vector<1x1x1x16xf32> to vector<16xf32>
      %swap3A_443 = vector.shape_cast %broadcast_in_dim3A_86 : vector<16xf32> to vector<1x1x1x16xf32>
      tpu.vector_store %arg8[%swap3A_437, %swap3A_438, %swap3A_439, %swap3A_440], %swap3A_443 {strides = array<i32>} : memref<2x2x40x128xf32, #tpu.memory_space<vmem>>, vector<1x1x1x16xf32>,
      %swap3A_444 = arith.constant 0 : i32
      %swap3A_445 = arith.constant 0 : i32
      %swap3A_446 = arith.index_cast %swap3A_444 : i32 to index
      %swap3A_447 = arith.index_cast %swap3A_445 : i32 to index
      %swap3A_448 = arith.index_cast %add3A_408 : i32 to index
      %swap3A_449 = arith.constant 64 : index
      %swap3A_450 = tpu.vector_load %arg8[%swap3A_446, %swap3A_447, %swap3A_448, %swap3A_449] {strides = array<i32>} : memref<2x2x40x128xf32, #tpu.memory_space<vmem>>, vector<1x1x1x16xf32>,
      %swap3A_451 = vector.shape_cast %swap3A_450 : vector<1x1x1x16xf32> to vector<16xf32>
      %swap3A_452 = vector.shape_cast %broadcast_in_dim3A_86 : vector<16xf32> to vector<1x1x1x16xf32>
      tpu.vector_store %arg8[%swap3A_446, %swap3A_447, %swap3A_448, %swap3A_449], %swap3A_452 {strides = array<i32>} : memref<2x2x40x128xf32, #tpu.memory_space<vmem>>, vector<1x1x1x16xf32>,
      %swap3A_453 = arith.constant 0 : i32
      %swap3A_454 = arith.constant 0 : i32
      %swap3A_455 = arith.index_cast %swap3A_453 : i32 to index
      %swap3A_456 = arith.index_cast %swap3A_454 : i32 to index
      %swap3A_457 = arith.index_cast %add3A_408 : i32 to index
      %swap3A_458 = arith.constant 80 : index
      %swap3A_459 = tpu.vector_load %arg8[%swap3A_455, %swap3A_456, %swap3A_457, %swap3A_458] {strides = array<i32>} : memref<2x2x40x128xf32, #tpu.memory_space<vmem>>, vector<1x1x1x16xf32>,
      %swap3A_460 = vector.shape_cast %swap3A_459 : vector<1x1x1x16xf32> to vector<16xf32>
      %swap3A_461 = vector.shape_cast %broadcast_in_dim3A_86 : vector<16xf32> to vector<1x1x1x16xf32>
      tpu.vector_store %arg8[%swap3A_455, %swap3A_456, %swap3A_457, %swap3A_458], %swap3A_461 {strides = array<i32>} : memref<2x2x40x128xf32, #tpu.memory_space<vmem>>, vector<1x1x1x16xf32>,
      %swap3A_462 = arith.constant 0 : i32
      %swap3A_463 = arith.constant 0 : i32
      %swap3A_464 = arith.index_cast %swap3A_462 : i32 to index
      %swap3A_465 = arith.index_cast %swap3A_463 : i32 to index
      %swap3A_466 = arith.index_cast %add3A_408 : i32 to index
      %swap3A_467 = arith.constant 96 : index
      %swap3A_468 = tpu.vector_load %arg8[%swap3A_464, %swap3A_465, %swap3A_466, %swap3A_467] {strides = array<i32>} : memref<2x2x40x128xf32, #tpu.memory_space<vmem>>, vector<1x1x1x16xf32>,
      %swap3A_469 = vector.shape_cast %swap3A_468 : vector<1x1x1x16xf32> to vector<16xf32>
      %swap3A_470 = vector.shape_cast %broadcast_in_dim3A_86 : vector<16xf32> to vector<1x1x1x16xf32>
      tpu.vector_store %arg8[%swap3A_464, %swap3A_465, %swap3A_466, %swap3A_467], %swap3A_470 {strides = array<i32>} : memref<2x2x40x128xf32, #tpu.memory_space<vmem>>, vector<1x1x1x16xf32>,
      %swap3A_471 = arith.constant 0 : i32
      %swap3A_472 = arith.constant 0 : i32
      %swap3A_473 = arith.index_cast %swap3A_471 : i32 to index
      %swap3A_474 = arith.index_cast %swap3A_472 : i32 to index
      %swap3A_475 = arith.index_cast %add3A_408 : i32 to index
      %swap3A_476 = arith.constant 112 : index
      %swap3A_477 = tpu.vector_load %arg8[%swap3A_473, %swap3A_474, %swap3A_475, %swap3A_476] {strides = array<i32>} : memref<2x2x40x128xf32, #tpu.memory_space<vmem>>, vector<1x1x1x16xf32>,
      %swap3A_478 = vector.shape_cast %swap3A_477 : vector<1x1x1x16xf32> to vector<16xf32>
      %swap3A_479 = vector.shape_cast %broadcast_in_dim3A_86 : vector<16xf32> to vector<1x1x1x16xf32>
      tpu.vector_store %arg8[%swap3A_473, %swap3A_474, %swap3A_475, %swap3A_476], %swap3A_479 {strides = array<i32>} : memref<2x2x40x128xf32, #tpu.memory_space<vmem>>, vector<1x1x1x16xf32>,
    }
    %scan3A_90 = arith.constant 40 : i32
    %scan3A_91 = arith.constant 0 : i32
    %scan3A_92 = arith.constant 15 : i32
    %scan3A_93 = arith.addi %scan3A_91, %scan3A_92 : i32
    %scan3A_94 = arith.constant 1 : i32
    scf.for %scan3A_404 = %scan3A_91 to %scan3A_93 step %scan3A_94  : i32 {
      %mul3A_405 = arith.constant 1 : i32
      %mul3A_406 = arith.muli %scan3A_404, %mul3A_405 : i32
      %add3A_407 = arith.constant 0 : i32
      %add3A_408 = arith.addi %add3A_407, %mul3A_406 : i32
      %mul3A_409 = arith.constant 40 : i32
      %mul3A_410 = arith.muli %add3A_408, %mul3A_409 : i32
      %add3A_411 = arith.addi %mul3A_2, %mul3A_410 : i32
      %dma_start3A_412 = arith.constant 0 : i32
      %dma_start3A_413 = arith.constant 0 : i32
      %dma_start3A_414 = arith.constant 0 : i32
      %dma_start3A_415 = arith.constant 0 : i32
      %dma_start3A_416 = arith.constant 0 : i32
      %dma_start3A_417 = arith.constant 0 : i32
      %dma_start3A_418 = tpu.memref_slice %arg8[%dma_start3A_412, %dma_start3A_413, %dma_start3A_416, %dma_start3A_417] : memref<2x2x40x128xf32, #tpu.memory_space<vmem>> -> memref<1x1x40x128xf32, #tpu.memory_space<vmem>>
      %dma_start3A_419 = tpu.memref_squeeze %dma_start3A_418 : memref<1x1x40x128xf32, #tpu.memory_space<vmem>> -> memref<40x128xf32, #tpu.memory_space<vmem>>
      %dma_start3A_420 = arith.constant 0 : i32
      %dma_start3A_421 = tpu.memref_slice %arg9[%add3A_411, %dma_start3A_420] : memref<10112x128xf32, #tpu.memory_space<vmem_shared>> -> memref<40x128xf32, #tpu.memory_space<vmem_shared>>
      %dma_start3A_422 = tpu.memref_slice %arg10[%dma_start3A_414, %dma_start3A_415] : memref<2x2x!tpu.dma_semaphore, #tpu.memory_space<semaphore_mem>> -> memref<1x1x!tpu.dma_semaphore, #tpu.memory_space<semaphore_mem>>
      %dma_start3A_423 = tpu.memref_squeeze %dma_start3A_422 : memref<1x1x!tpu.dma_semaphore, #tpu.memory_space<semaphore_mem>> -> memref<!tpu.dma_semaphore, #tpu.memory_space<semaphore_mem>>
      %dma_start3A_424 = arith.constant 0 : i32
      %dma_start3A_425 = tpu.memref_slice %arg9[%add3A_411, %dma_start3A_424] : memref<10112x128xf32, #tpu.memory_space<vmem_shared>> -> memref<40x128xf32, #tpu.memory_space<vmem_shared>>
      %dma_start3A_426 = arith.constant 0 : i32
      %dma_start3A_427 = arith.constant 0 : i32
      %dma_start3A_428 = tpu.memref_slice %arg8[%dma_start3A_412, %dma_start3A_413, %dma_start3A_426, %dma_start3A_427] : memref<2x2x40x128xf32, #tpu.memory_space<vmem>> -> memref<1x1x40x128xf32, #tpu.memory_space<vmem>>
      %dma_start3A_429 = tpu.memref_squeeze %dma_start3A_428 : memref<1x1x40x128xf32, #tpu.memory_space<vmem>> -> memref<40x128xf32, #tpu.memory_space<vmem>>
      tpu.enqueue_dma source(%dma_start3A_429 : memref<40x128xf32, #tpu.memory_space<vmem>>) target(%dma_start3A_425 : memref<40x128xf32, #tpu.memory_space<vmem_shared>>) target_semaphore(%dma_start3A_423 : memref<!tpu.dma_semaphore, #tpu.memory_space<semaphore_mem>>)
    }
    %scan3A_95 = arith.constant 15 : i32
    %scan3A_96 = arith.constant 0 : i32
    %scan3A_97 = arith.constant 15 : i32
    %scan3A_98 = arith.addi %scan3A_96, %scan3A_97 : i32
    %scan3A_99 = arith.constant 1 : i32
    scf.for %scan3A_404 = %scan3A_96 to %scan3A_98 step %scan3A_99  : i32 {
      %mul3A_405 = arith.constant 1 : i32
      %mul3A_406 = arith.muli %scan3A_404, %mul3A_405 : i32
      %add3A_407 = arith.constant 0 : i32
      %add3A_408 = arith.addi %add3A_407, %mul3A_406 : i32
      %mul3A_409 = arith.constant 40 : i32
      %mul3A_410 = arith.muli %add3A_408, %mul3A_409 : i32
      %add3A_411 = arith.addi %mul3A_2, %mul3A_410 : i32
      %dma_wait3A_412 = arith.constant 0 : i32
      %dma_wait3A_413 = arith.constant 0 : i32
      %dma_wait3A_414 = arith.constant 0 : i32
      %dma_wait3A_415 = arith.constant 0 : i32
      %dma_wait3A_416 = arith.constant 0 : i32
      %dma_wait3A_417 = arith.constant 0 : i32
      %dma_wait3A_418 = tpu.memref_slice %arg8[%dma_wait3A_412, %dma_wait3A_413, %dma_wait3A_416, %dma_wait3A_417] : memref<2x2x40x128xf32, #tpu.memory_space<vmem>> -> memref<1x1x40x128xf32, #tpu.memory_space<vmem>>
      %dma_wait3A_419 = tpu.memref_squeeze %dma_wait3A_418 : memref<1x1x40x128xf32, #tpu.memory_space<vmem>> -> memref<40x128xf32, #tpu.memory_space<vmem>>
      %dma_wait3A_420 = arith.constant 0 : i32
      %dma_wait3A_421 = tpu.memref_slice %arg9[%add3A_411, %dma_wait3A_420] : memref<10112x128xf32, #tpu.memory_space<vmem_shared>> -> memref<40x128xf32, #tpu.memory_space<vmem_shared>>
      %dma_wait3A_422 = tpu.memref_slice %arg10[%dma_wait3A_414, %dma_wait3A_415] : memref<2x2x!tpu.dma_semaphore, #tpu.memory_space<semaphore_mem>> -> memref<1x1x!tpu.dma_semaphore, #tpu.memory_space<semaphore_mem>>
      %dma_wait3A_423 = tpu.memref_squeeze %dma_wait3A_422 : memref<1x1x!tpu.dma_semaphore, #tpu.memory_space<semaphore_mem>> -> memref<!tpu.dma_semaphore, #tpu.memory_space<semaphore_mem>>
      %dma_wait3A_424 = arith.constant 0 : i32
      %dma_wait3A_425 = tpu.memref_slice %arg9[%add3A_411, %dma_wait3A_424] : memref<10112x128xf32, #tpu.memory_space<vmem_shared>> -> memref<40x128xf32, #tpu.memory_space<vmem_shared>>
      %dma_wait3A_426 = arith.constant 0 : i32
      %dma_wait3A_427 = arith.constant 0 : i32
      %dma_wait3A_428 = tpu.memref_slice %arg8[%dma_wait3A_412, %dma_wait3A_413, %dma_wait3A_426, %dma_wait3A_427] : memref<2x2x40x128xf32, #tpu.memory_space<vmem>> -> memref<1x1x40x128xf32, #tpu.memory_space<vmem>>
      %dma_wait3A_429 = tpu.memref_squeeze %dma_wait3A_428 : memref<1x1x40x128xf32, #tpu.memory_space<vmem>> -> memref<40x128xf32, #tpu.memory_space<vmem>>
      tpu.wait_dma2 semaphore(%dma_wait3A_423 : memref<!tpu.dma_semaphore, #tpu.memory_space<semaphore_mem>>) src(%dma_wait3A_429 : memref<40x128xf32, #tpu.memory_space<vmem>>) dst(%dma_wait3A_425 : memref<40x128xf32, #tpu.memory_space<vmem_shared>>)
    }
    %scan3A_100 = arith.constant 15 : i32
    %add3A_101 = arith.constant 600 : i32
    %add3A_102 = arith.addi %mul3A_2, %add3A_101 : i32
    %run_scoped3A = arith.constant 0 : i32
    %run_scoped3A_103 = arith.constant 0 : i32
    "tpu.region"() ({
      %run_scoped3A_404 = tpu.sem_alloc : memref<!tpu.dma_semaphore, #tpu.memory_space<semaphore_mem>>
      %dma_start3A_405 = arith.constant 0 : i32
      %dma_start3A_406 = arith.constant 0 : i32
      %dma_start3A_407 = tpu.memref_slice %arg8[%run_scoped3A, %run_scoped3A_103, %dma_start3A_405, %dma_start3A_406] : memref<2x2x40x128xf32, #tpu.memory_space<vmem>> -> memref<1x1x32x128xf32, #tpu.memory_space<vmem>>
      %dma_start3A_408 = tpu.memref_squeeze %dma_start3A_407 : memref<1x1x32x128xf32, #tpu.memory_space<vmem>> -> memref<32x128xf32, #tpu.memory_space<vmem>>
      %dma_start3A_409 = arith.constant 0 : i32
      %dma_start3A_410 = tpu.memref_slice %arg9[%add3A_102, %dma_start3A_409] : memref<10112x128xf32, #tpu.memory_space<vmem_shared>> -> memref<32x128xf32, #tpu.memory_space<vmem_shared>>
      %dma_start3A_411 = arith.constant 0 : i32
      %dma_start3A_412 = tpu.memref_slice %arg9[%add3A_102, %dma_start3A_411] : memref<10112x128xf32, #tpu.memory_space<vmem_shared>> -> memref<32x128xf32, #tpu.memory_space<vmem_shared>>
      %dma_start3A_413 = arith.constant 0 : i32
      %dma_start3A_414 = arith.constant 0 : i32
      %dma_start3A_415 = tpu.memref_slice %arg8[%run_scoped3A, %run_scoped3A_103, %dma_start3A_413, %dma_start3A_414] : memref<2x2x40x128xf32, #tpu.memory_space<vmem>> -> memref<1x1x32x128xf32, #tpu.memory_space<vmem>>
      %dma_start3A_416 = tpu.memref_squeeze %dma_start3A_415 : memref<1x1x32x128xf32, #tpu.memory_space<vmem>> -> memref<32x128xf32, #tpu.memory_space<vmem>>
      tpu.enqueue_dma source(%dma_start3A_416 : memref<32x128xf32, #tpu.memory_space<vmem>>) target(%dma_start3A_412 : memref<32x128xf32, #tpu.memory_space<vmem_shared>>) target_semaphore(%run_scoped3A_404 : memref<!tpu.dma_semaphore, #tpu.memory_space<semaphore_mem>>)
      %dma_wait3A_417 = arith.constant 0 : i32
      %dma_wait3A_418 = arith.constant 0 : i32
      %dma_wait3A_419 = tpu.memref_slice %arg8[%run_scoped3A, %run_scoped3A_103, %dma_wait3A_417, %dma_wait3A_418] : memref<2x2x40x128xf32, #tpu.memory_space<vmem>> -> memref<1x1x32x128xf32, #tpu.memory_space<vmem>>
      %dma_wait3A_420 = tpu.memref_squeeze %dma_wait3A_419 : memref<1x1x32x128xf32, #tpu.memory_space<vmem>> -> memref<32x128xf32, #tpu.memory_space<vmem>>
      %dma_wait3A_421 = arith.constant 0 : i32
      %dma_wait3A_422 = tpu.memref_slice %arg9[%add3A_102, %dma_wait3A_421] : memref<10112x128xf32, #tpu.memory_space<vmem_shared>> -> memref<32x128xf32, #tpu.memory_space<vmem_shared>>
      %dma_wait3A_423 = arith.constant 0 : i32
      %dma_wait3A_424 = tpu.memref_slice %arg9[%add3A_102, %dma_wait3A_423] : memref<10112x128xf32, #tpu.memory_space<vmem_shared>> -> memref<32x128xf32, #tpu.memory_space<vmem_shared>>
      %dma_wait3A_425 = arith.constant 0 : i32
      %dma_wait3A_426 = arith.constant 0 : i32
      %dma_wait3A_427 = tpu.memref_slice %arg8[%run_scoped3A, %run_scoped3A_103, %dma_wait3A_425, %dma_wait3A_426] : memref<2x2x40x128xf32, #tpu.memory_space<vmem>> -> memref<1x1x32x128xf32, #tpu.memory_space<vmem>>
      %dma_wait3A_428 = tpu.memref_squeeze %dma_wait3A_427 : memref<1x1x32x128xf32, #tpu.memory_space<vmem>> -> memref<32x128xf32, #tpu.memory_space<vmem>>
      tpu.wait_dma2 semaphore(%run_scoped3A_404 : memref<!tpu.dma_semaphore, #tpu.memory_space<semaphore_mem>>) src(%dma_wait3A_428 : memref<32x128xf32, #tpu.memory_space<vmem>>) dst(%dma_wait3A_424 : memref<32x128xf32, #tpu.memory_space<vmem_shared>>)
      tpu.yield
    }) : () -> ()
    %dma_wait3A = arith.constant 0 : i32
    %dma_wait3A_104 = arith.constant 0 : i32
    %dma_wait3A_105 = arith.constant 0 : i32
    %dma_wait3A_106 = arith.constant 0 : i32
    %dma_wait3A_107 = arith.constant 0 : i32
    %dma_wait3A_108 = tpu.memref_slice %arg6[%dma_wait3A_104, %dma_wait3A_106, %dma_wait3A_107] : memref<4x2x40xi32, #tpu.memory_space<vmem>> -> memref<1x2x40xi32, #tpu.memory_space<vmem>>
    %dma_wait3A_109 = tpu.memref_squeeze %dma_wait3A_108 : memref<1x2x40xi32, #tpu.memory_space<vmem>> -> memref<2x40xi32, #tpu.memory_space<vmem>>
    %dma_wait3A_110 = arith.constant 0 : i32
    %dma_wait3A_111 = arith.constant 0 : i32
    %dma_wait3A_112 = tpu.memref_slice %arg3[%add3A, %dma_wait3A, %dma_wait3A_110, %dma_wait3A_111] : memref<32x125x2x40xi32, #tpu.memory_space<hbm>> -> memref<1x1x2x40xi32, #tpu.memory_space<hbm>>
    %dma_wait3A_113 = tpu.memref_squeeze %dma_wait3A_112 : memref<1x1x2x40xi32, #tpu.memory_space<hbm>> -> memref<2x40xi32, #tpu.memory_space<hbm>>
    %dma_wait3A_114 = tpu.memref_slice %arg12[%dma_wait3A_105] : memref<4x!tpu.dma_semaphore, #tpu.memory_space<semaphore_mem>> -> memref<1x!tpu.dma_semaphore, #tpu.memory_space<semaphore_mem>>
    %dma_wait3A_115 = tpu.memref_squeeze %dma_wait3A_114 : memref<1x!tpu.dma_semaphore, #tpu.memory_space<semaphore_mem>> -> memref<!tpu.dma_semaphore, #tpu.memory_space<semaphore_mem>>
    %dma_wait3A_116 = arith.constant 0 : i32
    %dma_wait3A_117 = arith.constant 0 : i32
    %dma_wait3A_118 = tpu.memref_slice %arg6[%dma_wait3A_104, %dma_wait3A_116, %dma_wait3A_117] : memref<4x2x40xi32, #tpu.memory_space<vmem>> -> memref<1x2x40xi32, #tpu.memory_space<vmem>>
    %dma_wait3A_119 = tpu.memref_squeeze %dma_wait3A_118 : memref<1x2x40xi32, #tpu.memory_space<vmem>> -> memref<2x40xi32, #tpu.memory_space<vmem>>
    %dma_wait3A_120 = arith.constant 0 : i32
    %dma_wait3A_121 = arith.constant 0 : i32
    %dma_wait3A_122 = tpu.memref_slice %arg3[%add3A, %dma_wait3A, %dma_wait3A_120, %dma_wait3A_121] : memref<32x125x2x40xi32, #tpu.memory_space<hbm>> -> memref<1x1x2x40xi32, #tpu.memory_space<hbm>>
    %dma_wait3A_123 = tpu.memref_squeeze %dma_wait3A_122 : memref<1x1x2x40xi32, #tpu.memory_space<hbm>> -> memref<2x40xi32, #tpu.memory_space<hbm>>
    tpu.wait_dma2 semaphore(%dma_wait3A_115 : memref<!tpu.dma_semaphore, #tpu.memory_space<semaphore_mem>>) src(%dma_wait3A_123 : memref<2x40xi32, #tpu.memory_space<hbm>>) dst(%dma_wait3A_119 : memref<2x40xi32, #tpu.memory_space<vmem>>)
    %dma_wait3A_124 = arith.constant 0 : i32
    %dma_wait3A_125 = arith.constant 0 : i32
    %dma_wait3A_126 = arith.constant 0 : i32
    %dma_wait3A_127 = arith.constant 0 : i32
    %dma_wait3A_128 = arith.constant 0 : i32
    %dma_wait3A_129 = tpu.memref_slice %arg7[%dma_wait3A_125, %dma_wait3A_127, %dma_wait3A_128] : memref<4x2x40xi32, #tpu.memory_space<vmem>> -> memref<1x2x40xi32, #tpu.memory_space<vmem>>
    %dma_wait3A_130 = tpu.memref_squeeze %dma_wait3A_129 : memref<1x2x40xi32, #tpu.memory_space<vmem>> -> memref<2x40xi32, #tpu.memory_space<vmem>>
    %dma_wait3A_131 = arith.constant 0 : i32
    %dma_wait3A_132 = arith.constant 0 : i32
    %dma_wait3A_133 = tpu.memref_slice %arg4[%add3A, %dma_wait3A_124, %dma_wait3A_131, %dma_wait3A_132] : memref<32x125x2x40xi32, #tpu.memory_space<hbm>> -> memref<1x1x2x40xi32, #tpu.memory_space<hbm>>
    %dma_wait3A_134 = tpu.memref_squeeze %dma_wait3A_133 : memref<1x1x2x40xi32, #tpu.memory_space<hbm>> -> memref<2x40xi32, #tpu.memory_space<hbm>>
    %dma_wait3A_135 = tpu.memref_slice %arg13[%dma_wait3A_126] : memref<4x!tpu.dma_semaphore, #tpu.memory_space<semaphore_mem>> -> memref<1x!tpu.dma_semaphore, #tpu.memory_space<semaphore_mem>>
    %dma_wait3A_136 = tpu.memref_squeeze %dma_wait3A_135 : memref<1x!tpu.dma_semaphore, #tpu.memory_space<semaphore_mem>> -> memref<!tpu.dma_semaphore, #tpu.memory_space<semaphore_mem>>
    %dma_wait3A_137 = arith.constant 0 : i32
    %dma_wait3A_138 = arith.constant 0 : i32
    %dma_wait3A_139 = tpu.memref_slice %arg7[%dma_wait3A_125, %dma_wait3A_137, %dma_wait3A_138] : memref<4x2x40xi32, #tpu.memory_space<vmem>> -> memref<1x2x40xi32, #tpu.memory_space<vmem>>
    %dma_wait3A_140 = tpu.memref_squeeze %dma_wait3A_139 : memref<1x2x40xi32, #tpu.memory_space<vmem>> -> memref<2x40xi32, #tpu.memory_space<vmem>>
    %dma_wait3A_141 = arith.constant 0 : i32
    %dma_wait3A_142 = arith.constant 0 : i32
    %dma_wait3A_143 = tpu.memref_slice %arg4[%add3A, %dma_wait3A_124, %dma_wait3A_141, %dma_wait3A_142] : memref<32x125x2x40xi32, #tpu.memory_space<hbm>> -> memref<1x1x2x40xi32, #tpu.memory_space<hbm>>
    %dma_wait3A_144 = tpu.memref_squeeze %dma_wait3A_143 : memref<1x1x2x40xi32, #tpu.memory_space<hbm>> -> memref<2x40xi32, #tpu.memory_space<hbm>>
    tpu.wait_dma2 semaphore(%dma_wait3A_136 : memref<!tpu.dma_semaphore, #tpu.memory_space<semaphore_mem>>) src(%dma_wait3A_144 : memref<2x40xi32, #tpu.memory_space<hbm>>) dst(%dma_wait3A_140 : memref<2x40xi32, #tpu.memory_space<vmem>>)
    %barrier3A = arith.constant 0 : index
    tpu.barrier barrier_id(%barrier3A)
    %dma_start3A_145 = arith.constant 0 : i32
    %dma_start3A_146 = arith.constant 0 : i32
    %dma_start3A_147 = arith.constant 0 : i32
    %dma_start3A_148 = arith.constant 0 : i32
    %dma_start3A_149 = arith.constant 0 : i32
    %dma_start3A_150 = arith.constant 0 : i32
    %dma_start3A_151 = arith.constant 0 : i32
    %dma_start3A_152 = arith.constant 0 : i32
    %dma_start3A_153 = tpu.memref_slice %arg8[%dma_start3A_147, %dma_start3A_148, %dma_start3A_151, %dma_start3A_152] : memref<2x2x40x128xf32, #tpu.memory_space<vmem>> -> memref<1x1x40x128xf32, #tpu.memory_space<vmem>>
    %dma_start3A_154 = tpu.memref_squeeze %dma_start3A_153 : memref<1x1x40x128xf32, #tpu.memory_space<vmem>> -> memref<40x128xf32, #tpu.memory_space<vmem>>
    %dma_start3A_155 = arith.constant 0 : i32
    %dma_start3A_156 = tpu.memref_slice %arg6[%dma_start3A_145, %dma_start3A_146, %dma_start3A_155] : memref<4x2x40xi32, #tpu.memory_space<vmem>> -> memref<1x1x40xi32, #tpu.memory_space<vmem>>
    %dma_start3A_157 = tpu.memref_squeeze %dma_start3A_156 : memref<1x1x40xi32, #tpu.memory_space<vmem>> -> memref<40xi32, #tpu.memory_space<vmem>>
    %dma_start3A_158 = arith.constant 0 : i32
    %dma_start3A_159 = arith.constant 0 : i32
    %dma_start3A_160 = tpu.memref_slice %arg2[%dma_start3A_158, %dma_start3A_159] : memref<10000x128xf32, #tpu.memory_space<hbm>> -> memref<10000x128xf32, #tpu.memory_space<hbm>>
    %dma_start3A_161 = tpu.memref_slice %arg10[%dma_start3A_149, %dma_start3A_150] : memref<2x2x!tpu.dma_semaphore, #tpu.memory_space<semaphore_mem>> -> memref<1x1x!tpu.dma_semaphore, #tpu.memory_space<semaphore_mem>>
    %dma_start3A_162 = tpu.memref_squeeze %dma_start3A_161 : memref<1x1x!tpu.dma_semaphore, #tpu.memory_space<semaphore_mem>> -> memref<!tpu.dma_semaphore, #tpu.memory_space<semaphore_mem>>
    tpu.enqueue_indirect_dma source(%dma_start3A_160 : memref<10000x128xf32, #tpu.memory_space<hbm>>) target(%dma_start3A_154 : memref<40x128xf32, #tpu.memory_space<vmem>>) offsets(%dma_start3A_157 : memref<40xi32, #tpu.memory_space<vmem>>) semaphore(%dma_start3A_162 : memref<!tpu.dma_semaphore, #tpu.memory_space<semaphore_mem>>)
    %dma_start3A_163 = arith.constant 0 : i32
    %dma_start3A_164 = arith.constant 1 : i32
    %dma_start3A_165 = arith.constant 0 : i32
    %dma_start3A_166 = arith.constant 1 : i32
    %dma_start3A_167 = arith.constant 0 : i32
    %dma_start3A_168 = arith.constant 1 : i32
    %dma_start3A_169 = arith.constant 0 : i32
    %dma_start3A_170 = arith.constant 0 : i32
    %dma_start3A_171 = tpu.memref_slice %arg8[%dma_start3A_165, %dma_start3A_166, %dma_start3A_169, %dma_start3A_170] : memref<2x2x40x128xf32, #tpu.memory_space<vmem>> -> memref<1x1x40x128xf32, #tpu.memory_space<vmem>>
    %dma_start3A_172 = tpu.memref_squeeze %dma_start3A_171 : memref<1x1x40x128xf32, #tpu.memory_space<vmem>> -> memref<40x128xf32, #tpu.memory_space<vmem>>
    %dma_start3A_173 = arith.constant 0 : i32
    %dma_start3A_174 = tpu.memref_slice %arg6[%dma_start3A_163, %dma_start3A_164, %dma_start3A_173] : memref<4x2x40xi32, #tpu.memory_space<vmem>> -> memref<1x1x40xi32, #tpu.memory_space<vmem>>
    %dma_start3A_175 = tpu.memref_squeeze %dma_start3A_174 : memref<1x1x40xi32, #tpu.memory_space<vmem>> -> memref<40xi32, #tpu.memory_space<vmem>>
    %dma_start3A_176 = arith.constant 0 : i32
    %dma_start3A_177 = arith.constant 0 : i32
    %dma_start3A_178 = tpu.memref_slice %arg2[%dma_start3A_176, %dma_start3A_177] : memref<10000x128xf32, #tpu.memory_space<hbm>> -> memref<10000x128xf32, #tpu.memory_space<hbm>>
    %dma_start3A_179 = tpu.memref_slice %arg10[%dma_start3A_167, %dma_start3A_168] : memref<2x2x!tpu.dma_semaphore, #tpu.memory_space<semaphore_mem>> -> memref<1x1x!tpu.dma_semaphore, #tpu.memory_space<semaphore_mem>>
    %dma_start3A_180 = tpu.memref_squeeze %dma_start3A_179 : memref<1x1x!tpu.dma_semaphore, #tpu.memory_space<semaphore_mem>> -> memref<!tpu.dma_semaphore, #tpu.memory_space<semaphore_mem>>
    tpu.enqueue_indirect_dma source(%dma_start3A_178 : memref<10000x128xf32, #tpu.memory_space<hbm>>) target(%dma_start3A_172 : memref<40x128xf32, #tpu.memory_space<vmem>>) offsets(%dma_start3A_175 : memref<40xi32, #tpu.memory_space<vmem>>) semaphore(%dma_start3A_180 : memref<!tpu.dma_semaphore, #tpu.memory_space<semaphore_mem>>)
    %scan3A_181 = arith.constant 0 : i32
    %scan3A_182 = arith.constant 125 : i32
    %scan3A_183 = arith.addi %scan3A_181, %scan3A_182 : i32
    %scan3A_184 = arith.constant 1 : i32
    scf.for %scan3A_404 = %scan3A_181 to %scan3A_183 step %scan3A_184  : i32 {
      %mul3A_405 = arith.constant 1 : i32
      %mul3A_406 = arith.muli %scan3A_404, %mul3A_405 : i32
      %add3A_407 = arith.constant 0 : i32
      %add3A_408 = arith.addi %add3A_407, %mul3A_406 : i32
      %rem3A = arith.constant 2 : i32
      %rem3A_409 = arith.remsi %add3A_408, %rem3A : i32
      %rem3A_410 = arith.constant 4 : i32
      %rem3A_411 = arith.remsi %add3A_408, %rem3A_410 : i32
      %add3A_412 = arith.constant 2 : i32
      %add3A_413 = arith.addi %add3A_408, %add3A_412 : i32
      %lt3A = arith.constant 125 : i32
      %lt3A_414 = arith.cmpi slt, %add3A_413, %lt3A : i32
      %convert_element_type3A = arith.extui %lt3A_414 : i1 to i32
      %cond3A = arith.constant 0 : i32
      %cond3A_415 = arith.cmpi ne, %convert_element_type3A, %cond3A : i32
      scf.if %cond3A_415 {
        %add3A_487 = arith.constant 2 : i32
        %add3A_488 = arith.addi %add3A_408, %add3A_487 : i32
        %rem3A_489 = arith.constant 4 : i32
        %rem3A_490 = arith.remsi %add3A_488, %rem3A_489 : i32
        %add3A_491 = arith.constant 2 : i32
        %add3A_492 = arith.addi %add3A_408, %add3A_491 : i32
        %dma_start3A_493 = arith.constant 0 : i32
        %dma_start3A_494 = arith.constant 0 : i32
        %dma_start3A_495 = tpu.memref_slice %arg6[%rem3A_490, %dma_start3A_493, %dma_start3A_494] : memref<4x2x40xi32, #tpu.memory_space<vmem>> -> memref<1x2x40xi32, #tpu.memory_space<vmem>>
        %dma_start3A_496 = tpu.memref_squeeze %dma_start3A_495 : memref<1x2x40xi32, #tpu.memory_space<vmem>> -> memref<2x40xi32, #tpu.memory_space<vmem>>
        %dma_start3A_497 = arith.constant 0 : i32
        %dma_start3A_498 = arith.constant 0 : i32
        %dma_start3A_499 = tpu.memref_slice %arg3[%add3A, %add3A_492, %dma_start3A_497, %dma_start3A_498] : memref<32x125x2x40xi32, #tpu.memory_space<hbm>> -> memref<1x1x2x40xi32, #tpu.memory_space<hbm>>
        %dma_start3A_500 = tpu.memref_squeeze %dma_start3A_499 : memref<1x1x2x40xi32, #tpu.memory_space<hbm>> -> memref<2x40xi32, #tpu.memory_space<hbm>>
        %dma_start3A_501 = tpu.memref_slice %arg12[%rem3A_490] : memref<4x!tpu.dma_semaphore, #tpu.memory_space<semaphore_mem>> -> memref<1x!tpu.dma_semaphore, #tpu.memory_space<semaphore_mem>>
        %dma_start3A_502 = tpu.memref_squeeze %dma_start3A_501 : memref<1x!tpu.dma_semaphore, #tpu.memory_space<semaphore_mem>> -> memref<!tpu.dma_semaphore, #tpu.memory_space<semaphore_mem>>
        %dma_start3A_503 = arith.constant 0 : i32
        %dma_start3A_504 = arith.constant 0 : i32
        %dma_start3A_505 = tpu.memref_slice %arg6[%rem3A_490, %dma_start3A_503, %dma_start3A_504] : memref<4x2x40xi32, #tpu.memory_space<vmem>> -> memref<1x2x40xi32, #tpu.memory_space<vmem>>
        %dma_start3A_506 = tpu.memref_squeeze %dma_start3A_505 : memref<1x2x40xi32, #tpu.memory_space<vmem>> -> memref<2x40xi32, #tpu.memory_space<vmem>>
        %dma_start3A_507 = arith.constant 0 : i32
        %dma_start3A_508 = arith.constant 0 : i32
        %dma_start3A_509 = tpu.memref_slice %arg3[%add3A, %add3A_492, %dma_start3A_507, %dma_start3A_508] : memref<32x125x2x40xi32, #tpu.memory_space<hbm>> -> memref<1x1x2x40xi32, #tpu.memory_space<hbm>>
        %dma_start3A_510 = tpu.memref_squeeze %dma_start3A_509 : memref<1x1x2x40xi32, #tpu.memory_space<hbm>> -> memref<2x40xi32, #tpu.memory_space<hbm>>
        tpu.enqueue_dma source(%dma_start3A_510 : memref<2x40xi32, #tpu.memory_space<hbm>>) target(%dma_start3A_506 : memref<2x40xi32, #tpu.memory_space<vmem>>) target_semaphore(%dma_start3A_502 : memref<!tpu.dma_semaphore, #tpu.memory_space<semaphore_mem>>)
        %add3A_511 = arith.constant 2 : i32
        %add3A_512 = arith.addi %add3A_408, %add3A_511 : i32
        %dma_start3A_513 = arith.constant 0 : i32
        %dma_start3A_514 = arith.constant 0 : i32
        %dma_start3A_515 = tpu.memref_slice %arg7[%rem3A_490, %dma_start3A_513, %dma_start3A_514] : memref<4x2x40xi32, #tpu.memory_space<vmem>> -> memref<1x2x40xi32, #tpu.memory_space<vmem>>
        %dma_start3A_516 = tpu.memref_squeeze %dma_start3A_515 : memref<1x2x40xi32, #tpu.memory_space<vmem>> -> memref<2x40xi32, #tpu.memory_space<vmem>>
        %dma_start3A_517 = arith.constant 0 : i32
        %dma_start3A_518 = arith.constant 0 : i32
        %dma_start3A_519 = tpu.memref_slice %arg4[%add3A, %add3A_512, %dma_start3A_517, %dma_start3A_518] : memref<32x125x2x40xi32, #tpu.memory_space<hbm>> -> memref<1x1x2x40xi32, #tpu.memory_space<hbm>>
        %dma_start3A_520 = tpu.memref_squeeze %dma_start3A_519 : memref<1x1x2x40xi32, #tpu.memory_space<hbm>> -> memref<2x40xi32, #tpu.memory_space<hbm>>
        %dma_start3A_521 = tpu.memref_slice %arg13[%rem3A_490] : memref<4x!tpu.dma_semaphore, #tpu.memory_space<semaphore_mem>> -> memref<1x!tpu.dma_semaphore, #tpu.memory_space<semaphore_mem>>
        %dma_start3A_522 = tpu.memref_squeeze %dma_start3A_521 : memref<1x!tpu.dma_semaphore, #tpu.memory_space<semaphore_mem>> -> memref<!tpu.dma_semaphore, #tpu.memory_space<semaphore_mem>>
        %dma_start3A_523 = arith.constant 0 : i32
        %dma_start3A_524 = arith.constant 0 : i32
        %dma_start3A_525 = tpu.memref_slice %arg7[%rem3A_490, %dma_start3A_523, %dma_start3A_524] : memref<4x2x40xi32, #tpu.memory_space<vmem>> -> memref<1x2x40xi32, #tpu.memory_space<vmem>>
        %dma_start3A_526 = tpu.memref_squeeze %dma_start3A_525 : memref<1x2x40xi32, #tpu.memory_space<vmem>> -> memref<2x40xi32, #tpu.memory_space<vmem>>
        %dma_start3A_527 = arith.constant 0 : i32
        %dma_start3A_528 = arith.constant 0 : i32
        %dma_start3A_529 = tpu.memref_slice %arg4[%add3A, %add3A_512, %dma_start3A_527, %dma_start3A_528] : memref<32x125x2x40xi32, #tpu.memory_space<hbm>> -> memref<1x1x2x40xi32, #tpu.memory_space<hbm>>
        %dma_start3A_530 = tpu.memref_squeeze %dma_start3A_529 : memref<1x1x2x40xi32, #tpu.memory_space<hbm>> -> memref<2x40xi32, #tpu.memory_space<hbm>>
        tpu.enqueue_dma source(%dma_start3A_530 : memref<2x40xi32, #tpu.memory_space<hbm>>) target(%dma_start3A_526 : memref<2x40xi32, #tpu.memory_space<vmem>>) target_semaphore(%dma_start3A_522 : memref<!tpu.dma_semaphore, #tpu.memory_space<semaphore_mem>>)
      } else {
      }
      %dma_wait3A_416 = arith.constant 0 : i32
      %dma_wait3A_417 = arith.constant 0 : i32
      %dma_wait3A_418 = arith.constant 0 : i32
      %dma_wait3A_419 = arith.constant 0 : i32
      %dma_wait3A_420 = arith.constant 0 : i32
      %dma_wait3A_421 = tpu.memref_slice %arg8[%rem3A_409, %dma_wait3A_417, %dma_wait3A_419, %dma_wait3A_420] : memref<2x2x40x128xf32, #tpu.memory_space<vmem>> -> memref<1x1x40x128xf32, #tpu.memory_space<vmem>>
      %dma_wait3A_422 = tpu.memref_squeeze %dma_wait3A_421 : memref<1x1x40x128xf32, #tpu.memory_space<vmem>> -> memref<40x128xf32, #tpu.memory_space<vmem>>
      %dma_wait3A_423 = arith.constant 0 : i32
      %dma_wait3A_424 = tpu.memref_slice %arg6[%rem3A_411, %dma_wait3A_416, %dma_wait3A_423] : memref<4x2x40xi32, #tpu.memory_space<vmem>> -> memref<1x1x40xi32, #tpu.memory_space<vmem>>
      %dma_wait3A_425 = tpu.memref_squeeze %dma_wait3A_424 : memref<1x1x40xi32, #tpu.memory_space<vmem>> -> memref<40xi32, #tpu.memory_space<vmem>>
      %dma_wait3A_426 = arith.constant 0 : i32
      %dma_wait3A_427 = arith.constant 0 : i32
      %dma_wait3A_428 = tpu.memref_slice %arg2[%dma_wait3A_426, %dma_wait3A_427] : memref<10000x128xf32, #tpu.memory_space<hbm>> -> memref<10000x128xf32, #tpu.memory_space<hbm>>
      %dma_wait3A_429 = tpu.memref_slice %arg10[%rem3A_409, %dma_wait3A_418] : memref<2x2x!tpu.dma_semaphore, #tpu.memory_space<semaphore_mem>> -> memref<1x1x!tpu.dma_semaphore, #tpu.memory_space<semaphore_mem>>
      %dma_wait3A_430 = tpu.memref_squeeze %dma_wait3A_429 : memref<1x1x!tpu.dma_semaphore, #tpu.memory_space<semaphore_mem>> -> memref<!tpu.dma_semaphore, #tpu.memory_space<semaphore_mem>>
      tpu.wait_indirect_dma semaphore(%dma_wait3A_430 : memref<!tpu.dma_semaphore, #tpu.memory_space<semaphore_mem>>) src(%dma_wait3A_428 : memref<10000x128xf32, #tpu.memory_space<hbm>>) dst(%dma_wait3A_422 : memref<40x128xf32, #tpu.memory_space<vmem>>)
      %dma_start3A_431 = arith.constant 0 : i32
      %dma_start3A_432 = arith.constant 0 : i32
      %dma_start3A_433 = arith.constant 0 : i32
      %dma_start3A_434 = arith.constant 0 : i32
      %dma_start3A_435 = arith.constant 0 : i32
      %dma_start3A_436 = tpu.memref_slice %arg8[%rem3A_409, %dma_start3A_431, %dma_start3A_434, %dma_start3A_435] : memref<2x2x40x128xf32, #tpu.memory_space<vmem>> -> memref<1x1x40x128xf32, #tpu.memory_space<vmem>>
      %dma_start3A_437 = tpu.memref_squeeze %dma_start3A_436 : memref<1x1x40x128xf32, #tpu.memory_space<vmem>> -> memref<40x128xf32, #tpu.memory_space<vmem>>
      %dma_start3A_438 = arith.constant 0 : i32
      %dma_start3A_439 = tpu.memref_slice %arg7[%rem3A_411, %dma_start3A_432, %dma_start3A_438] : memref<4x2x40xi32, #tpu.memory_space<vmem>> -> memref<1x1x40xi32, #tpu.memory_space<vmem>>
      %dma_start3A_440 = tpu.memref_squeeze %dma_start3A_439 : memref<1x1x40xi32, #tpu.memory_space<vmem>> -> memref<40xi32, #tpu.memory_space<vmem>>
      %dma_start3A_441 = arith.constant 0 : i32
      %dma_start3A_442 = arith.constant 0 : i32
      %dma_start3A_443 = tpu.memref_slice %arg9[%dma_start3A_441, %dma_start3A_442] : memref<10112x128xf32, #tpu.memory_space<vmem_shared>> -> memref<10112x128xf32, #tpu.memory_space<vmem_shared>>
      %dma_start3A_444 = tpu.memref_slice %arg11[%rem3A_409, %dma_start3A_433] : memref<2x2x!tpu.dma_semaphore, #tpu.memory_space<semaphore_mem>> -> memref<1x1x!tpu.dma_semaphore, #tpu.memory_space<semaphore_mem>>
      %dma_start3A_445 = tpu.memref_squeeze %dma_start3A_444 : memref<1x1x!tpu.dma_semaphore, #tpu.memory_space<semaphore_mem>> -> memref<!tpu.dma_semaphore, #tpu.memory_space<semaphore_mem>>
      tpu.enqueue_indirect_dma source(%dma_start3A_437 : memref<40x128xf32, #tpu.memory_space<vmem>>) target(%dma_start3A_443 : memref<10112x128xf32, #tpu.memory_space<vmem_shared>>) offsets(%dma_start3A_440 : memref<40xi32, #tpu.memory_space<vmem>>) semaphore(%dma_start3A_445 : memref<!tpu.dma_semaphore, #tpu.memory_space<semaphore_mem>>) {add = true}
      %dma_wait3A_446 = arith.constant 1 : i32
      %dma_wait3A_447 = arith.constant 1 : i32
      %dma_wait3A_448 = arith.constant 1 : i32
      %dma_wait3A_449 = arith.constant 0 : i32
      %dma_wait3A_450 = arith.constant 0 : i32
      %dma_wait3A_451 = tpu.memref_slice %arg8[%rem3A_409, %dma_wait3A_447, %dma_wait3A_449, %dma_wait3A_450] : memref<2x2x40x128xf32, #tpu.memory_space<vmem>> -> memref<1x1x40x128xf32, #tpu.memory_space<vmem>>
      %dma_wait3A_452 = tpu.memref_squeeze %dma_wait3A_451 : memref<1x1x40x128xf32, #tpu.memory_space<vmem>> -> memref<40x128xf32, #tpu.memory_space<vmem>>
      %dma_wait3A_453 = arith.constant 0 : i32
      %dma_wait3A_454 = tpu.memref_slice %arg6[%rem3A_411, %dma_wait3A_446, %dma_wait3A_453] : memref<4x2x40xi32, #tpu.memory_space<vmem>> -> memref<1x1x40xi32, #tpu.memory_space<vmem>>
      %dma_wait3A_455 = tpu.memref_squeeze %dma_wait3A_454 : memref<1x1x40xi32, #tpu.memory_space<vmem>> -> memref<40xi32, #tpu.memory_space<vmem>>
      %dma_wait3A_456 = arith.constant 0 : i32
      %dma_wait3A_457 = arith.constant 0 : i32
      %dma_wait3A_458 = tpu.memref_slice %arg2[%dma_wait3A_456, %dma_wait3A_457] : memref<10000x128xf32, #tpu.memory_space<hbm>> -> memref<10000x128xf32, #tpu.memory_space<hbm>>
      %dma_wait3A_459 = tpu.memref_slice %arg10[%rem3A_409, %dma_wait3A_448] : memref<2x2x!tpu.dma_semaphore, #tpu.memory_space<semaphore_mem>> -> memref<1x1x!tpu.dma_semaphore, #tpu.memory_space<semaphore_mem>>
      %dma_wait3A_460 = tpu.memref_squeeze %dma_wait3A_459 : memref<1x1x!tpu.dma_semaphore, #tpu.memory_space<semaphore_mem>> -> memref<!tpu.dma_semaphore, #tpu.memory_space<semaphore_mem>>
      tpu.wait_indirect_dma semaphore(%dma_wait3A_460 : memref<!tpu.dma_semaphore, #tpu.memory_space<semaphore_mem>>) src(%dma_wait3A_458 : memref<10000x128xf32, #tpu.memory_space<hbm>>) dst(%dma_wait3A_452 : memref<40x128xf32, #tpu.memory_space<vmem>>)
      %dma_start3A_461 = arith.constant 1 : i32
      %dma_start3A_462 = arith.constant 1 : i32
      %dma_start3A_463 = arith.constant 1 : i32
      %dma_start3A_464 = arith.constant 0 : i32
      %dma_start3A_465 = arith.constant 0 : i32
      %dma_start3A_466 = tpu.memref_slice %arg8[%rem3A_409, %dma_start3A_461, %dma_start3A_464, %dma_start3A_465] : memref<2x2x40x128xf32, #tpu.memory_space<vmem>> -> memref<1x1x40x128xf32, #tpu.memory_space<vmem>>
      %dma_start3A_467 = tpu.memref_squeeze %dma_start3A_466 : memref<1x1x40x128xf32, #tpu.memory_space<vmem>> -> memref<40x128xf32, #tpu.memory_space<vmem>>
      %dma_start3A_468 = arith.constant 0 : i32
      %dma_start3A_469 = tpu.memref_slice %arg7[%rem3A_411, %dma_start3A_462, %dma_start3A_468] : memref<4x2x40xi32, #tpu.memory_space<vmem>> -> memref<1x1x40xi32, #tpu.memory_space<vmem>>
      %dma_start3A_470 = tpu.memref_squeeze %dma_start3A_469 : memref<1x1x40xi32, #tpu.memory_space<vmem>> -> memref<40xi32, #tpu.memory_space<vmem>>
      %dma_start3A_471 = arith.constant 0 : i32
      %dma_start3A_472 = arith.constant 0 : i32
      %dma_start3A_473 = tpu.memref_slice %arg9[%dma_start3A_471, %dma_start3A_472] : memref<10112x128xf32, #tpu.memory_space<vmem_shared>> -> memref<10112x128xf32, #tpu.memory_space<vmem_shared>>
      %dma_start3A_474 = tpu.memref_slice %arg11[%rem3A_409, %dma_start3A_463] : memref<2x2x!tpu.dma_semaphore, #tpu.memory_space<semaphore_mem>> -> memref<1x1x!tpu.dma_semaphore, #tpu.memory_space<semaphore_mem>>
      %dma_start3A_475 = tpu.memref_squeeze %dma_start3A_474 : memref<1x1x!tpu.dma_semaphore, #tpu.memory_space<semaphore_mem>> -> memref<!tpu.dma_semaphore, #tpu.memory_space<semaphore_mem>>
      tpu.enqueue_indirect_dma source(%dma_start3A_467 : memref<40x128xf32, #tpu.memory_space<vmem>>) target(%dma_start3A_473 : memref<10112x128xf32, #tpu.memory_space<vmem_shared>>) offsets(%dma_start3A_470 : memref<40xi32, #tpu.memory_space<vmem>>) semaphore(%dma_start3A_475 : memref<!tpu.dma_semaphore, #tpu.memory_space<semaphore_mem>>) {add = true}
      %gt3A = arith.constant 0 : i32
      %gt3A_476 = arith.cmpi sgt, %add3A_408, %gt3A : i32
      %convert_element_type3A_477 = arith.extui %gt3A_476 : i1 to i32
      %cond3A_478 = arith.constant 0 : i32
      %cond3A_479 = arith.cmpi ne, %convert_element_type3A_477, %cond3A_478 : i32
      scf.if %cond3A_479 {
        %add3A_487 = arith.constant 1 : i32
        %add3A_488 = arith.addi %add3A_408, %add3A_487 : i32
        %rem3A_489 = arith.constant 2 : i32
        %rem3A_490 = arith.remsi %add3A_488, %rem3A_489 : i32
        %add3A_491 = arith.constant 4 : i32
        %add3A_492 = arith.addi %add3A_408, %add3A_491 : i32
        %sub3A = arith.constant 1 : i32
        %sub3A_493 = arith.subi %add3A_492, %sub3A : i32
        %rem3A_494 = arith.constant 4 : i32
        %rem3A_495 = arith.remsi %sub3A_493, %rem3A_494 : i32
        %dma_wait3A_496 = arith.constant 0 : i32
        %dma_wait3A_497 = arith.constant 0 : i32
        %dma_wait3A_498 = arith.constant 0 : i32
        %dma_wait3A_499 = arith.constant 0 : i32
        %dma_wait3A_500 = arith.constant 0 : i32
        %dma_wait3A_501 = tpu.memref_slice %arg8[%rem3A_490, %dma_wait3A_496, %dma_wait3A_499, %dma_wait3A_500] : memref<2x2x40x128xf32, #tpu.memory_space<vmem>> -> memref<1x1x40x128xf32, #tpu.memory_space<vmem>>
        %dma_wait3A_502 = tpu.memref_squeeze %dma_wait3A_501 : memref<1x1x40x128xf32, #tpu.memory_space<vmem>> -> memref<40x128xf32, #tpu.memory_space<vmem>>
        %dma_wait3A_503 = arith.constant 0 : i32
        %dma_wait3A_504 = tpu.memref_slice %arg7[%rem3A_495, %dma_wait3A_497, %dma_wait3A_503] : memref<4x2x40xi32, #tpu.memory_space<vmem>> -> memref<1x1x40xi32, #tpu.memory_space<vmem>>
        %dma_wait3A_505 = tpu.memref_squeeze %dma_wait3A_504 : memref<1x1x40xi32, #tpu.memory_space<vmem>> -> memref<40xi32, #tpu.memory_space<vmem>>
        %dma_wait3A_506 = arith.constant 0 : i32
        %dma_wait3A_507 = arith.constant 0 : i32
        %dma_wait3A_508 = tpu.memref_slice %arg9[%dma_wait3A_506, %dma_wait3A_507] : memref<10112x128xf32, #tpu.memory_space<vmem_shared>> -> memref<10112x128xf32, #tpu.memory_space<vmem_shared>>
        %dma_wait3A_509 = tpu.memref_slice %arg11[%rem3A_490, %dma_wait3A_498] : memref<2x2x!tpu.dma_semaphore, #tpu.memory_space<semaphore_mem>> -> memref<1x1x!tpu.dma_semaphore, #tpu.memory_space<semaphore_mem>>
        %dma_wait3A_510 = tpu.memref_squeeze %dma_wait3A_509 : memref<1x1x!tpu.dma_semaphore, #tpu.memory_space<semaphore_mem>> -> memref<!tpu.dma_semaphore, #tpu.memory_space<semaphore_mem>>
        tpu.wait_indirect_dma semaphore(%dma_wait3A_510 : memref<!tpu.dma_semaphore, #tpu.memory_space<semaphore_mem>>) src(%dma_wait3A_502 : memref<40x128xf32, #tpu.memory_space<vmem>>) dst(%dma_wait3A_508 : memref<10112x128xf32, #tpu.memory_space<vmem_shared>>)
        %dma_wait3A_511 = arith.constant 1 : i32
        %dma_wait3A_512 = arith.constant 1 : i32
        %dma_wait3A_513 = arith.constant 1 : i32
        %dma_wait3A_514 = arith.constant 0 : i32
        %dma_wait3A_515 = arith.constant 0 : i32
        %dma_wait3A_516 = tpu.memref_slice %arg8[%rem3A_490, %dma_wait3A_511, %dma_wait3A_514, %dma_wait3A_515] : memref<2x2x40x128xf32, #tpu.memory_space<vmem>> -> memref<1x1x40x128xf32, #tpu.memory_space<vmem>>
        %dma_wait3A_517 = tpu.memref_squeeze %dma_wait3A_516 : memref<1x1x40x128xf32, #tpu.memory_space<vmem>> -> memref<40x128xf32, #tpu.memory_space<vmem>>
        %dma_wait3A_518 = arith.constant 0 : i32
        %dma_wait3A_519 = tpu.memref_slice %arg7[%rem3A_495, %dma_wait3A_512, %dma_wait3A_518] : memref<4x2x40xi32, #tpu.memory_space<vmem>> -> memref<1x1x40xi32, #tpu.memory_space<vmem>>
        %dma_wait3A_520 = tpu.memref_squeeze %dma_wait3A_519 : memref<1x1x40xi32, #tpu.memory_space<vmem>> -> memref<40xi32, #tpu.memory_space<vmem>>
        %dma_wait3A_521 = arith.constant 0 : i32
        %dma_wait3A_522 = arith.constant 0 : i32
        %dma_wait3A_523 = tpu.memref_slice %arg9[%dma_wait3A_521, %dma_wait3A_522] : memref<10112x128xf32, #tpu.memory_space<vmem_shared>> -> memref<10112x128xf32, #tpu.memory_space<vmem_shared>>
        %dma_wait3A_524 = tpu.memref_slice %arg11[%rem3A_490, %dma_wait3A_513] : memref<2x2x!tpu.dma_semaphore, #tpu.memory_space<semaphore_mem>> -> memref<1x1x!tpu.dma_semaphore, #tpu.memory_space<semaphore_mem>>
        %dma_wait3A_525 = tpu.memref_squeeze %dma_wait3A_524 : memref<1x1x!tpu.dma_semaphore, #tpu.memory_space<semaphore_mem>> -> memref<!tpu.dma_semaphore, #tpu.memory_space<semaphore_mem>>
        tpu.wait_indirect_dma semaphore(%dma_wait3A_525 : memref<!tpu.dma_semaphore, #tpu.memory_space<semaphore_mem>>) src(%dma_wait3A_517 : memref<40x128xf32, #tpu.memory_space<vmem>>) dst(%dma_wait3A_523 : memref<10112x128xf32, #tpu.memory_space<vmem_shared>>)
      } else {
      }
      %add3A_480 = arith.constant 1 : i32
      %add3A_481 = arith.addi %add3A_408, %add3A_480 : i32
      %lt3A_482 = arith.constant 125 : i32
      %lt3A_483 = arith.cmpi slt, %add3A_481, %lt3A_482 : i32
      %convert_element_type3A_484 = arith.extui %lt3A_483 : i1 to i32
      %cond3A_485 = arith.constant 0 : i32
      %cond3A_486 = arith.cmpi ne, %convert_element_type3A_484, %cond3A_485 : i32
      scf.if %cond3A_486 {
        %add3A_487 = arith.constant 1 : i32
        %add3A_488 = arith.addi %add3A_408, %add3A_487 : i32
        %rem3A_489 = arith.constant 2 : i32
        %rem3A_490 = arith.remsi %add3A_488, %rem3A_489 : i32
        %add3A_491 = arith.constant 1 : i32
        %add3A_492 = arith.addi %add3A_408, %add3A_491 : i32
        %rem3A_493 = arith.constant 4 : i32
        %rem3A_494 = arith.remsi %add3A_492, %rem3A_493 : i32
        %add3A_495 = arith.constant 1 : i32
        %add3A_496 = arith.addi %add3A_408, %add3A_495 : i32
        %dma_wait3A_497 = arith.constant 0 : i32
        %dma_wait3A_498 = arith.constant 0 : i32
        %dma_wait3A_499 = tpu.memref_slice %arg6[%rem3A_494, %dma_wait3A_497, %dma_wait3A_498] : memref<4x2x40xi32, #tpu.memory_space<vmem>> -> memref<1x2x40xi32, #tpu.memory_space<vmem>>
        %dma_wait3A_500 = tpu.memref_squeeze %dma_wait3A_499 : memref<1x2x40xi32, #tpu.memory_space<vmem>> -> memref<2x40xi32, #tpu.memory_space<vmem>>
        %dma_wait3A_501 = arith.constant 0 : i32
        %dma_wait3A_502 = arith.constant 0 : i32
        %dma_wait3A_503 = tpu.memref_slice %arg3[%add3A, %add3A_496, %dma_wait3A_501, %dma_wait3A_502] : memref<32x125x2x40xi32, #tpu.memory_space<hbm>> -> memref<1x1x2x40xi32, #tpu.memory_space<hbm>>
        %dma_wait3A_504 = tpu.memref_squeeze %dma_wait3A_503 : memref<1x1x2x40xi32, #tpu.memory_space<hbm>> -> memref<2x40xi32, #tpu.memory_space<hbm>>
        %dma_wait3A_505 = tpu.memref_slice %arg12[%rem3A_494] : memref<4x!tpu.dma_semaphore, #tpu.memory_space<semaphore_mem>> -> memref<1x!tpu.dma_semaphore, #tpu.memory_space<semaphore_mem>>
        %dma_wait3A_506 = tpu.memref_squeeze %dma_wait3A_505 : memref<1x!tpu.dma_semaphore, #tpu.memory_space<semaphore_mem>> -> memref<!tpu.dma_semaphore, #tpu.memory_space<semaphore_mem>>
        %dma_wait3A_507 = arith.constant 0 : i32
        %dma_wait3A_508 = arith.constant 0 : i32
        %dma_wait3A_509 = tpu.memref_slice %arg6[%rem3A_494, %dma_wait3A_507, %dma_wait3A_508] : memref<4x2x40xi32, #tpu.memory_space<vmem>> -> memref<1x2x40xi32, #tpu.memory_space<vmem>>
        %dma_wait3A_510 = tpu.memref_squeeze %dma_wait3A_509 : memref<1x2x40xi32, #tpu.memory_space<vmem>> -> memref<2x40xi32, #tpu.memory_space<vmem>>
        %dma_wait3A_511 = arith.constant 0 : i32
        %dma_wait3A_512 = arith.constant 0 : i32
        %dma_wait3A_513 = tpu.memref_slice %arg3[%add3A, %add3A_496, %dma_wait3A_511, %dma_wait3A_512] : memref<32x125x2x40xi32, #tpu.memory_space<hbm>> -> memref<1x1x2x40xi32, #tpu.memory_space<hbm>>
        %dma_wait3A_514 = tpu.memref_squeeze %dma_wait3A_513 : memref<1x1x2x40xi32, #tpu.memory_space<hbm>> -> memref<2x40xi32, #tpu.memory_space<hbm>>
        tpu.wait_dma2 semaphore(%dma_wait3A_506 : memref<!tpu.dma_semaphore, #tpu.memory_space<semaphore_mem>>) src(%dma_wait3A_514 : memref<2x40xi32, #tpu.memory_space<hbm>>) dst(%dma_wait3A_510 : memref<2x40xi32, #tpu.memory_space<vmem>>)
        %add3A_515 = arith.constant 1 : i32
        %add3A_516 = arith.addi %add3A_408, %add3A_515 : i32
        %dma_wait3A_517 = arith.constant 0 : i32
        %dma_wait3A_518 = arith.constant 0 : i32
        %dma_wait3A_519 = tpu.memref_slice %arg7[%rem3A_494, %dma_wait3A_517, %dma_wait3A_518] : memref<4x2x40xi32, #tpu.memory_space<vmem>> -> memref<1x2x40xi32, #tpu.memory_space<vmem>>
        %dma_wait3A_520 = tpu.memref_squeeze %dma_wait3A_519 : memref<1x2x40xi32, #tpu.memory_space<vmem>> -> memref<2x40xi32, #tpu.memory_space<vmem>>
        %dma_wait3A_521 = arith.constant 0 : i32
        %dma_wait3A_522 = arith.constant 0 : i32
        %dma_wait3A_523 = tpu.memref_slice %arg4[%add3A, %add3A_516, %dma_wait3A_521, %dma_wait3A_522] : memref<32x125x2x40xi32, #tpu.memory_space<hbm>> -> memref<1x1x2x40xi32, #tpu.memory_space<hbm>>
        %dma_wait3A_524 = tpu.memref_squeeze %dma_wait3A_523 : memref<1x1x2x40xi32, #tpu.memory_space<hbm>> -> memref<2x40xi32, #tpu.memory_space<hbm>>
        %dma_wait3A_525 = tpu.memref_slice %arg13[%rem3A_494] : memref<4x!tpu.dma_semaphore, #tpu.memory_space<semaphore_mem>> -> memref<1x!tpu.dma_semaphore, #tpu.memory_space<semaphore_mem>>
        %dma_wait3A_526 = tpu.memref_squeeze %dma_wait3A_525 : memref<1x!tpu.dma_semaphore, #tpu.memory_space<semaphore_mem>> -> memref<!tpu.dma_semaphore, #tpu.memory_space<semaphore_mem>>
        %dma_wait3A_527 = arith.constant 0 : i32
        %dma_wait3A_528 = arith.constant 0 : i32
        %dma_wait3A_529 = tpu.memref_slice %arg7[%rem3A_494, %dma_wait3A_527, %dma_wait3A_528] : memref<4x2x40xi32, #tpu.memory_space<vmem>> -> memref<1x2x40xi32, #tpu.memory_space<vmem>>
        %dma_wait3A_530 = tpu.memref_squeeze %dma_wait3A_529 : memref<1x2x40xi32, #tpu.memory_space<vmem>> -> memref<2x40xi32, #tpu.memory_space<vmem>>
        %dma_wait3A_531 = arith.constant 0 : i32
        %dma_wait3A_532 = arith.constant 0 : i32
        %dma_wait3A_533 = tpu.memref_slice %arg4[%add3A, %add3A_516, %dma_wait3A_531, %dma_wait3A_532] : memref<32x125x2x40xi32, #tpu.memory_space<hbm>> -> memref<1x1x2x40xi32, #tpu.memory_space<hbm>>
        %dma_wait3A_534 = tpu.memref_squeeze %dma_wait3A_533 : memref<1x1x2x40xi32, #tpu.memory_space<hbm>> -> memref<2x40xi32, #tpu.memory_space<hbm>>
        tpu.wait_dma2 semaphore(%dma_wait3A_526 : memref<!tpu.dma_semaphore, #tpu.memory_space<semaphore_mem>>) src(%dma_wait3A_534 : memref<2x40xi32, #tpu.memory_space<hbm>>) dst(%dma_wait3A_530 : memref<2x40xi32, #tpu.memory_space<vmem>>)
        %dma_start3A_535 = arith.constant 0 : i32
        %dma_start3A_536 = arith.constant 0 : i32
        %dma_start3A_537 = arith.constant 0 : i32
        %dma_start3A_538 = arith.constant 0 : i32
        %dma_start3A_539 = arith.constant 0 : i32
        %dma_start3A_540 = tpu.memref_slice %arg8[%rem3A_490, %dma_start3A_536, %dma_start3A_538, %dma_start3A_539] : memref<2x2x40x128xf32, #tpu.memory_space<vmem>> -> memref<1x1x40x128xf32, #tpu.memory_space<vmem>>
        %dma_start3A_541 = tpu.memref_squeeze %dma_start3A_540 : memref<1x1x40x128xf32, #tpu.memory_space<vmem>> -> memref<40x128xf32, #tpu.memory_space<vmem>>
        %dma_start3A_542 = arith.constant 0 : i32
        %dma_start3A_543 = tpu.memref_slice %arg6[%rem3A_494, %dma_start3A_535, %dma_start3A_542] : memref<4x2x40xi32, #tpu.memory_space<vmem>> -> memref<1x1x40xi32, #tpu.memory_space<vmem>>
        %dma_start3A_544 = tpu.memref_squeeze %dma_start3A_543 : memref<1x1x40xi32, #tpu.memory_space<vmem>> -> memref<40xi32, #tpu.memory_space<vmem>>
        %dma_start3A_545 = arith.constant 0 : i32
        %dma_start3A_546 = arith.constant 0 : i32
        %dma_start3A_547 = tpu.memref_slice %arg2[%dma_start3A_545, %dma_start3A_546] : memref<10000x128xf32, #tpu.memory_space<hbm>> -> memref<10000x128xf32, #tpu.memory_space<hbm>>
        %dma_start3A_548 = tpu.memref_slice %arg10[%rem3A_490, %dma_start3A_537] : memref<2x2x!tpu.dma_semaphore, #tpu.memory_space<semaphore_mem>> -> memref<1x1x!tpu.dma_semaphore, #tpu.memory_space<semaphore_mem>>
        %dma_start3A_549 = tpu.memref_squeeze %dma_start3A_548 : memref<1x1x!tpu.dma_semaphore, #tpu.memory_space<semaphore_mem>> -> memref<!tpu.dma_semaphore, #tpu.memory_space<semaphore_mem>>
        tpu.enqueue_indirect_dma source(%dma_start3A_547 : memref<10000x128xf32, #tpu.memory_space<hbm>>) target(%dma_start3A_541 : memref<40x128xf32, #tpu.memory_space<vmem>>) offsets(%dma_start3A_544 : memref<40xi32, #tpu.memory_space<vmem>>) semaphore(%dma_start3A_549 : memref<!tpu.dma_semaphore, #tpu.memory_space<semaphore_mem>>)
        %dma_start3A_550 = arith.constant 1 : i32
        %dma_start3A_551 = arith.constant 1 : i32
        %dma_start3A_552 = arith.constant 1 : i32
        %dma_start3A_553 = arith.constant 0 : i32
        %dma_start3A_554 = arith.constant 0 : i32
        %dma_start3A_555 = tpu.memref_slice %arg8[%rem3A_490, %dma_start3A_551, %dma_start3A_553, %dma_start3A_554] : memref<2x2x40x128xf32, #tpu.memory_space<vmem>> -> memref<1x1x40x128xf32, #tpu.memory_space<vmem>>
        %dma_start3A_556 = tpu.memref_squeeze %dma_start3A_555 : memref<1x1x40x128xf32, #tpu.memory_space<vmem>> -> memref<40x128xf32, #tpu.memory_space<vmem>>
        %dma_start3A_557 = arith.constant 0 : i32
        %dma_start3A_558 = tpu.memref_slice %arg6[%rem3A_494, %dma_start3A_550, %dma_start3A_557] : memref<4x2x40xi32, #tpu.memory_space<vmem>> -> memref<1x1x40xi32, #tpu.memory_space<vmem>>
        %dma_start3A_559 = tpu.memref_squeeze %dma_start3A_558 : memref<1x1x40xi32, #tpu.memory_space<vmem>> -> memref<40xi32, #tpu.memory_space<vmem>>
        %dma_start3A_560 = arith.constant 0 : i32
        %dma_start3A_561 = arith.constant 0 : i32
        %dma_start3A_562 = tpu.memref_slice %arg2[%dma_start3A_560, %dma_start3A_561] : memref<10000x128xf32, #tpu.memory_space<hbm>> -> memref<10000x128xf32, #tpu.memory_space<hbm>>
        %dma_start3A_563 = tpu.memref_slice %arg10[%rem3A_490, %dma_start3A_552] : memref<2x2x!tpu.dma_semaphore, #tpu.memory_space<semaphore_mem>> -> memref<1x1x!tpu.dma_semaphore, #tpu.memory_space<semaphore_mem>>
        %dma_start3A_564 = tpu.memref_squeeze %dma_start3A_563 : memref<1x1x!tpu.dma_semaphore, #tpu.memory_space<semaphore_mem>> -> memref<!tpu.dma_semaphore, #tpu.memory_space<semaphore_mem>>
        tpu.enqueue_indirect_dma source(%dma_start3A_562 : memref<10000x128xf32, #tpu.memory_space<hbm>>) target(%dma_start3A_556 : memref<40x128xf32, #tpu.memory_space<vmem>>) offsets(%dma_start3A_559 : memref<40xi32, #tpu.memory_space<vmem>>) semaphore(%dma_start3A_564 : memref<!tpu.dma_semaphore, #tpu.memory_space<semaphore_mem>>)
      } else {
      }
    }
    %scan3A_185 = arith.constant 125 : i32
    %dma_wait3A_186 = arith.constant 0 : i32
    %dma_wait3A_187 = arith.constant 0 : i32
    %dma_wait3A_188 = arith.constant 0 : i32
    %dma_wait3A_189 = arith.constant 0 : i32
    %dma_wait3A_190 = arith.constant 0 : i32
    %dma_wait3A_191 = arith.constant 0 : i32
    %dma_wait3A_192 = arith.constant 0 : i32
    %dma_wait3A_193 = arith.constant 0 : i32
    %dma_wait3A_194 = tpu.memref_slice %arg8[%dma_wait3A_186, %dma_wait3A_187, %dma_wait3A_192, %dma_wait3A_193] : memref<2x2x40x128xf32, #tpu.memory_space<vmem>> -> memref<1x1x40x128xf32, #tpu.memory_space<vmem>>
    %dma_wait3A_195 = tpu.memref_squeeze %dma_wait3A_194 : memref<1x1x40x128xf32, #tpu.memory_space<vmem>> -> memref<40x128xf32, #tpu.memory_space<vmem>>
    %dma_wait3A_196 = arith.constant 0 : i32
    %dma_wait3A_197 = tpu.memref_slice %arg7[%dma_wait3A_188, %dma_wait3A_189, %dma_wait3A_196] : memref<4x2x40xi32, #tpu.memory_space<vmem>> -> memref<1x1x40xi32, #tpu.memory_space<vmem>>
    %dma_wait3A_198 = tpu.memref_squeeze %dma_wait3A_197 : memref<1x1x40xi32, #tpu.memory_space<vmem>> -> memref<40xi32, #tpu.memory_space<vmem>>
    %dma_wait3A_199 = arith.constant 0 : i32
    %dma_wait3A_200 = arith.constant 0 : i32
    %dma_wait3A_201 = tpu.memref_slice %arg9[%dma_wait3A_199, %dma_wait3A_200] : memref<10112x128xf32, #tpu.memory_space<vmem_shared>> -> memref<10112x128xf32, #tpu.memory_space<vmem_shared>>
    %dma_wait3A_202 = tpu.memref_slice %arg11[%dma_wait3A_190, %dma_wait3A_191] : memref<2x2x!tpu.dma_semaphore, #tpu.memory_space<semaphore_mem>> -> memref<1x1x!tpu.dma_semaphore, #tpu.memory_space<semaphore_mem>>
    %dma_wait3A_203 = tpu.memref_squeeze %dma_wait3A_202 : memref<1x1x!tpu.dma_semaphore, #tpu.memory_space<semaphore_mem>> -> memref<!tpu.dma_semaphore, #tpu.memory_space<semaphore_mem>>
    tpu.wait_indirect_dma semaphore(%dma_wait3A_203 : memref<!tpu.dma_semaphore, #tpu.memory_space<semaphore_mem>>) src(%dma_wait3A_195 : memref<40x128xf32, #tpu.memory_space<vmem>>) dst(%dma_wait3A_201 : memref<10112x128xf32, #tpu.memory_space<vmem_shared>>)
    %dma_wait3A_204 = arith.constant 0 : i32
    %dma_wait3A_205 = arith.constant 1 : i32
    %dma_wait3A_206 = arith.constant 0 : i32
    %dma_wait3A_207 = arith.constant 1 : i32
    %dma_wait3A_208 = arith.constant 0 : i32
    %dma_wait3A_209 = arith.constant 1 : i32
    %dma_wait3A_210 = arith.constant 0 : i32
    %dma_wait3A_211 = arith.constant 0 : i32
    %dma_wait3A_212 = tpu.memref_slice %arg8[%dma_wait3A_204, %dma_wait3A_205, %dma_wait3A_210, %dma_wait3A_211] : memref<2x2x40x128xf32, #tpu.memory_space<vmem>> -> memref<1x1x40x128xf32, #tpu.memory_space<vmem>>
    %dma_wait3A_213 = tpu.memref_squeeze %dma_wait3A_212 : memref<1x1x40x128xf32, #tpu.memory_space<vmem>> -> memref<40x128xf32, #tpu.memory_space<vmem>>
    %dma_wait3A_214 = arith.constant 0 : i32
    %dma_wait3A_215 = tpu.memref_slice %arg7[%dma_wait3A_206, %dma_wait3A_207, %dma_wait3A_214] : memref<4x2x40xi32, #tpu.memory_space<vmem>> -> memref<1x1x40xi32, #tpu.memory_space<vmem>>
    %dma_wait3A_216 = tpu.memref_squeeze %dma_wait3A_215 : memref<1x1x40xi32, #tpu.memory_space<vmem>> -> memref<40xi32, #tpu.memory_space<vmem>>
    %dma_wait3A_217 = arith.constant 0 : i32
    %dma_wait3A_218 = arith.constant 0 : i32
    %dma_wait3A_219 = tpu.memref_slice %arg9[%dma_wait3A_217, %dma_wait3A_218] : memref<10112x128xf32, #tpu.memory_space<vmem_shared>> -> memref<10112x128xf32, #tpu.memory_space<vmem_shared>>
    %dma_wait3A_220 = tpu.memref_slice %arg11[%dma_wait3A_208, %dma_wait3A_209] : memref<2x2x!tpu.dma_semaphore, #tpu.memory_space<semaphore_mem>> -> memref<1x1x!tpu.dma_semaphore, #tpu.memory_space<semaphore_mem>>
    %dma_wait3A_221 = tpu.memref_squeeze %dma_wait3A_220 : memref<1x1x!tpu.dma_semaphore, #tpu.memory_space<semaphore_mem>> -> memref<!tpu.dma_semaphore, #tpu.memory_space<semaphore_mem>>
    tpu.wait_indirect_dma semaphore(%dma_wait3A_221 : memref<!tpu.dma_semaphore, #tpu.memory_space<semaphore_mem>>) src(%dma_wait3A_213 : memref<40x128xf32, #tpu.memory_space<vmem>>) dst(%dma_wait3A_219 : memref<10112x128xf32, #tpu.memory_space<vmem_shared>>)
    %barrier3A_222 = arith.constant 0 : index
    tpu.barrier barrier_id(%barrier3A_222)
    %add3A_223 = arith.constant 0 : i32
    %add3A_224 = arith.addi %mul3A_2, %add3A_223 : i32
    %dma_start3A_225 = arith.constant 0 : i32
    %dma_start3A_226 = arith.constant 0 : i32
    %dma_start3A_227 = arith.constant 0 : i32
    %dma_start3A_228 = arith.constant 0 : i32
    %dma_start3A_229 = arith.constant 0 : i32
    %dma_start3A_230 = arith.constant 0 : i32
    %dma_start3A_231 = tpu.memref_slice %arg8[%dma_start3A_225, %dma_start3A_226, %dma_start3A_229, %dma_start3A_230] : memref<2x2x40x128xf32, #tpu.memory_space<vmem>> -> memref<1x1x40x128xf32, #tpu.memory_space<vmem>>
    %dma_start3A_232 = tpu.memref_squeeze %dma_start3A_231 : memref<1x1x40x128xf32, #tpu.memory_space<vmem>> -> memref<40x128xf32, #tpu.memory_space<vmem>>
    %dma_start3A_233 = arith.constant 0 : i32
    %dma_start3A_234 = tpu.memref_slice %arg9[%add3A_224, %dma_start3A_233] : memref<10112x128xf32, #tpu.memory_space<vmem_shared>> -> memref<40x128xf32, #tpu.memory_space<vmem_shared>>
    %dma_start3A_235 = tpu.memref_slice %arg11[%dma_start3A_227, %dma_start3A_228] : memref<2x2x!tpu.dma_semaphore, #tpu.memory_space<semaphore_mem>> -> memref<1x1x!tpu.dma_semaphore, #tpu.memory_space<semaphore_mem>>
    %dma_start3A_236 = tpu.memref_squeeze %dma_start3A_235 : memref<1x1x!tpu.dma_semaphore, #tpu.memory_space<semaphore_mem>> -> memref<!tpu.dma_semaphore, #tpu.memory_space<semaphore_mem>>
    %dma_start3A_237 = arith.constant 0 : i32
    %dma_start3A_238 = arith.constant 0 : i32
    %dma_start3A_239 = tpu.memref_slice %arg8[%dma_start3A_225, %dma_start3A_226, %dma_start3A_237, %dma_start3A_238] : memref<2x2x40x128xf32, #tpu.memory_space<vmem>> -> memref<1x1x40x128xf32, #tpu.memory_space<vmem>>
    %dma_start3A_240 = tpu.memref_squeeze %dma_start3A_239 : memref<1x1x40x128xf32, #tpu.memory_space<vmem>> -> memref<40x128xf32, #tpu.memory_space<vmem>>
    %dma_start3A_241 = arith.constant 0 : i32
    %dma_start3A_242 = tpu.memref_slice %arg9[%add3A_224, %dma_start3A_241] : memref<10112x128xf32, #tpu.memory_space<vmem_shared>> -> memref<40x128xf32, #tpu.memory_space<vmem_shared>>
    tpu.enqueue_dma source(%dma_start3A_242 : memref<40x128xf32, #tpu.memory_space<vmem_shared>>) target(%dma_start3A_240 : memref<40x128xf32, #tpu.memory_space<vmem>>) target_semaphore(%dma_start3A_236 : memref<!tpu.dma_semaphore, #tpu.memory_space<semaphore_mem>>)
    %add3A_243 = arith.constant 40 : i32
    %add3A_244 = arith.addi %mul3A_2, %add3A_243 : i32
    %dma_start3A_245 = arith.constant 0 : i32
    %dma_start3A_246 = arith.constant 1 : i32
    %dma_start3A_247 = arith.constant 0 : i32
    %dma_start3A_248 = arith.constant 1 : i32
    %dma_start3A_249 = arith.constant 0 : i32
    %dma_start3A_250 = arith.constant 0 : i32
    %dma_start3A_251 = tpu.memref_slice %arg8[%dma_start3A_245, %dma_start3A_246, %dma_start3A_249, %dma_start3A_250] : memref<2x2x40x128xf32, #tpu.memory_space<vmem>> -> memref<1x1x40x128xf32, #tpu.memory_space<vmem>>
    %dma_start3A_252 = tpu.memref_squeeze %dma_start3A_251 : memref<1x1x40x128xf32, #tpu.memory_space<vmem>> -> memref<40x128xf32, #tpu.memory_space<vmem>>
    %dma_start3A_253 = arith.constant 0 : i32
    %dma_start3A_254 = tpu.memref_slice %arg9[%add3A_244, %dma_start3A_253] : memref<10112x128xf32, #tpu.memory_space<vmem_shared>> -> memref<40x128xf32, #tpu.memory_space<vmem_shared>>
    %dma_start3A_255 = tpu.memref_slice %arg11[%dma_start3A_247, %dma_start3A_248] : memref<2x2x!tpu.dma_semaphore, #tpu.memory_space<semaphore_mem>> -> memref<1x1x!tpu.dma_semaphore, #tpu.memory_space<semaphore_mem>>
    %dma_start3A_256 = tpu.memref_squeeze %dma_start3A_255 : memref<1x1x!tpu.dma_semaphore, #tpu.memory_space<semaphore_mem>> -> memref<!tpu.dma_semaphore, #tpu.memory_space<semaphore_mem>>
    %dma_start3A_257 = arith.constant 0 : i32
    %dma_start3A_258 = arith.constant 0 : i32
    %dma_start3A_259 = tpu.memref_slice %arg8[%dma_start3A_245, %dma_start3A_246, %dma_start3A_257, %dma_start3A_258] : memref<2x2x40x128xf32, #tpu.memory_space<vmem>> -> memref<1x1x40x128xf32, #tpu.memory_space<vmem>>
    %dma_start3A_260 = tpu.memref_squeeze %dma_start3A_259 : memref<1x1x40x128xf32, #tpu.memory_space<vmem>> -> memref<40x128xf32, #tpu.memory_space<vmem>>
    %dma_start3A_261 = arith.constant 0 : i32
    %dma_start3A_262 = tpu.memref_slice %arg9[%add3A_244, %dma_start3A_261] : memref<10112x128xf32, #tpu.memory_space<vmem_shared>> -> memref<40x128xf32, #tpu.memory_space<vmem_shared>>
    tpu.enqueue_dma source(%dma_start3A_262 : memref<40x128xf32, #tpu.memory_space<vmem_shared>>) target(%dma_start3A_260 : memref<40x128xf32, #tpu.memory_space<vmem>>) target_semaphore(%dma_start3A_256 : memref<!tpu.dma_semaphore, #tpu.memory_space<semaphore_mem>>)
    %add3A_263 = arith.constant 80 : i32
    %add3A_264 = arith.addi %mul3A_2, %add3A_263 : i32
    %dma_start3A_265 = arith.constant 1 : i32
    %dma_start3A_266 = arith.constant 0 : i32
    %dma_start3A_267 = arith.constant 1 : i32
    %dma_start3A_268 = arith.constant 0 : i32
    %dma_start3A_269 = arith.constant 0 : i32
    %dma_start3A_270 = arith.constant 0 : i32
    %dma_start3A_271 = tpu.memref_slice %arg8[%dma_start3A_265, %dma_start3A_266, %dma_start3A_269, %dma_start3A_270] : memref<2x2x40x128xf32, #tpu.memory_space<vmem>> -> memref<1x1x40x128xf32, #tpu.memory_space<vmem>>
    %dma_start3A_272 = tpu.memref_squeeze %dma_start3A_271 : memref<1x1x40x128xf32, #tpu.memory_space<vmem>> -> memref<40x128xf32, #tpu.memory_space<vmem>>
    %dma_start3A_273 = arith.constant 0 : i32
    %dma_start3A_274 = tpu.memref_slice %arg9[%add3A_264, %dma_start3A_273] : memref<10112x128xf32, #tpu.memory_space<vmem_shared>> -> memref<40x128xf32, #tpu.memory_space<vmem_shared>>
    %dma_start3A_275 = tpu.memref_slice %arg11[%dma_start3A_267, %dma_start3A_268] : memref<2x2x!tpu.dma_semaphore, #tpu.memory_space<semaphore_mem>> -> memref<1x1x!tpu.dma_semaphore, #tpu.memory_space<semaphore_mem>>
    %dma_start3A_276 = tpu.memref_squeeze %dma_start3A_275 : memref<1x1x!tpu.dma_semaphore, #tpu.memory_space<semaphore_mem>> -> memref<!tpu.dma_semaphore, #tpu.memory_space<semaphore_mem>>
    %dma_start3A_277 = arith.constant 0 : i32
    %dma_start3A_278 = arith.constant 0 : i32
    %dma_start3A_279 = tpu.memref_slice %arg8[%dma_start3A_265, %dma_start3A_266, %dma_start3A_277, %dma_start3A_278] : memref<2x2x40x128xf32, #tpu.memory_space<vmem>> -> memref<1x1x40x128xf32, #tpu.memory_space<vmem>>
    %dma_start3A_280 = tpu.memref_squeeze %dma_start3A_279 : memref<1x1x40x128xf32, #tpu.memory_space<vmem>> -> memref<40x128xf32, #tpu.memory_space<vmem>>
    %dma_start3A_281 = arith.constant 0 : i32
    %dma_start3A_282 = tpu.memref_slice %arg9[%add3A_264, %dma_start3A_281] : memref<10112x128xf32, #tpu.memory_space<vmem_shared>> -> memref<40x128xf32, #tpu.memory_space<vmem_shared>>
    tpu.enqueue_dma source(%dma_start3A_282 : memref<40x128xf32, #tpu.memory_space<vmem_shared>>) target(%dma_start3A_280 : memref<40x128xf32, #tpu.memory_space<vmem>>) target_semaphore(%dma_start3A_276 : memref<!tpu.dma_semaphore, #tpu.memory_space<semaphore_mem>>)
    %add3A_283 = arith.constant 120 : i32
    %add3A_284 = arith.addi %mul3A_2, %add3A_283 : i32
    %dma_start3A_285 = arith.constant 1 : i32
    %dma_start3A_286 = arith.constant 1 : i32
    %dma_start3A_287 = arith.constant 1 : i32
    %dma_start3A_288 = arith.constant 1 : i32
    %dma_start3A_289 = arith.constant 0 : i32
    %dma_start3A_290 = arith.constant 0 : i32
    %dma_start3A_291 = tpu.memref_slice %arg8[%dma_start3A_285, %dma_start3A_286, %dma_start3A_289, %dma_start3A_290] : memref<2x2x40x128xf32, #tpu.memory_space<vmem>> -> memref<1x1x40x128xf32, #tpu.memory_space<vmem>>
    %dma_start3A_292 = tpu.memref_squeeze %dma_start3A_291 : memref<1x1x40x128xf32, #tpu.memory_space<vmem>> -> memref<40x128xf32, #tpu.memory_space<vmem>>
    %dma_start3A_293 = arith.constant 0 : i32
    %dma_start3A_294 = tpu.memref_slice %arg9[%add3A_284, %dma_start3A_293] : memref<10112x128xf32, #tpu.memory_space<vmem_shared>> -> memref<40x128xf32, #tpu.memory_space<vmem_shared>>
    %dma_start3A_295 = tpu.memref_slice %arg11[%dma_start3A_287, %dma_start3A_288] : memref<2x2x!tpu.dma_semaphore, #tpu.memory_space<semaphore_mem>> -> memref<1x1x!tpu.dma_semaphore, #tpu.memory_space<semaphore_mem>>
    %dma_start3A_296 = tpu.memref_squeeze %dma_start3A_295 : memref<1x1x!tpu.dma_semaphore, #tpu.memory_space<semaphore_mem>> -> memref<!tpu.dma_semaphore, #tpu.memory_space<semaphore_mem>>
    %dma_start3A_297 = arith.constant 0 : i32
    %dma_start3A_298 = arith.constant 0 : i32
    %dma_start3A_299 = tpu.memref_slice %arg8[%dma_start3A_285, %dma_start3A_286, %dma_start3A_297, %dma_start3A_298] : memref<2x2x40x128xf32, #tpu.memory_space<vmem>> -> memref<1x1x40x128xf32, #tpu.memory_space<vmem>>
    %dma_start3A_300 = tpu.memref_squeeze %dma_start3A_299 : memref<1x1x40x128xf32, #tpu.memory_space<vmem>> -> memref<40x128xf32, #tpu.memory_space<vmem>>
    %dma_start3A_301 = arith.constant 0 : i32
    %dma_start3A_302 = tpu.memref_slice %arg9[%add3A_284, %dma_start3A_301] : memref<10112x128xf32, #tpu.memory_space<vmem_shared>> -> memref<40x128xf32, #tpu.memory_space<vmem_shared>>
    tpu.enqueue_dma source(%dma_start3A_302 : memref<40x128xf32, #tpu.memory_space<vmem_shared>>) target(%dma_start3A_300 : memref<40x128xf32, #tpu.memory_space<vmem>>) target_semaphore(%dma_start3A_296 : memref<!tpu.dma_semaphore, #tpu.memory_space<semaphore_mem>>)
    %scan3A_303 = arith.constant 0 : i32
    %scan3A_304 = arith.constant 15 : i32
    %scan3A_305 = arith.addi %scan3A_303, %scan3A_304 : i32
    %scan3A_306 = arith.constant 1 : i32
    scf.for %scan3A_404 = %scan3A_303 to %scan3A_305 step %scan3A_306  : i32 {
      %mul3A_405 = arith.constant 1 : i32
      %mul3A_406 = arith.muli %scan3A_404, %mul3A_405 : i32
      %add3A_407 = arith.constant 0 : i32
      %add3A_408 = arith.addi %add3A_407, %mul3A_406 : i32
      %rem3A = arith.constant 4 : i32
      %rem3A_409 = arith.remsi %add3A_408, %rem3A : i32
      %jit3A = arith.constant 2 : i32
      %div3A = arith.divsi %rem3A_409, %jit3A : i32
      %sign3A = arith.constant 0 : i32
      %sign3A_410 = arith.cmpi sgt, %rem3A_409, %sign3A : i32
      %sign3A_411 = arith.extui %sign3A_410 : i1 to i32
      %sign3A_412 = arith.constant 0 : i32
      %sign3A_413 = arith.cmpi slt, %rem3A_409, %sign3A_412 : i32
      %sign3A_414 = arith.extui %sign3A_413 : i1 to i32
      %sign3A_415 = arith.subi %sign3A_411, %sign3A_414 : i32
      %sign3A_416 = arith.constant 0 : i32
      %sign3A_417 = arith.cmpi sgt, %jit3A, %sign3A_416 : i32
      %sign3A_418 = arith.extui %sign3A_417 : i1 to i32
      %sign3A_419 = arith.constant 0 : i32
      %sign3A_420 = arith.cmpi slt, %jit3A, %sign3A_419 : i32
      %sign3A_421 = arith.extui %sign3A_420 : i1 to i32
      %sign3A_422 = arith.subi %sign3A_418, %sign3A_421 : i32
      %ne3A = arith.cmpi ne, %sign3A_415, %sign3A_422 : i32
      %rem3A_423 = arith.remsi %rem3A_409, %jit3A : i32
      %ne3A_424 = arith.constant 0 : i32
      %ne3A_425 = arith.cmpi ne, %rem3A_423, %ne3A_424 : i32
      %and3A = arith.andi %ne3A, %ne3A_425 : i1
      %sub3A = arith.constant 1 : i32
      %sub3A_426 = arith.subi %div3A, %sub3A : i32
      %select_n3A = arith.select %and3A, %sub3A_426, %div3A : i32
      %rem3A_427 = arith.constant 2 : i32
      %rem3A_428 = arith.remsi %rem3A_409, %rem3A_427 : i32
      %mul3A_429 = arith.constant 40 : i32
      %mul3A_430 = arith.muli %add3A_408, %mul3A_429 : i32
      %add3A_431 = arith.addi %mul3A_2, %mul3A_430 : i32
      %dma_wait3A_432 = arith.constant 0 : i32
      %dma_wait3A_433 = arith.constant 0 : i32
      %dma_wait3A_434 = tpu.memref_slice %arg8[%select_n3A, %rem3A_428, %dma_wait3A_432, %dma_wait3A_433] : memref<2x2x40x128xf32, #tpu.memory_space<vmem>> -> memref<1x1x40x128xf32, #tpu.memory_space<vmem>>
      %dma_wait3A_435 = tpu.memref_squeeze %dma_wait3A_434 : memref<1x1x40x128xf32, #tpu.memory_space<vmem>> -> memref<40x128xf32, #tpu.memory_space<vmem>>
      %dma_wait3A_436 = arith.constant 0 : i32
      %dma_wait3A_437 = tpu.memref_slice %arg9[%add3A_431, %dma_wait3A_436] : memref<10112x128xf32, #tpu.memory_space<vmem_shared>> -> memref<40x128xf32, #tpu.memory_space<vmem_shared>>
      %dma_wait3A_438 = tpu.memref_slice %arg11[%select_n3A, %rem3A_428] : memref<2x2x!tpu.dma_semaphore, #tpu.memory_space<semaphore_mem>> -> memref<1x1x!tpu.dma_semaphore, #tpu.memory_space<semaphore_mem>>
      %dma_wait3A_439 = tpu.memref_squeeze %dma_wait3A_438 : memref<1x1x!tpu.dma_semaphore, #tpu.memory_space<semaphore_mem>> -> memref<!tpu.dma_semaphore, #tpu.memory_space<semaphore_mem>>
      %dma_wait3A_440 = arith.constant 0 : i32
      %dma_wait3A_441 = arith.constant 0 : i32
      %dma_wait3A_442 = tpu.memref_slice %arg8[%select_n3A, %rem3A_428, %dma_wait3A_440, %dma_wait3A_441] : memref<2x2x40x128xf32, #tpu.memory_space<vmem>> -> memref<1x1x40x128xf32, #tpu.memory_space<vmem>>
      %dma_wait3A_443 = tpu.memref_squeeze %dma_wait3A_442 : memref<1x1x40x128xf32, #tpu.memory_space<vmem>> -> memref<40x128xf32, #tpu.memory_space<vmem>>
      %dma_wait3A_444 = arith.constant 0 : i32
      %dma_wait3A_445 = tpu.memref_slice %arg9[%add3A_431, %dma_wait3A_444] : memref<10112x128xf32, #tpu.memory_space<vmem_shared>> -> memref<40x128xf32, #tpu.memory_space<vmem_shared>>
      tpu.wait_dma2 semaphore(%dma_wait3A_439 : memref<!tpu.dma_semaphore, #tpu.memory_space<semaphore_mem>>) src(%dma_wait3A_445 : memref<40x128xf32, #tpu.memory_space<vmem_shared>>) dst(%dma_wait3A_443 : memref<40x128xf32, #tpu.memory_space<vmem>>)
      %mul3A_446 = arith.constant 40 : i32
      %mul3A_447 = arith.muli %add3A_408, %mul3A_446 : i32
      %add3A_448 = arith.addi %mul3A_2, %mul3A_447 : i32
      %dma_start3A_449 = arith.constant 0 : i32
      %dma_start3A_450 = arith.constant 0 : i32
      %dma_start3A_451 = tpu.memref_slice %arg8[%select_n3A, %rem3A_428, %dma_start3A_449, %dma_start3A_450] : memref<2x2x40x128xf32, #tpu.memory_space<vmem>> -> memref<1x1x40x128xf32, #tpu.memory_space<vmem>>
      %dma_start3A_452 = tpu.memref_squeeze %dma_start3A_451 : memref<1x1x40x128xf32, #tpu.memory_space<vmem>> -> memref<40x128xf32, #tpu.memory_space<vmem>>
      %dma_start3A_453 = arith.constant 0 : i32
      %dma_start3A_454 = tpu.memref_slice %arg5[%arg0, %add3A_448, %dma_start3A_453] : memref<2x10112x128xf32, #tpu.memory_space<hbm>> -> memref<1x40x128xf32, #tpu.memory_space<hbm>>
      %dma_start3A_455 = tpu.memref_squeeze %dma_start3A_454 : memref<1x40x128xf32, #tpu.memory_space<hbm>> -> memref<40x128xf32, #tpu.memory_space<hbm>>
      %dma_start3A_456 = tpu.memref_slice %arg10[%select_n3A, %rem3A_428] : memref<2x2x!tpu.dma_semaphore, #tpu.memory_space<semaphore_mem>> -> memref<1x1x!tpu.dma_semaphore, #tpu.memory_space<semaphore_mem>>
      %dma_start3A_457 = tpu.memref_squeeze %dma_start3A_456 : memref<1x1x!tpu.dma_semaphore, #tpu.memory_space<semaphore_mem>> -> memref<!tpu.dma_semaphore, #tpu.memory_space<semaphore_mem>>
      %dma_start3A_458 = arith.constant 0 : i32
      %dma_start3A_459 = tpu.memref_slice %arg5[%arg0, %add3A_448, %dma_start3A_458] : memref<2x10112x128xf32, #tpu.memory_space<hbm>> -> memref<1x40x128xf32, #tpu.memory_space<hbm>>
      %dma_start3A_460 = tpu.memref_squeeze %dma_start3A_459 : memref<1x40x128xf32, #tpu.memory_space<hbm>> -> memref<40x128xf32, #tpu.memory_space<hbm>>
      %dma_start3A_461 = arith.constant 0 : i32
      %dma_start3A_462 = arith.constant 0 : i32
      %dma_start3A_463 = tpu.memref_slice %arg8[%select_n3A, %rem3A_428, %dma_start3A_461, %dma_start3A_462] : memref<2x2x40x128xf32, #tpu.memory_space<vmem>> -> memref<1x1x40x128xf32, #tpu.memory_space<vmem>>
      %dma_start3A_464 = tpu.memref_squeeze %dma_start3A_463 : memref<1x1x40x128xf32, #tpu.memory_space<vmem>> -> memref<40x128xf32, #tpu.memory_space<vmem>>
      tpu.enqueue_dma source(%dma_start3A_464 : memref<40x128xf32, #tpu.memory_space<vmem>>) target(%dma_start3A_460 : memref<40x128xf32, #tpu.memory_space<hbm>>) target_semaphore(%dma_start3A_457 : memref<!tpu.dma_semaphore, #tpu.memory_space<semaphore_mem>>)
      %add3A_465 = arith.constant 4 : i32
      %add3A_466 = arith.addi %add3A_408, %add3A_465 : i32
      %lt3A = arith.constant 15 : i32
      %lt3A_467 = arith.cmpi slt, %add3A_466, %lt3A : i32
      %convert_element_type3A = arith.extui %lt3A_467 : i1 to i32
      %cond3A = arith.constant 0 : i32
      %cond3A_468 = arith.cmpi ne, %convert_element_type3A, %cond3A : i32
      scf.if %cond3A_468 {
        %mul3A_469 = arith.constant 40 : i32
        %mul3A_470 = arith.muli %add3A_408, %mul3A_469 : i32
        %add3A_471 = arith.addi %mul3A_2, %mul3A_470 : i32
        %dma_wait3A_472 = arith.constant 0 : i32
        %dma_wait3A_473 = arith.constant 0 : i32
        %dma_wait3A_474 = tpu.memref_slice %arg8[%select_n3A, %rem3A_428, %dma_wait3A_472, %dma_wait3A_473] : memref<2x2x40x128xf32, #tpu.memory_space<vmem>> -> memref<1x1x40x128xf32, #tpu.memory_space<vmem>>
        %dma_wait3A_475 = tpu.memref_squeeze %dma_wait3A_474 : memref<1x1x40x128xf32, #tpu.memory_space<vmem>> -> memref<40x128xf32, #tpu.memory_space<vmem>>
        %dma_wait3A_476 = arith.constant 0 : i32
        %dma_wait3A_477 = tpu.memref_slice %arg5[%arg0, %add3A_471, %dma_wait3A_476] : memref<2x10112x128xf32, #tpu.memory_space<hbm>> -> memref<1x40x128xf32, #tpu.memory_space<hbm>>
        %dma_wait3A_478 = tpu.memref_squeeze %dma_wait3A_477 : memref<1x40x128xf32, #tpu.memory_space<hbm>> -> memref<40x128xf32, #tpu.memory_space<hbm>>
        %dma_wait3A_479 = tpu.memref_slice %arg10[%select_n3A, %rem3A_428] : memref<2x2x!tpu.dma_semaphore, #tpu.memory_space<semaphore_mem>> -> memref<1x1x!tpu.dma_semaphore, #tpu.memory_space<semaphore_mem>>
        %dma_wait3A_480 = tpu.memref_squeeze %dma_wait3A_479 : memref<1x1x!tpu.dma_semaphore, #tpu.memory_space<semaphore_mem>> -> memref<!tpu.dma_semaphore, #tpu.memory_space<semaphore_mem>>
        %dma_wait3A_481 = arith.constant 0 : i32
        %dma_wait3A_482 = tpu.memref_slice %arg5[%arg0, %add3A_471, %dma_wait3A_481] : memref<2x10112x128xf32, #tpu.memory_space<hbm>> -> memref<1x40x128xf32, #tpu.memory_space<hbm>>
        %dma_wait3A_483 = tpu.memref_squeeze %dma_wait3A_482 : memref<1x40x128xf32, #tpu.memory_space<hbm>> -> memref<40x128xf32, #tpu.memory_space<hbm>>
        %dma_wait3A_484 = arith.constant 0 : i32
        %dma_wait3A_485 = arith.constant 0 : i32
        %dma_wait3A_486 = tpu.memref_slice %arg8[%select_n3A, %rem3A_428, %dma_wait3A_484, %dma_wait3A_485] : memref<2x2x40x128xf32, #tpu.memory_space<vmem>> -> memref<1x1x40x128xf32, #tpu.memory_space<vmem>>
        %dma_wait3A_487 = tpu.memref_squeeze %dma_wait3A_486 : memref<1x1x40x128xf32, #tpu.memory_space<vmem>> -> memref<40x128xf32, #tpu.memory_space<vmem>>
        tpu.wait_dma2 semaphore(%dma_wait3A_480 : memref<!tpu.dma_semaphore, #tpu.memory_space<semaphore_mem>>) src(%dma_wait3A_487 : memref<40x128xf32, #tpu.memory_space<vmem>>) dst(%dma_wait3A_483 : memref<40x128xf32, #tpu.memory_space<hbm>>)
        %add3A_488 = arith.constant 4 : i32
        %add3A_489 = arith.addi %add3A_408, %add3A_488 : i32
        %mul3A_490 = arith.constant 40 : i32
        %mul3A_491 = arith.muli %add3A_489, %mul3A_490 : i32
        %add3A_492 = arith.addi %mul3A_2, %mul3A_491 : i32
        %dma_start3A_493 = arith.constant 0 : i32
        %dma_start3A_494 = arith.constant 0 : i32
        %dma_start3A_495 = tpu.memref_slice %arg8[%select_n3A, %rem3A_428, %dma_start3A_493, %dma_start3A_494] : memref<2x2x40x128xf32, #tpu.memory_space<vmem>> -> memref<1x1x40x128xf32, #tpu.memory_space<vmem>>
        %dma_start3A_496 = tpu.memref_squeeze %dma_start3A_495 : memref<1x1x40x128xf32, #tpu.memory_space<vmem>> -> memref<40x128xf32, #tpu.memory_space<vmem>>
        %dma_start3A_497 = arith.constant 0 : i32
        %dma_start3A_498 = tpu.memref_slice %arg9[%add3A_492, %dma_start3A_497] : memref<10112x128xf32, #tpu.memory_space<vmem_shared>> -> memref<40x128xf32, #tpu.memory_space<vmem_shared>>
        %dma_start3A_499 = tpu.memref_slice %arg11[%select_n3A, %rem3A_428] : memref<2x2x!tpu.dma_semaphore, #tpu.memory_space<semaphore_mem>> -> memref<1x1x!tpu.dma_semaphore, #tpu.memory_space<semaphore_mem>>
        %dma_start3A_500 = tpu.memref_squeeze %dma_start3A_499 : memref<1x1x!tpu.dma_semaphore, #tpu.memory_space<semaphore_mem>> -> memref<!tpu.dma_semaphore, #tpu.memory_space<semaphore_mem>>
        %dma_start3A_501 = arith.constant 0 : i32
        %dma_start3A_502 = arith.constant 0 : i32
        %dma_start3A_503 = tpu.memref_slice %arg8[%select_n3A, %rem3A_428, %dma_start3A_501, %dma_start3A_502] : memref<2x2x40x128xf32, #tpu.memory_space<vmem>> -> memref<1x1x40x128xf32, #tpu.memory_space<vmem>>
        %dma_start3A_504 = tpu.memref_squeeze %dma_start3A_503 : memref<1x1x40x128xf32, #tpu.memory_space<vmem>> -> memref<40x128xf32, #tpu.memory_space<vmem>>
        %dma_start3A_505 = arith.constant 0 : i32
        %dma_start3A_506 = tpu.memref_slice %arg9[%add3A_492, %dma_start3A_505] : memref<10112x128xf32, #tpu.memory_space<vmem_shared>> -> memref<40x128xf32, #tpu.memory_space<vmem_shared>>
        tpu.enqueue_dma source(%dma_start3A_506 : memref<40x128xf32, #tpu.memory_space<vmem_shared>>) target(%dma_start3A_504 : memref<40x128xf32, #tpu.memory_space<vmem>>) target_semaphore(%dma_start3A_500 : memref<!tpu.dma_semaphore, #tpu.memory_space<semaphore_mem>>)
      } else {
      }
    }
    %scan3A_307 = arith.constant 15 : i32
    %add3A_308 = arith.constant 440 : i32
    %add3A_309 = arith.addi %mul3A_2, %add3A_308 : i32
    %dma_wait3A_310 = arith.constant 1 : i32
    %dma_wait3A_311 = arith.constant 1 : i32
    %dma_wait3A_312 = arith.constant 1 : i32
    %dma_wait3A_313 = arith.constant 1 : i32
    %dma_wait3A_314 = arith.constant 0 : i32
    %dma_wait3A_315 = arith.constant 0 : i32
    %dma_wait3A_316 = tpu.memref_slice %arg8[%dma_wait3A_310, %dma_wait3A_311, %dma_wait3A_314, %dma_wait3A_315] : memref<2x2x40x128xf32, #tpu.memory_space<vmem>> -> memref<1x1x40x128xf32, #tpu.memory_space<vmem>>
    %dma_wait3A_317 = tpu.memref_squeeze %dma_wait3A_316 : memref<1x1x40x128xf32, #tpu.memory_space<vmem>> -> memref<40x128xf32, #tpu.memory_space<vmem>>
    %dma_wait3A_318 = arith.constant 0 : i32
    %dma_wait3A_319 = tpu.memref_slice %arg5[%arg0, %add3A_309, %dma_wait3A_318] : memref<2x10112x128xf32, #tpu.memory_space<hbm>> -> memref<1x40x128xf32, #tpu.memory_space<hbm>>
    %dma_wait3A_320 = tpu.memref_squeeze %dma_wait3A_319 : memref<1x40x128xf32, #tpu.memory_space<hbm>> -> memref<40x128xf32, #tpu.memory_space<hbm>>
    %dma_wait3A_321 = tpu.memref_slice %arg10[%dma_wait3A_312, %dma_wait3A_313] : memref<2x2x!tpu.dma_semaphore, #tpu.memory_space<semaphore_mem>> -> memref<1x1x!tpu.dma_semaphore, #tpu.memory_space<semaphore_mem>>
    %dma_wait3A_322 = tpu.memref_squeeze %dma_wait3A_321 : memref<1x1x!tpu.dma_semaphore, #tpu.memory_space<semaphore_mem>> -> memref<!tpu.dma_semaphore, #tpu.memory_space<semaphore_mem>>
    %dma_wait3A_323 = arith.constant 0 : i32
    %dma_wait3A_324 = tpu.memref_slice %arg5[%arg0, %add3A_309, %dma_wait3A_323] : memref<2x10112x128xf32, #tpu.memory_space<hbm>> -> memref<1x40x128xf32, #tpu.memory_space<hbm>>
    %dma_wait3A_325 = tpu.memref_squeeze %dma_wait3A_324 : memref<1x40x128xf32, #tpu.memory_space<hbm>> -> memref<40x128xf32, #tpu.memory_space<hbm>>
    %dma_wait3A_326 = arith.constant 0 : i32
    %dma_wait3A_327 = arith.constant 0 : i32
    %dma_wait3A_328 = tpu.memref_slice %arg8[%dma_wait3A_310, %dma_wait3A_311, %dma_wait3A_326, %dma_wait3A_327] : memref<2x2x40x128xf32, #tpu.memory_space<vmem>> -> memref<1x1x40x128xf32, #tpu.memory_space<vmem>>
    %dma_wait3A_329 = tpu.memref_squeeze %dma_wait3A_328 : memref<1x1x40x128xf32, #tpu.memory_space<vmem>> -> memref<40x128xf32, #tpu.memory_space<vmem>>
    tpu.wait_dma2 semaphore(%dma_wait3A_322 : memref<!tpu.dma_semaphore, #tpu.memory_space<semaphore_mem>>) src(%dma_wait3A_329 : memref<40x128xf32, #tpu.memory_space<vmem>>) dst(%dma_wait3A_325 : memref<40x128xf32, #tpu.memory_space<hbm>>)
    %add3A_330 = arith.constant 480 : i32
    %add3A_331 = arith.addi %mul3A_2, %add3A_330 : i32
    %dma_wait3A_332 = arith.constant 0 : i32
    %dma_wait3A_333 = arith.constant 0 : i32
    %dma_wait3A_334 = arith.constant 0 : i32
    %dma_wait3A_335 = arith.constant 0 : i32
    %dma_wait3A_336 = arith.constant 0 : i32
    %dma_wait3A_337 = arith.constant 0 : i32
    %dma_wait3A_338 = tpu.memref_slice %arg8[%dma_wait3A_332, %dma_wait3A_333, %dma_wait3A_336, %dma_wait3A_337] : memref<2x2x40x128xf32, #tpu.memory_space<vmem>> -> memref<1x1x40x128xf32, #tpu.memory_space<vmem>>
    %dma_wait3A_339 = tpu.memref_squeeze %dma_wait3A_338 : memref<1x1x40x128xf32, #tpu.memory_space<vmem>> -> memref<40x128xf32, #tpu.memory_space<vmem>>
    %dma_wait3A_340 = arith.constant 0 : i32
    %dma_wait3A_341 = tpu.memref_slice %arg5[%arg0, %add3A_331, %dma_wait3A_340] : memref<2x10112x128xf32, #tpu.memory_space<hbm>> -> memref<1x40x128xf32, #tpu.memory_space<hbm>>
    %dma_wait3A_342 = tpu.memref_squeeze %dma_wait3A_341 : memref<1x40x128xf32, #tpu.memory_space<hbm>> -> memref<40x128xf32, #tpu.memory_space<hbm>>
    %dma_wait3A_343 = tpu.memref_slice %arg10[%dma_wait3A_334, %dma_wait3A_335] : memref<2x2x!tpu.dma_semaphore, #tpu.memory_space<semaphore_mem>> -> memref<1x1x!tpu.dma_semaphore, #tpu.memory_space<semaphore_mem>>
    %dma_wait3A_344 = tpu.memref_squeeze %dma_wait3A_343 : memref<1x1x!tpu.dma_semaphore, #tpu.memory_space<semaphore_mem>> -> memref<!tpu.dma_semaphore, #tpu.memory_space<semaphore_mem>>
    %dma_wait3A_345 = arith.constant 0 : i32
    %dma_wait3A_346 = tpu.memref_slice %arg5[%arg0, %add3A_331, %dma_wait3A_345] : memref<2x10112x128xf32, #tpu.memory_space<hbm>> -> memref<1x40x128xf32, #tpu.memory_space<hbm>>
    %dma_wait3A_347 = tpu.memref_squeeze %dma_wait3A_346 : memref<1x40x128xf32, #tpu.memory_space<hbm>> -> memref<40x128xf32, #tpu.memory_space<hbm>>
    %dma_wait3A_348 = arith.constant 0 : i32
    %dma_wait3A_349 = arith.constant 0 : i32
    %dma_wait3A_350 = tpu.memref_slice %arg8[%dma_wait3A_332, %dma_wait3A_333, %dma_wait3A_348, %dma_wait3A_349] : memref<2x2x40x128xf32, #tpu.memory_space<vmem>> -> memref<1x1x40x128xf32, #tpu.memory_space<vmem>>
    %dma_wait3A_351 = tpu.memref_squeeze %dma_wait3A_350 : memref<1x1x40x128xf32, #tpu.memory_space<vmem>> -> memref<40x128xf32, #tpu.memory_space<vmem>>
    tpu.wait_dma2 semaphore(%dma_wait3A_344 : memref<!tpu.dma_semaphore, #tpu.memory_space<semaphore_mem>>) src(%dma_wait3A_351 : memref<40x128xf32, #tpu.memory_space<vmem>>) dst(%dma_wait3A_347 : memref<40x128xf32, #tpu.memory_space<hbm>>)
    %add3A_352 = arith.constant 520 : i32
    %add3A_353 = arith.addi %mul3A_2, %add3A_352 : i32
    %dma_wait3A_354 = arith.constant 0 : i32
    %dma_wait3A_355 = arith.constant 1 : i32
    %dma_wait3A_356 = arith.constant 0 : i32
    %dma_wait3A_357 = arith.constant 1 : i32
    %dma_wait3A_358 = arith.constant 0 : i32
    %dma_wait3A_359 = arith.constant 0 : i32
    %dma_wait3A_360 = tpu.memref_slice %arg8[%dma_wait3A_354, %dma_wait3A_355, %dma_wait3A_358, %dma_wait3A_359] : memref<2x2x40x128xf32, #tpu.memory_space<vmem>> -> memref<1x1x40x128xf32, #tpu.memory_space<vmem>>
    %dma_wait3A_361 = tpu.memref_squeeze %dma_wait3A_360 : memref<1x1x40x128xf32, #tpu.memory_space<vmem>> -> memref<40x128xf32, #tpu.memory_space<vmem>>
    %dma_wait3A_362 = arith.constant 0 : i32
    %dma_wait3A_363 = tpu.memref_slice %arg5[%arg0, %add3A_353, %dma_wait3A_362] : memref<2x10112x128xf32, #tpu.memory_space<hbm>> -> memref<1x40x128xf32, #tpu.memory_space<hbm>>
    %dma_wait3A_364 = tpu.memref_squeeze %dma_wait3A_363 : memref<1x40x128xf32, #tpu.memory_space<hbm>> -> memref<40x128xf32, #tpu.memory_space<hbm>>
    %dma_wait3A_365 = tpu.memref_slice %arg10[%dma_wait3A_356, %dma_wait3A_357] : memref<2x2x!tpu.dma_semaphore, #tpu.memory_space<semaphore_mem>> -> memref<1x1x!tpu.dma_semaphore, #tpu.memory_space<semaphore_mem>>
    %dma_wait3A_366 = tpu.memref_squeeze %dma_wait3A_365 : memref<1x1x!tpu.dma_semaphore, #tpu.memory_space<semaphore_mem>> -> memref<!tpu.dma_semaphore, #tpu.memory_space<semaphore_mem>>
    %dma_wait3A_367 = arith.constant 0 : i32
    %dma_wait3A_368 = tpu.memref_slice %arg5[%arg0, %add3A_353, %dma_wait3A_367] : memref<2x10112x128xf32, #tpu.memory_space<hbm>> -> memref<1x40x128xf32, #tpu.memory_space<hbm>>
    %dma_wait3A_369 = tpu.memref_squeeze %dma_wait3A_368 : memref<1x40x128xf32, #tpu.memory_space<hbm>> -> memref<40x128xf32, #tpu.memory_space<hbm>>
    %dma_wait3A_370 = arith.constant 0 : i32
    %dma_wait3A_371 = arith.constant 0 : i32
    %dma_wait3A_372 = tpu.memref_slice %arg8[%dma_wait3A_354, %dma_wait3A_355, %dma_wait3A_370, %dma_wait3A_371] : memref<2x2x40x128xf32, #tpu.memory_space<vmem>> -> memref<1x1x40x128xf32, #tpu.memory_space<vmem>>
    %dma_wait3A_373 = tpu.memref_squeeze %dma_wait3A_372 : memref<1x1x40x128xf32, #tpu.memory_space<vmem>> -> memref<40x128xf32, #tpu.memory_space<vmem>>
    tpu.wait_dma2 semaphore(%dma_wait3A_366 : memref<!tpu.dma_semaphore, #tpu.memory_space<semaphore_mem>>) src(%dma_wait3A_373 : memref<40x128xf32, #tpu.memory_space<vmem>>) dst(%dma_wait3A_369 : memref<40x128xf32, #tpu.memory_space<hbm>>)
    %add3A_374 = arith.constant 560 : i32
    %add3A_375 = arith.addi %mul3A_2, %add3A_374 : i32
    %dma_wait3A_376 = arith.constant 1 : i32
    %dma_wait3A_377 = arith.constant 0 : i32
    %dma_wait3A_378 = arith.constant 1 : i32
    %dma_wait3A_379 = arith.constant 0 : i32
    %dma_wait3A_380 = arith.constant 0 : i32
    %dma_wait3A_381 = arith.constant 0 : i32
    %dma_wait3A_382 = tpu.memref_slice %arg8[%dma_wait3A_376, %dma_wait3A_377, %dma_wait3A_380, %dma_wait3A_381] : memref<2x2x40x128xf32, #tpu.memory_space<vmem>> -> memref<1x1x40x128xf32, #tpu.memory_space<vmem>>
    %dma_wait3A_383 = tpu.memref_squeeze %dma_wait3A_382 : memref<1x1x40x128xf32, #tpu.memory_space<vmem>> -> memref<40x128xf32, #tpu.memory_space<vmem>>
    %dma_wait3A_384 = arith.constant 0 : i32
    %dma_wait3A_385 = tpu.memref_slice %arg5[%arg0, %add3A_375, %dma_wait3A_384] : memref<2x10112x128xf32, #tpu.memory_space<hbm>> -> memref<1x40x128xf32, #tpu.memory_space<hbm>>
    %dma_wait3A_386 = tpu.memref_squeeze %dma_wait3A_385 : memref<1x40x128xf32, #tpu.memory_space<hbm>> -> memref<40x128xf32, #tpu.memory_space<hbm>>
    %dma_wait3A_387 = tpu.memref_slice %arg10[%dma_wait3A_378, %dma_wait3A_379] : memref<2x2x!tpu.dma_semaphore, #tpu.memory_space<semaphore_mem>> -> memref<1x1x!tpu.dma_semaphore, #tpu.memory_space<semaphore_mem>>
    %dma_wait3A_388 = tpu.memref_squeeze %dma_wait3A_387 : memref<1x1x!tpu.dma_semaphore, #tpu.memory_space<semaphore_mem>> -> memref<!tpu.dma_semaphore, #tpu.memory_space<semaphore_mem>>
    %dma_wait3A_389 = arith.constant 0 : i32
    %dma_wait3A_390 = tpu.memref_slice %arg5[%arg0, %add3A_375, %dma_wait3A_389] : memref<2x10112x128xf32, #tpu.memory_space<hbm>> -> memref<1x40x128xf32, #tpu.memory_space<hbm>>
    %dma_wait3A_391 = tpu.memref_squeeze %dma_wait3A_390 : memref<1x40x128xf32, #tpu.memory_space<hbm>> -> memref<40x128xf32, #tpu.memory_space<hbm>>
    %dma_wait3A_392 = arith.constant 0 : i32
    %dma_wait3A_393 = arith.constant 0 : i32
    %dma_wait3A_394 = tpu.memref_slice %arg8[%dma_wait3A_376, %dma_wait3A_377, %dma_wait3A_392, %dma_wait3A_393] : memref<2x2x40x128xf32, #tpu.memory_space<vmem>> -> memref<1x1x40x128xf32, #tpu.memory_space<vmem>>
    %dma_wait3A_395 = tpu.memref_squeeze %dma_wait3A_394 : memref<1x1x40x128xf32, #tpu.memory_space<vmem>> -> memref<40x128xf32, #tpu.memory_space<vmem>>
    tpu.wait_dma2 semaphore(%dma_wait3A_388 : memref<!tpu.dma_semaphore, #tpu.memory_space<semaphore_mem>>) src(%dma_wait3A_395 : memref<40x128xf32, #tpu.memory_space<vmem>>) dst(%dma_wait3A_391 : memref<40x128xf32, #tpu.memory_space<hbm>>)
    %add3A_396 = arith.constant 600 : i32
    %add3A_397 = arith.addi %mul3A_2, %add3A_396 : i32
    %run_scoped3A_398 = arith.constant 0 : i32
    %run_scoped3A_399 = arith.constant 0 : i32
    "tpu.region"() ({
      %run_scoped3A_404 = tpu.sem_alloc : memref<!tpu.dma_semaphore, #tpu.memory_space<semaphore_mem>>
      %dma_start3A_405 = arith.constant 0 : i32
      %dma_start3A_406 = arith.constant 0 : i32
      %dma_start3A_407 = tpu.memref_slice %arg8[%run_scoped3A_398, %run_scoped3A_399, %dma_start3A_405, %dma_start3A_406] : memref<2x2x40x128xf32, #tpu.memory_space<vmem>> -> memref<1x1x32x128xf32, #tpu.memory_space<vmem>>
      %dma_start3A_408 = tpu.memref_squeeze %dma_start3A_407 : memref<1x1x32x128xf32, #tpu.memory_space<vmem>> -> memref<32x128xf32, #tpu.memory_space<vmem>>
      %dma_start3A_409 = arith.constant 0 : i32
      %dma_start3A_410 = tpu.memref_slice %arg9[%add3A_397, %dma_start3A_409] : memref<10112x128xf32, #tpu.memory_space<vmem_shared>> -> memref<32x128xf32, #tpu.memory_space<vmem_shared>>
      %dma_start3A_411 = arith.constant 0 : i32
      %dma_start3A_412 = arith.constant 0 : i32
      %dma_start3A_413 = tpu.memref_slice %arg8[%run_scoped3A_398, %run_scoped3A_399, %dma_start3A_411, %dma_start3A_412] : memref<2x2x40x128xf32, #tpu.memory_space<vmem>> -> memref<1x1x32x128xf32, #tpu.memory_space<vmem>>
      %dma_start3A_414 = tpu.memref_squeeze %dma_start3A_413 : memref<1x1x32x128xf32, #tpu.memory_space<vmem>> -> memref<32x128xf32, #tpu.memory_space<vmem>>
      %dma_start3A_415 = arith.constant 0 : i32
      %dma_start3A_416 = tpu.memref_slice %arg9[%add3A_397, %dma_start3A_415] : memref<10112x128xf32, #tpu.memory_space<vmem_shared>> -> memref<32x128xf32, #tpu.memory_space<vmem_shared>>
      tpu.enqueue_dma source(%dma_start3A_416 : memref<32x128xf32, #tpu.memory_space<vmem_shared>>) target(%dma_start3A_414 : memref<32x128xf32, #tpu.memory_space<vmem>>) target_semaphore(%run_scoped3A_404 : memref<!tpu.dma_semaphore, #tpu.memory_space<semaphore_mem>>)
      %dma_wait3A_417 = arith.constant 0 : i32
      %dma_wait3A_418 = arith.constant 0 : i32
      %dma_wait3A_419 = tpu.memref_slice %arg8[%run_scoped3A_398, %run_scoped3A_399, %dma_wait3A_417, %dma_wait3A_418] : memref<2x2x40x128xf32, #tpu.memory_space<vmem>> -> memref<1x1x32x128xf32, #tpu.memory_space<vmem>>
      %dma_wait3A_420 = tpu.memref_squeeze %dma_wait3A_419 : memref<1x1x32x128xf32, #tpu.memory_space<vmem>> -> memref<32x128xf32, #tpu.memory_space<vmem>>
      %dma_wait3A_421 = arith.constant 0 : i32
      %dma_wait3A_422 = tpu.memref_slice %arg9[%add3A_397, %dma_wait3A_421] : memref<10112x128xf32, #tpu.memory_space<vmem_shared>> -> memref<32x128xf32, #tpu.memory_space<vmem_shared>>
      %dma_wait3A_423 = arith.constant 0 : i32
      %dma_wait3A_424 = arith.constant 0 : i32
      %dma_wait3A_425 = tpu.memref_slice %arg8[%run_scoped3A_398, %run_scoped3A_399, %dma_wait3A_423, %dma_wait3A_424] : memref<2x2x40x128xf32, #tpu.memory_space<vmem>> -> memref<1x1x32x128xf32, #tpu.memory_space<vmem>>
      %dma_wait3A_426 = tpu.memref_squeeze %dma_wait3A_425 : memref<1x1x32x128xf32, #tpu.memory_space<vmem>> -> memref<32x128xf32, #tpu.memory_space<vmem>>
      %dma_wait3A_427 = arith.constant 0 : i32
      %dma_wait3A_428 = tpu.memref_slice %arg9[%add3A_397, %dma_wait3A_427] : memref<10112x128xf32, #tpu.memory_space<vmem_shared>> -> memref<32x128xf32, #tpu.memory_space<vmem_shared>>
      tpu.wait_dma2 semaphore(%run_scoped3A_404 : memref<!tpu.dma_semaphore, #tpu.memory_space<semaphore_mem>>) src(%dma_wait3A_428 : memref<32x128xf32, #tpu.memory_space<vmem_shared>>) dst(%dma_wait3A_426 : memref<32x128xf32, #tpu.memory_space<vmem>>)
      tpu.yield
    }) : () -> ()
    %add3A_400 = arith.constant 600 : i32
    %add3A_401 = arith.addi %mul3A_2, %add3A_400 : i32
    %run_scoped3A_402 = arith.constant 0 : i32
    %run_scoped3A_403 = arith.constant 0 : i32
    "tpu.region"() ({
      %run_scoped3A_404 = tpu.sem_alloc : memref<!tpu.dma_semaphore, #tpu.memory_space<semaphore_mem>>
      %dma_start3A_405 = arith.constant 0 : i32
      %dma_start3A_406 = arith.constant 0 : i32
      %dma_start3A_407 = tpu.memref_slice %arg8[%run_scoped3A_402, %run_scoped3A_403, %dma_start3A_405, %dma_start3A_406] : memref<2x2x40x128xf32, #tpu.memory_space<vmem>> -> memref<1x1x32x128xf32, #tpu.memory_space<vmem>>
      %dma_start3A_408 = tpu.memref_squeeze %dma_start3A_407 : memref<1x1x32x128xf32, #tpu.memory_space<vmem>> -> memref<32x128xf32, #tpu.memory_space<vmem>>
      %dma_start3A_409 = arith.constant 0 : i32
      %dma_start3A_410 = tpu.memref_slice %arg5[%arg0, %add3A_401, %dma_start3A_409] : memref<2x10112x128xf32, #tpu.memory_space<hbm>> -> memref<1x32x128xf32, #tpu.memory_space<hbm>>
      %dma_start3A_411 = tpu.memref_squeeze %dma_start3A_410 : memref<1x32x128xf32, #tpu.memory_space<hbm>> -> memref<32x128xf32, #tpu.memory_space<hbm>>
      %dma_start3A_412 = arith.constant 0 : i32
      %dma_start3A_413 = tpu.memref_slice %arg5[%arg0, %add3A_401, %dma_start3A_412] : memref<2x10112x128xf32, #tpu.memory_space<hbm>> -> memref<1x32x128xf32, #tpu.memory_space<hbm>>
      %dma_start3A_414 = tpu.memref_squeeze %dma_start3A_413 : memref<1x32x128xf32, #tpu.memory_space<hbm>> -> memref<32x128xf32, #tpu.memory_space<hbm>>
      %dma_start3A_415 = arith.constant 0 : i32
      %dma_start3A_416 = arith.constant 0 : i32
      %dma_start3A_417 = tpu.memref_slice %arg8[%run_scoped3A_402, %run_scoped3A_403, %dma_start3A_415, %dma_start3A_416] : memref<2x2x40x128xf32, #tpu.memory_space<vmem>> -> memref<1x1x32x128xf32, #tpu.memory_space<vmem>>
      %dma_start3A_418 = tpu.memref_squeeze %dma_start3A_417 : memref<1x1x32x128xf32, #tpu.memory_space<vmem>> -> memref<32x128xf32, #tpu.memory_space<vmem>>
      tpu.enqueue_dma source(%dma_start3A_418 : memref<32x128xf32, #tpu.memory_space<vmem>>) target(%dma_start3A_414 : memref<32x128xf32, #tpu.memory_space<hbm>>) target_semaphore(%run_scoped3A_404 : memref<!tpu.dma_semaphore, #tpu.memory_space<semaphore_mem>>)
      %dma_wait3A_419 = arith.constant 0 : i32
      %dma_wait3A_420 = arith.constant 0 : i32
      %dma_wait3A_421 = tpu.memref_slice %arg8[%run_scoped3A_402, %run_scoped3A_403, %dma_wait3A_419, %dma_wait3A_420] : memref<2x2x40x128xf32, #tpu.memory_space<vmem>> -> memref<1x1x32x128xf32, #tpu.memory_space<vmem>>
      %dma_wait3A_422 = tpu.memref_squeeze %dma_wait3A_421 : memref<1x1x32x128xf32, #tpu.memory_space<vmem>> -> memref<32x128xf32, #tpu.memory_space<vmem>>
      %dma_wait3A_423 = arith.constant 0 : i32
      %dma_wait3A_424 = tpu.memref_slice %arg5[%arg0, %add3A_401, %dma_wait3A_423] : memref<2x10112x128xf32, #tpu.memory_space<hbm>> -> memref<1x32x128xf32, #tpu.memory_space<hbm>>
      %dma_wait3A_425 = tpu.memref_squeeze %dma_wait3A_424 : memref<1x32x128xf32, #tpu.memory_space<hbm>> -> memref<32x128xf32, #tpu.memory_space<hbm>>
      %dma_wait3A_426 = arith.constant 0 : i32
      %dma_wait3A_427 = tpu.memref_slice %arg5[%arg0, %add3A_401, %dma_wait3A_426] : memref<2x10112x128xf32, #tpu.memory_space<hbm>> -> memref<1x32x128xf32, #tpu.memory_space<hbm>>
      %dma_wait3A_428 = tpu.memref_squeeze %dma_wait3A_427 : memref<1x32x128xf32, #tpu.memory_space<hbm>> -> memref<32x128xf32, #tpu.memory_space<hbm>>
      %dma_wait3A_429 = arith.constant 0 : i32
      %dma_wait3A_430 = arith.constant 0 : i32
      %dma_wait3A_431 = tpu.memref_slice %arg8[%run_scoped3A_402, %run_scoped3A_403, %dma_wait3A_429, %dma_wait3A_430] : memref<2x2x40x128xf32, #tpu.memory_space<vmem>> -> memref<1x1x32x128xf32, #tpu.memory_space<vmem>>
      %dma_wait3A_432 = tpu.memref_squeeze %dma_wait3A_431 : memref<1x1x32x128xf32, #tpu.memory_space<vmem>> -> memref<32x128xf32, #tpu.memory_space<vmem>>
      tpu.wait_dma2 semaphore(%run_scoped3A_404 : memref<!tpu.dma_semaphore, #tpu.memory_space<semaphore_mem>>) src(%dma_wait3A_432 : memref<32x128xf32, #tpu.memory_space<vmem>>) dst(%dma_wait3A_428 : memref<32x128xf32, #tpu.memory_space<hbm>>)
      tpu.yield
    }) : () -> ()
    return
  }
}

#map = affine_map<(d0, d1) -> (0, 0)>
#map1 = affine_map<(d0, d1) -> (0, 0, 0, 0)>
#map2 = affine_map<(d0, d1) -> (0, 0, 0)>
module attributes {stable_mosaic.version = 14 : i64} {
  func.func @k(%arg0: i32, %arg1: i32, %arg2: memref<10000x128xf32, #tpu.memory_space<hbm>>, %arg3: memref<32x125x2x40xi32, #tpu.memory_space<hbm>>, %arg4: memref<32x125x2x40xi32, #tpu.memory_space<hbm>>, %arg5: memref<2x10112x128xf32, #tpu.memory_space<hbm>>, %arg6: memref<4x2x40xi32, #tpu.memory_space<vmem>>, %arg7: memref<4x2x40xi32, #tpu.memory_space<vmem>>, %arg8: memref<2x2x40x128xf32, #tpu.memory_space<vmem>>, %arg9: memref<10112x128xf32, #tpu.memory_space<vmem_shared>>, %arg10: memref<2x2x!tpu.dma_semaphore, #tpu.memory_space<semaphore_mem>>, %arg11: memref<2x2x!tpu.dma_semaphore, #tpu.memory_space<semaphore_mem>>, %arg12: memref<4x!tpu.dma_semaphore, #tpu.memory_space<semaphore_mem>>, %arg13: memref<4x!tpu.dma_semaphore, #tpu.memory_space<semaphore_mem>>) attributes {dimension_semantics = [#tpu.dimension_semantics<core_parallel>, #tpu.dimension_semantics<subcore_parallel>], iteration_bounds = array<i64: 2, 16>, scalar_prefetch = 0 : i64, scratch_operands = 8 : i64, tpu.core_type = #tpu.core_type<sc_vector_subcore>, window_params = [{transform_indices = #map}, {transform_indices = #map1}, {transform_indices = #map1}, {transform_indices = #map2}]} {
    %mul3A = arith.constant 16 : i32
    %mul3A_0 = arith.muli %arg0, %mul3A : i32
    %add3A = arith.addi %mul3A_0, %arg1 : i32
    %mul3A_1 = arith.constant 632 : i32
    %mul3A_2 = arith.muli %arg1, %mul3A_1 : i32
    %dma_start3A = arith.constant 0 : i32
    %dma_start3A_3 = arith.constant 0 : i32
    %dma_start3A_4 = arith.constant 0 : i32
    %dma_start3A_5 = arith.constant 0 : i32
    %dma_start3A_6 = arith.constant 0 : i32
    %dma_start3A_7 = tpu.memref_slice %arg6[%dma_start3A_3, %dma_start3A_5, %dma_start3A_6] : memref<4x2x40xi32, #tpu.memory_space<vmem>> -> memref<1x2x40xi32, #tpu.memory_space<vmem>>
    %dma_start3A_8 = tpu.memref_squeeze %dma_start3A_7 : memref<1x2x40xi32, #tpu.memory_space<vmem>> -> memref<2x40xi32, #tpu.memory_space<vmem>>
    %dma_start3A_9 = arith.constant 0 : i32
    %dma_start3A_10 = arith.constant 0 : i32
    %dma_start3A_11 = tpu.memref_slice %arg3[%add3A, %dma_start3A, %dma_start3A_9, %dma_start3A_10] : memref<32x125x2x40xi32, #tpu.memory_space<hbm>> -> memref<1x1x2x40xi32, #tpu.memory_space<hbm>>
    %dma_start3A_12 = tpu.memref_squeeze %dma_start3A_11 : memref<1x1x2x40xi32, #tpu.memory_space<hbm>> -> memref<2x40xi32, #tpu.memory_space<hbm>>
    %dma_start3A_13 = tpu.memref_slice %arg12[%dma_start3A_4] : memref<4x!tpu.dma_semaphore, #tpu.memory_space<semaphore_mem>> -> memref<1x!tpu.dma_semaphore, #tpu.memory_space<semaphore_mem>>
    %dma_start3A_14 = tpu.memref_squeeze %dma_start3A_13 : memref<1x!tpu.dma_semaphore, #tpu.memory_space<semaphore_mem>> -> memref<!tpu.dma_semaphore, #tpu.memory_space<semaphore_mem>>
    %dma_start3A_15 = arith.constant 0 : i32
    %dma_start3A_16 = arith.constant 0 : i32
    %dma_start3A_17 = tpu.memref_slice %arg6[%dma_start3A_3, %dma_start3A_15, %dma_start3A_16] : memref<4x2x40xi32, #tpu.memory_space<vmem>> -> memref<1x2x40xi32, #tpu.memory_space<vmem>>
    %dma_start3A_18 = tpu.memref_squeeze %dma_start3A_17 : memref<1x2x40xi32, #tpu.memory_space<vmem>> -> memref<2x40xi32, #tpu.memory_space<vmem>>
    %dma_start3A_19 = arith.constant 0 : i32
    %dma_start3A_20 = arith.constant 0 : i32
    %dma_start3A_21 = tpu.memref_slice %arg3[%add3A, %dma_start3A, %dma_start3A_19, %dma_start3A_20] : memref<32x125x2x40xi32, #tpu.memory_space<hbm>> -> memref<1x1x2x40xi32, #tpu.memory_space<hbm>>
    %dma_start3A_22 = tpu.memref_squeeze %dma_start3A_21 : memref<1x1x2x40xi32, #tpu.memory_space<hbm>> -> memref<2x40xi32, #tpu.memory_space<hbm>>
    tpu.enqueue_dma source(%dma_start3A_22 : memref<2x40xi32, #tpu.memory_space<hbm>>) target(%dma_start3A_18 : memref<2x40xi32, #tpu.memory_space<vmem>>) target_semaphore(%dma_start3A_14 : memref<!tpu.dma_semaphore, #tpu.memory_space<semaphore_mem>>)
    %dma_start3A_23 = arith.constant 0 : i32
    %dma_start3A_24 = arith.constant 0 : i32
    %dma_start3A_25 = arith.constant 0 : i32
    %dma_start3A_26 = arith.constant 0 : i32
    %dma_start3A_27 = arith.constant 0 : i32
    %dma_start3A_28 = tpu.memref_slice %arg7[%dma_start3A_24, %dma_start3A_26, %dma_start3A_27] : memref<4x2x40xi32, #tpu.memory_space<vmem>> -> memref<1x2x40xi32, #tpu.memory_space<vmem>>
    %dma_start3A_29 = tpu.memref_squeeze %dma_start3A_28 : memref<1x2x40xi32, #tpu.memory_space<vmem>> -> memref<2x40xi32, #tpu.memory_space<vmem>>
    %dma_start3A_30 = arith.constant 0 : i32
    %dma_start3A_31 = arith.constant 0 : i32
    %dma_start3A_32 = tpu.memref_slice %arg4[%add3A, %dma_start3A_23, %dma_start3A_30, %dma_start3A_31] : memref<32x125x2x40xi32, #tpu.memory_space<hbm>> -> memref<1x1x2x40xi32, #tpu.memory_space<hbm>>
    %dma_start3A_33 = tpu.memref_squeeze %dma_start3A_32 : memref<1x1x2x40xi32, #tpu.memory_space<hbm>> -> memref<2x40xi32, #tpu.memory_space<hbm>>
    %dma_start3A_34 = tpu.memref_slice %arg13[%dma_start3A_25] : memref<4x!tpu.dma_semaphore, #tpu.memory_space<semaphore_mem>> -> memref<1x!tpu.dma_semaphore, #tpu.memory_space<semaphore_mem>>
    %dma_start3A_35 = tpu.memref_squeeze %dma_start3A_34 : memref<1x!tpu.dma_semaphore, #tpu.memory_space<semaphore_mem>> -> memref<!tpu.dma_semaphore, #tpu.memory_space<semaphore_mem>>
    %dma_start3A_36 = arith.constant 0 : i32
    %dma_start3A_37 = arith.constant 0 : i32
    %dma_start3A_38 = tpu.memref_slice %arg7[%dma_start3A_24, %dma_start3A_36, %dma_start3A_37] : memref<4x2x40xi32, #tpu.memory_space<vmem>> -> memref<1x2x40xi32, #tpu.memory_space<vmem>>
    %dma_start3A_39 = tpu.memref_squeeze %dma_start3A_38 : memref<1x2x40xi32, #tpu.memory_space<vmem>> -> memref<2x40xi32, #tpu.memory_space<vmem>>
    %dma_start3A_40 = arith.constant 0 : i32
    %dma_start3A_41 = arith.constant 0 : i32
    %dma_start3A_42 = tpu.memref_slice %arg4[%add3A, %dma_start3A_23, %dma_start3A_40, %dma_start3A_41] : memref<32x125x2x40xi32, #tpu.memory_space<hbm>> -> memref<1x1x2x40xi32, #tpu.memory_space<hbm>>
    %dma_start3A_43 = tpu.memref_squeeze %dma_start3A_42 : memref<1x1x2x40xi32, #tpu.memory_space<hbm>> -> memref<2x40xi32, #tpu.memory_space<hbm>>
    tpu.enqueue_dma source(%dma_start3A_43 : memref<2x40xi32, #tpu.memory_space<hbm>>) target(%dma_start3A_39 : memref<2x40xi32, #tpu.memory_space<vmem>>) target_semaphore(%dma_start3A_35 : memref<!tpu.dma_semaphore, #tpu.memory_space<semaphore_mem>>)
    %dma_start3A_44 = arith.constant 1 : i32
    %dma_start3A_45 = arith.constant 1 : i32
    %dma_start3A_46 = arith.constant 1 : i32
    %dma_start3A_47 = arith.constant 0 : i32
    %dma_start3A_48 = arith.constant 0 : i32
    %dma_start3A_49 = tpu.memref_slice %arg6[%dma_start3A_45, %dma_start3A_47, %dma_start3A_48] : memref<4x2x40xi32, #tpu.memory_space<vmem>> -> memref<1x2x40xi32, #tpu.memory_space<vmem>>
    %dma_start3A_50 = tpu.memref_squeeze %dma_start3A_49 : memref<1x2x40xi32, #tpu.memory_space<vmem>> -> memref<2x40xi32, #tpu.memory_space<vmem>>
    %dma_start3A_51 = arith.constant 0 : i32
    %dma_start3A_52 = arith.constant 0 : i32
    %dma_start3A_53 = tpu.memref_slice %arg3[%add3A, %dma_start3A_44, %dma_start3A_51, %dma_start3A_52] : memref<32x125x2x40xi32, #tpu.memory_space<hbm>> -> memref<1x1x2x40xi32, #tpu.memory_space<hbm>>
    %dma_start3A_54 = tpu.memref_squeeze %dma_start3A_53 : memref<1x1x2x40xi32, #tpu.memory_space<hbm>> -> memref<2x40xi32, #tpu.memory_space<hbm>>
    %dma_start3A_55 = tpu.memref_slice %arg12[%dma_start3A_46] : memref<4x!tpu.dma_semaphore, #tpu.memory_space<semaphore_mem>> -> memref<1x!tpu.dma_semaphore, #tpu.memory_space<semaphore_mem>>
    %dma_start3A_56 = tpu.memref_squeeze %dma_start3A_55 : memref<1x!tpu.dma_semaphore, #tpu.memory_space<semaphore_mem>> -> memref<!tpu.dma_semaphore, #tpu.memory_space<semaphore_mem>>
    %dma_start3A_57 = arith.constant 0 : i32
    %dma_start3A_58 = arith.constant 0 : i32
    %dma_start3A_59 = tpu.memref_slice %arg6[%dma_start3A_45, %dma_start3A_57, %dma_start3A_58] : memref<4x2x40xi32, #tpu.memory_space<vmem>> -> memref<1x2x40xi32, #tpu.memory_space<vmem>>
    %dma_start3A_60 = tpu.memref_squeeze %dma_start3A_59 : memref<1x2x40xi32, #tpu.memory_space<vmem>> -> memref<2x40xi32, #tpu.memory_space<vmem>>
    %dma_start3A_61 = arith.constant 0 : i32
    %dma_start3A_62 = arith.constant 0 : i32
    %dma_start3A_63 = tpu.memref_slice %arg3[%add3A, %dma_start3A_44, %dma_start3A_61, %dma_start3A_62] : memref<32x125x2x40xi32, #tpu.memory_space<hbm>> -> memref<1x1x2x40xi32, #tpu.memory_space<hbm>>
    %dma_start3A_64 = tpu.memref_squeeze %dma_start3A_63 : memref<1x1x2x40xi32, #tpu.memory_space<hbm>> -> memref<2x40xi32, #tpu.memory_space<hbm>>
    tpu.enqueue_dma source(%dma_start3A_64 : memref<2x40xi32, #tpu.memory_space<hbm>>) target(%dma_start3A_60 : memref<2x40xi32, #tpu.memory_space<vmem>>) target_semaphore(%dma_start3A_56 : memref<!tpu.dma_semaphore, #tpu.memory_space<semaphore_mem>>)
    %dma_start3A_65 = arith.constant 1 : i32
    %dma_start3A_66 = arith.constant 1 : i32
    %dma_start3A_67 = arith.constant 1 : i32
    %dma_start3A_68 = arith.constant 0 : i32
    %dma_start3A_69 = arith.constant 0 : i32
    %dma_start3A_70 = tpu.memref_slice %arg7[%dma_start3A_66, %dma_start3A_68, %dma_start3A_69] : memref<4x2x40xi32, #tpu.memory_space<vmem>> -> memref<1x2x40xi32, #tpu.memory_space<vmem>>
    %dma_start3A_71 = tpu.memref_squeeze %dma_start3A_70 : memref<1x2x40xi32, #tpu.memory_space<vmem>> -> memref<2x40xi32, #tpu.memory_space<vmem>>
    %dma_start3A_72 = arith.constant 0 : i32
    %dma_start3A_73 = arith.constant 0 : i32
    %dma_start3A_74 = tpu.memref_slice %arg4[%add3A, %dma_start3A_65, %dma_start3A_72, %dma_start3A_73] : memref<32x125x2x40xi32, #tpu.memory_space<hbm>> -> memref<1x1x2x40xi32, #tpu.memory_space<hbm>>
    %dma_start3A_75 = tpu.memref_squeeze %dma_start3A_74 : memref<1x1x2x40xi32, #tpu.memory_space<hbm>> -> memref<2x40xi32, #tpu.memory_space<hbm>>
    %dma_start3A_76 = tpu.memref_slice %arg13[%dma_start3A_67] : memref<4x!tpu.dma_semaphore, #tpu.memory_space<semaphore_mem>> -> memref<1x!tpu.dma_semaphore, #tpu.memory_space<semaphore_mem>>
    %dma_start3A_77 = tpu.memref_squeeze %dma_start3A_76 : memref<1x!tpu.dma_semaphore, #tpu.memory_space<semaphore_mem>> -> memref<!tpu.dma_semaphore, #tpu.memory_space<semaphore_mem>>
    %dma_start3A_78 = arith.constant 0 : i32
    %dma_start3A_79 = arith.constant 0 : i32
    %dma_start3A_80 = tpu.memref_slice %arg7[%dma_start3A_66, %dma_start3A_78, %dma_start3A_79] : memref<4x2x40xi32, #tpu.memory_space<vmem>> -> memref<1x2x40xi32, #tpu.memory_space<vmem>>
    %dma_start3A_81 = tpu.memref_squeeze %dma_start3A_80 : memref<1x2x40xi32, #tpu.memory_space<vmem>> -> memref<2x40xi32, #tpu.memory_space<vmem>>
    %dma_start3A_82 = arith.constant 0 : i32
    %dma_start3A_83 = arith.constant 0 : i32
    %dma_start3A_84 = tpu.memref_slice %arg4[%add3A, %dma_start3A_65, %dma_start3A_82, %dma_start3A_83] : memref<32x125x2x40xi32, #tpu.memory_space<hbm>> -> memref<1x1x2x40xi32, #tpu.memory_space<hbm>>
    %dma_start3A_85 = tpu.memref_squeeze %dma_start3A_84 : memref<1x1x2x40xi32, #tpu.memory_space<hbm>> -> memref<2x40xi32, #tpu.memory_space<hbm>>
    tpu.enqueue_dma source(%dma_start3A_85 : memref<2x40xi32, #tpu.memory_space<hbm>>) target(%dma_start3A_81 : memref<2x40xi32, #tpu.memory_space<vmem>>) target_semaphore(%dma_start3A_77 : memref<!tpu.dma_semaphore, #tpu.memory_space<semaphore_mem>>)
    %broadcast_in_dim3A = arith.constant 0.000000e+00 : f32
    %broadcast_in_dim3A_86 = vector.broadcast %broadcast_in_dim3A : f32 to vector<16xf32>
    %scan3A = arith.constant 0 : i32
    %scan3A_87 = arith.constant 40 : i32
    %scan3A_88 = arith.addi %scan3A, %scan3A_87 : i32
    %scan3A_89 = arith.constant 1 : i32
    scf.for %scan3A_404 = %scan3A to %scan3A_88 step %scan3A_89  : i32 {
      %mul3A_405 = arith.constant 1 : i32
      %mul3A_406 = arith.muli %scan3A_404, %mul3A_405 : i32
      %add3A_407 = arith.constant 0 : i32
      %add3A_408 = arith.addi %add3A_407, %mul3A_406 : i32
      %swap3A = arith.constant 0 : i32
      %swap3A_409 = arith.constant 0 : i32
      %swap3A_410 = arith.index_cast %swap3A : i32 to index
      %swap3A_411 = arith.index_cast %swap3A_409 : i32 to index
      %swap3A_412 = arith.index_cast %add3A_408 : i32 to index
      %swap3A_413 = arith.constant 0 : index
      %swap3A_414 = tpu.vector_load %arg8[%swap3A_410, %swap3A_411, %swap3A_412, %swap3A_413] {strides = array<i32>} : memref<2x2x40x128xf32, #tpu.memory_space<vmem>>, vector<1x1x1x16xf32>,
      %swap3A_415 = vector.shape_cast %swap3A_414 : vector<1x1x1x16xf32> to vector<16xf32>
      %swap3A_416 = vector.shape_cast %broadcast_in_dim3A_86 : vector<16xf32> to vector<1x1x1x16xf32>
      tpu.vector_store %arg8[%swap3A_410, %swap3A_411, %swap3A_412, %swap3A_413], %swap3A_416 {strides = array<i32>} : memref<2x2x40x128xf32, #tpu.memory_space<vmem>>, vector<1x1x1x16xf32>,
      %swap3A_417 = arith.constant 0 : i32
      %swap3A_418 = arith.constant 0 : i32
      %swap3A_419 = arith.index_cast %swap3A_417 : i32 to index
      %swap3A_420 = arith.index_cast %swap3A_418 : i32 to index
      %swap3A_421 = arith.index_cast %add3A_408 : i32 to index
      %swap3A_422 = arith.constant 16 : index
      %swap3A_423 = tpu.vector_load %arg8[%swap3A_419, %swap3A_420, %swap3A_421, %swap3A_422] {strides = array<i32>} : memref<2x2x40x128xf32, #tpu.memory_space<vmem>>, vector<1x1x1x16xf32>,
      %swap3A_424 = vector.shape_cast %swap3A_423 : vector<1x1x1x16xf32> to vector<16xf32>
      %swap3A_425 = vector.shape_cast %broadcast_in_dim3A_86 : vector<16xf32> to vector<1x1x1x16xf32>
      tpu.vector_store %arg8[%swap3A_419, %swap3A_420, %swap3A_421, %swap3A_422], %swap3A_425 {strides = array<i32>} : memref<2x2x40x128xf32, #tpu.memory_space<vmem>>, vector<1x1x1x16xf32>,
      %swap3A_426 = arith.constant 0 : i32
      %swap3A_427 = arith.constant 0 : i32
      %swap3A_428 = arith.index_cast %swap3A_426 : i32 to index
      %swap3A_429 = arith.index_cast %swap3A_427 : i32 to index
      %swap3A_430 = arith.index_cast %add3A_408 : i32 to index
      %swap3A_431 = arith.constant 32 : index
      %swap3A_432 = tpu.vector_load %arg8[%swap3A_428, %swap3A_429, %swap3A_430, %swap3A_431] {strides = array<i32>} : memref<2x2x40x128xf32, #tpu.memory_space<vmem>>, vector<1x1x1x16xf32>,
      %swap3A_433 = vector.shape_cast %swap3A_432 : vector<1x1x1x16xf32> to vector<16xf32>
      %swap3A_434 = vector.shape_cast %broadcast_in_dim3A_86 : vector<16xf32> to vector<1x1x1x16xf32>
      tpu.vector_store %arg8[%swap3A_428, %swap3A_429, %swap3A_430, %swap3A_431], %swap3A_434 {strides = array<i32>} : memref<2x2x40x128xf32, #tpu.memory_space<vmem>>, vector<1x1x1x16xf32>,
      %swap3A_435 = arith.constant 0 : i32
      %swap3A_436 = arith.constant 0 : i32
      %swap3A_437 = arith.index_cast %swap3A_435 : i32 to index
      %swap3A_438 = arith.index_cast %swap3A_436 : i32 to index
      %swap3A_439 = arith.index_cast %add3A_408 : i32 to index
      %swap3A_440 = arith.constant 48 : index
      %swap3A_441 = tpu.vector_load %arg8[%swap3A_437, %swap3A_438, %swap3A_439, %swap3A_440] {strides = array<i32>} : memref<2x2x40x128xf32, #tpu.memory_space<vmem>>, vector<1x1x1x16xf32>,
      %swap3A_442 = vector.shape_cast %swap3A_441 : vector<1x1x1x16xf32> to vector<16xf32>
      %swap3A_443 = vector.shape_cast %broadcast_in_dim3A_86 : vector<16xf32> to vector<1x1x1x16xf32>
      tpu.vector_store %arg8[%swap3A_437, %swap3A_438, %swap3A_439, %swap3A_440], %swap3A_443 {strides = array<i32>} : memref<2x2x40x128xf32, #tpu.memory_space<vmem>>, vector<1x1x1x16xf32>,
      %swap3A_444 = arith.constant 0 : i32
      %swap3A_445 = arith.constant 0 : i32
      %swap3A_446 = arith.index_cast %swap3A_444 : i32 to index
      %swap3A_447 = arith.index_cast %swap3A_445 : i32 to index
      %swap3A_448 = arith.index_cast %add3A_408 : i32 to index
      %swap3A_449 = arith.constant 64 : index
      %swap3A_450 = tpu.vector_load %arg8[%swap3A_446, %swap3A_447, %swap3A_448, %swap3A_449] {strides = array<i32>} : memref<2x2x40x128xf32, #tpu.memory_space<vmem>>, vector<1x1x1x16xf32>,
      %swap3A_451 = vector.shape_cast %swap3A_450 : vector<1x1x1x16xf32> to vector<16xf32>
      %swap3A_452 = vector.shape_cast %broadcast_in_dim3A_86 : vector<16xf32> to vector<1x1x1x16xf32>
      tpu.vector_store %arg8[%swap3A_446, %swap3A_447, %swap3A_448, %swap3A_449], %swap3A_452 {strides = array<i32>} : memref<2x2x40x128xf32, #tpu.memory_space<vmem>>, vector<1x1x1x16xf32>,
      %swap3A_453 = arith.constant 0 : i32
      %swap3A_454 = arith.constant 0 : i32
      %swap3A_455 = arith.index_cast %swap3A_453 : i32 to index
      %swap3A_456 = arith.index_cast %swap3A_454 : i32 to index
      %swap3A_457 = arith.index_cast %add3A_408 : i32 to index
      %swap3A_458 = arith.constant 80 : index
      %swap3A_459 = tpu.vector_load %arg8[%swap3A_455, %swap3A_456, %swap3A_457, %swap3A_458] {strides = array<i32>} : memref<2x2x40x128xf32, #tpu.memory_space<vmem>>, vector<1x1x1x16xf32>,
      %swap3A_460 = vector.shape_cast %swap3A_459 : vector<1x1x1x16xf32> to vector<16xf32>
      %swap3A_461 = vector.shape_cast %broadcast_in_dim3A_86 : vector<16xf32> to vector<1x1x1x16xf32>
      tpu.vector_store %arg8[%swap3A_455, %swap3A_456, %swap3A_457, %swap3A_458], %swap3A_461 {strides = array<i32>} : memref<2x2x40x128xf32, #tpu.memory_space<vmem>>, vector<1x1x1x16xf32>,
      %swap3A_462 = arith.constant 0 : i32
      %swap3A_463 = arith.constant 0 : i32
      %swap3A_464 = arith.index_cast %swap3A_462 : i32 to index
      %swap3A_465 = arith.index_cast %swap3A_463 : i32 to index
      %swap3A_466 = arith.index_cast %add3A_408 : i32 to index
      %swap3A_467 = arith.constant 96 : index
      %swap3A_468 = tpu.vector_load %arg8[%swap3A_464, %swap3A_465, %swap3A_466, %swap3A_467] {strides = array<i32>} : memref<2x2x40x128xf32, #tpu.memory_space<vmem>>, vector<1x1x1x16xf32>,
      %swap3A_469 = vector.shape_cast %swap3A_468 : vector<1x1x1x16xf32> to vector<16xf32>
      %swap3A_470 = vector.shape_cast %broadcast_in_dim3A_86 : vector<16xf32> to vector<1x1x1x16xf32>
      tpu.vector_store %arg8[%swap3A_464, %swap3A_465, %swap3A_466, %swap3A_467], %swap3A_470 {strides = array<i32>} : memref<2x2x40x128xf32, #tpu.memory_space<vmem>>, vector<1x1x1x16xf32>,
      %swap3A_471 = arith.constant 0 : i32
      %swap3A_472 = arith.constant 0 : i32
      %swap3A_473 = arith.index_cast %swap3A_471 : i32 to index
      %swap3A_474 = arith.index_cast %swap3A_472 : i32 to index
      %swap3A_475 = arith.index_cast %add3A_408 : i32 to index
      %swap3A_476 = arith.constant 112 : index
      %swap3A_477 = tpu.vector_load %arg8[%swap3A_473, %swap3A_474, %swap3A_475, %swap3A_476] {strides = array<i32>} : memref<2x2x40x128xf32, #tpu.memory_space<vmem>>, vector<1x1x1x16xf32>,
      %swap3A_478 = vector.shape_cast %swap3A_477 : vector<1x1x1x16xf32> to vector<16xf32>
      %swap3A_479 = vector.shape_cast %broadcast_in_dim3A_86 : vector<16xf32> to vector<1x1x1x16xf32>
      tpu.vector_store %arg8[%swap3A_473, %swap3A_474, %swap3A_475, %swap3A_476], %swap3A_479 {strides = array<i32>} : memref<2x2x40x128xf32, #tpu.memory_space<vmem>>, vector<1x1x1x16xf32>,
    }
    %scan3A_90 = arith.constant 40 : i32
    %scan3A_91 = arith.constant 0 : i32
    %scan3A_92 = arith.constant 15 : i32
    %scan3A_93 = arith.addi %scan3A_91, %scan3A_92 : i32
    %scan3A_94 = arith.constant 1 : i32
    scf.for %scan3A_404 = %scan3A_91 to %scan3A_93 step %scan3A_94  : i32 {
      %mul3A_405 = arith.constant 1 : i32
      %mul3A_406 = arith.muli %scan3A_404, %mul3A_405 : i32
      %add3A_407 = arith.constant 0 : i32
      %add3A_408 = arith.addi %add3A_407, %mul3A_406 : i32
      %mul3A_409 = arith.constant 40 : i32
      %mul3A_410 = arith.muli %add3A_408, %mul3A_409 : i32
      %add3A_411 = arith.addi %mul3A_2, %mul3A_410 : i32
      %dma_start3A_412 = arith.constant 0 : i32
      %dma_start3A_413 = arith.constant 0 : i32
      %dma_start3A_414 = arith.constant 0 : i32
      %dma_start3A_415 = arith.constant 0 : i32
      %dma_start3A_416 = arith.constant 0 : i32
      %dma_start3A_417 = arith.constant 0 : i32
      %dma_start3A_418 = tpu.memref_slice %arg8[%dma_start3A_412, %dma_start3A_413, %dma_start3A_416, %dma_start3A_417] : memref<2x2x40x128xf32, #tpu.memory_space<vmem>> -> memref<1x1x40x128xf32, #tpu.memory_space<vmem>>
      %dma_start3A_419 = tpu.memref_squeeze %dma_start3A_418 : memref<1x1x40x128xf32, #tpu.memory_space<vmem>> -> memref<40x128xf32, #tpu.memory_space<vmem>>
      %dma_start3A_420 = arith.constant 0 : i32
      %dma_start3A_421 = tpu.memref_slice %arg9[%add3A_411, %dma_start3A_420] : memref<10112x128xf32, #tpu.memory_space<vmem_shared>> -> memref<40x128xf32, #tpu.memory_space<vmem_shared>>
      %dma_start3A_422 = tpu.memref_slice %arg10[%dma_start3A_414, %dma_start3A_415] : memref<2x2x!tpu.dma_semaphore, #tpu.memory_space<semaphore_mem>> -> memref<1x1x!tpu.dma_semaphore, #tpu.memory_space<semaphore_mem>>
      %dma_start3A_423 = tpu.memref_squeeze %dma_start3A_422 : memref<1x1x!tpu.dma_semaphore, #tpu.memory_space<semaphore_mem>> -> memref<!tpu.dma_semaphore, #tpu.memory_space<semaphore_mem>>
      %dma_start3A_424 = arith.constant 0 : i32
      %dma_start3A_425 = tpu.memref_slice %arg9[%add3A_411, %dma_start3A_424] : memref<10112x128xf32, #tpu.memory_space<vmem_shared>> -> memref<40x128xf32, #tpu.memory_space<vmem_shared>>
      %dma_start3A_426 = arith.constant 0 : i32
      %dma_start3A_427 = arith.constant 0 : i32
      %dma_start3A_428 = tpu.memref_slice %arg8[%dma_start3A_412, %dma_start3A_413, %dma_start3A_426, %dma_start3A_427] : memref<2x2x40x128xf32, #tpu.memory_space<vmem>> -> memref<1x1x40x128xf32, #tpu.memory_space<vmem>>
      %dma_start3A_429 = tpu.memref_squeeze %dma_start3A_428 : memref<1x1x40x128xf32, #tpu.memory_space<vmem>> -> memref<40x128xf32, #tpu.memory_space<vmem>>
      tpu.enqueue_dma source(%dma_start3A_429 : memref<40x128xf32, #tpu.memory_space<vmem>>) target(%dma_start3A_425 : memref<40x128xf32, #tpu.memory_space<vmem_shared>>) target_semaphore(%dma_start3A_423 : memref<!tpu.dma_semaphore, #tpu.memory_space<semaphore_mem>>)
    }
    %scan3A_95 = arith.constant 15 : i32
    %scan3A_96 = arith.constant 0 : i32
    %scan3A_97 = arith.constant 15 : i32
    %scan3A_98 = arith.addi %scan3A_96, %scan3A_97 : i32
    %scan3A_99 = arith.constant 1 : i32
    scf.for %scan3A_404 = %scan3A_96 to %scan3A_98 step %scan3A_99  : i32 {
      %mul3A_405 = arith.constant 1 : i32
      %mul3A_406 = arith.muli %scan3A_404, %mul3A_405 : i32
      %add3A_407 = arith.constant 0 : i32
      %add3A_408 = arith.addi %add3A_407, %mul3A_406 : i32
      %mul3A_409 = arith.constant 40 : i32
      %mul3A_410 = arith.muli %add3A_408, %mul3A_409 : i32
      %add3A_411 = arith.addi %mul3A_2, %mul3A_410 : i32
      %dma_wait3A_412 = arith.constant 0 : i32
      %dma_wait3A_413 = arith.constant 0 : i32
      %dma_wait3A_414 = arith.constant 0 : i32
      %dma_wait3A_415 = arith.constant 0 : i32
      %dma_wait3A_416 = arith.constant 0 : i32
      %dma_wait3A_417 = arith.constant 0 : i32
      %dma_wait3A_418 = tpu.memref_slice %arg8[%dma_wait3A_412, %dma_wait3A_413, %dma_wait3A_416, %dma_wait3A_417] : memref<2x2x40x128xf32, #tpu.memory_space<vmem>> -> memref<1x1x40x128xf32, #tpu.memory_space<vmem>>
      %dma_wait3A_419 = tpu.memref_squeeze %dma_wait3A_418 : memref<1x1x40x128xf32, #tpu.memory_space<vmem>> -> memref<40x128xf32, #tpu.memory_space<vmem>>
      %dma_wait3A_420 = arith.constant 0 : i32
      %dma_wait3A_421 = tpu.memref_slice %arg9[%add3A_411, %dma_wait3A_420] : memref<10112x128xf32, #tpu.memory_space<vmem_shared>> -> memref<40x128xf32, #tpu.memory_space<vmem_shared>>
      %dma_wait3A_422 = tpu.memref_slice %arg10[%dma_wait3A_414, %dma_wait3A_415] : memref<2x2x!tpu.dma_semaphore, #tpu.memory_space<semaphore_mem>> -> memref<1x1x!tpu.dma_semaphore, #tpu.memory_space<semaphore_mem>>
      %dma_wait3A_423 = tpu.memref_squeeze %dma_wait3A_422 : memref<1x1x!tpu.dma_semaphore, #tpu.memory_space<semaphore_mem>> -> memref<!tpu.dma_semaphore, #tpu.memory_space<semaphore_mem>>
      %dma_wait3A_424 = arith.constant 0 : i32
      %dma_wait3A_425 = tpu.memref_slice %arg9[%add3A_411, %dma_wait3A_424] : memref<10112x128xf32, #tpu.memory_space<vmem_shared>> -> memref<40x128xf32, #tpu.memory_space<vmem_shared>>
      %dma_wait3A_426 = arith.constant 0 : i32
      %dma_wait3A_427 = arith.constant 0 : i32
      %dma_wait3A_428 = tpu.memref_slice %arg8[%dma_wait3A_412, %dma_wait3A_413, %dma_wait3A_426, %dma_wait3A_427] : memref<2x2x40x128xf32, #tpu.memory_space<vmem>> -> memref<1x1x40x128xf32, #tpu.memory_space<vmem>>
      %dma_wait3A_429 = tpu.memref_squeeze %dma_wait3A_428 : memref<1x1x40x128xf32, #tpu.memory_space<vmem>> -> memref<40x128xf32, #tpu.memory_space<vmem>>
      tpu.wait_dma2 semaphore(%dma_wait3A_423 : memref<!tpu.dma_semaphore, #tpu.memory_space<semaphore_mem>>) src(%dma_wait3A_429 : memref<40x128xf32, #tpu.memory_space<vmem>>) dst(%dma_wait3A_425 : memref<40x128xf32, #tpu.memory_space<vmem_shared>>)
    }
    %scan3A_100 = arith.constant 15 : i32
    %add3A_101 = arith.constant 600 : i32
    %add3A_102 = arith.addi %mul3A_2, %add3A_101 : i32
    %run_scoped3A = arith.constant 0 : i32
    %run_scoped3A_103 = arith.constant 0 : i32
    "tpu.region"() ({
      %run_scoped3A_404 = tpu.sem_alloc : memref<!tpu.dma_semaphore, #tpu.memory_space<semaphore_mem>>
      %dma_start3A_405 = arith.constant 0 : i32
      %dma_start3A_406 = arith.constant 0 : i32
      %dma_start3A_407 = tpu.memref_slice %arg8[%run_scoped3A, %run_scoped3A_103, %dma_start3A_405, %dma_start3A_406] : memref<2x2x40x128xf32, #tpu.memory_space<vmem>> -> memref<1x1x32x128xf32, #tpu.memory_space<vmem>>
      %dma_start3A_408 = tpu.memref_squeeze %dma_start3A_407 : memref<1x1x32x128xf32, #tpu.memory_space<vmem>> -> memref<32x128xf32, #tpu.memory_space<vmem>>
      %dma_start3A_409 = arith.constant 0 : i32
      %dma_start3A_410 = tpu.memref_slice %arg9[%add3A_102, %dma_start3A_409] : memref<10112x128xf32, #tpu.memory_space<vmem_shared>> -> memref<32x128xf32, #tpu.memory_space<vmem_shared>>
      %dma_start3A_411 = arith.constant 0 : i32
      %dma_start3A_412 = tpu.memref_slice %arg9[%add3A_102, %dma_start3A_411] : memref<10112x128xf32, #tpu.memory_space<vmem_shared>> -> memref<32x128xf32, #tpu.memory_space<vmem_shared>>
      %dma_start3A_413 = arith.constant 0 : i32
      %dma_start3A_414 = arith.constant 0 : i32
      %dma_start3A_415 = tpu.memref_slice %arg8[%run_scoped3A, %run_scoped3A_103, %dma_start3A_413, %dma_start3A_414] : memref<2x2x40x128xf32, #tpu.memory_space<vmem>> -> memref<1x1x32x128xf32, #tpu.memory_space<vmem>>
      %dma_start3A_416 = tpu.memref_squeeze %dma_start3A_415 : memref<1x1x32x128xf32, #tpu.memory_space<vmem>> -> memref<32x128xf32, #tpu.memory_space<vmem>>
      tpu.enqueue_dma source(%dma_start3A_416 : memref<32x128xf32, #tpu.memory_space<vmem>>) target(%dma_start3A_412 : memref<32x128xf32, #tpu.memory_space<vmem_shared>>) target_semaphore(%run_scoped3A_404 : memref<!tpu.dma_semaphore, #tpu.memory_space<semaphore_mem>>)
      %dma_wait3A_417 = arith.constant 0 : i32
      %dma_wait3A_418 = arith.constant 0 : i32
      %dma_wait3A_419 = tpu.memref_slice %arg8[%run_scoped3A, %run_scoped3A_103, %dma_wait3A_417, %dma_wait3A_418] : memref<2x2x40x128xf32, #tpu.memory_space<vmem>> -> memref<1x1x32x128xf32, #tpu.memory_space<vmem>>
      %dma_wait3A_420 = tpu.memref_squeeze %dma_wait3A_419 : memref<1x1x32x128xf32, #tpu.memory_space<vmem>> -> memref<32x128xf32, #tpu.memory_space<vmem>>
      %dma_wait3A_421 = arith.constant 0 : i32
      %dma_wait3A_422 = tpu.memref_slice %arg9[%add3A_102, %dma_wait3A_421] : memref<10112x128xf32, #tpu.memory_space<vmem_shared>> -> memref<32x128xf32, #tpu.memory_space<vmem_shared>>
      %dma_wait3A_423 = arith.constant 0 : i32
      %dma_wait3A_424 = tpu.memref_slice %arg9[%add3A_102, %dma_wait3A_423] : memref<10112x128xf32, #tpu.memory_space<vmem_shared>> -> memref<32x128xf32, #tpu.memory_space<vmem_shared>>
      %dma_wait3A_425 = arith.constant 0 : i32
      %dma_wait3A_426 = arith.constant 0 : i32
      %dma_wait3A_427 = tpu.memref_slice %arg8[%run_scoped3A, %run_scoped3A_103, %dma_wait3A_425, %dma_wait3A_426] : memref<2x2x40x128xf32, #tpu.memory_space<vmem>> -> memref<1x1x32x128xf32, #tpu.memory_space<vmem>>
      %dma_wait3A_428 = tpu.memref_squeeze %dma_wait3A_427 : memref<1x1x32x128xf32, #tpu.memory_space<vmem>> -> memref<32x128xf32, #tpu.memory_space<vmem>>
      tpu.wait_dma2 semaphore(%run_scoped3A_404 : memref<!tpu.dma_semaphore, #tpu.memory_space<semaphore_mem>>) src(%dma_wait3A_428 : memref<32x128xf32, #tpu.memory_space<vmem>>) dst(%dma_wait3A_424 : memref<32x128xf32, #tpu.memory_space<vmem_shared>>)
      tpu.yield
    }) : () -> ()
    %dma_wait3A = arith.constant 0 : i32
    %dma_wait3A_104 = arith.constant 0 : i32
    %dma_wait3A_105 = arith.constant 0 : i32
    %dma_wait3A_106 = arith.constant 0 : i32
    %dma_wait3A_107 = arith.constant 0 : i32
    %dma_wait3A_108 = tpu.memref_slice %arg6[%dma_wait3A_104, %dma_wait3A_106, %dma_wait3A_107] : memref<4x2x40xi32, #tpu.memory_space<vmem>> -> memref<1x2x40xi32, #tpu.memory_space<vmem>>
    %dma_wait3A_109 = tpu.memref_squeeze %dma_wait3A_108 : memref<1x2x40xi32, #tpu.memory_space<vmem>> -> memref<2x40xi32, #tpu.memory_space<vmem>>
    %dma_wait3A_110 = arith.constant 0 : i32
    %dma_wait3A_111 = arith.constant 0 : i32
    %dma_wait3A_112 = tpu.memref_slice %arg3[%add3A, %dma_wait3A, %dma_wait3A_110, %dma_wait3A_111] : memref<32x125x2x40xi32, #tpu.memory_space<hbm>> -> memref<1x1x2x40xi32, #tpu.memory_space<hbm>>
    %dma_wait3A_113 = tpu.memref_squeeze %dma_wait3A_112 : memref<1x1x2x40xi32, #tpu.memory_space<hbm>> -> memref<2x40xi32, #tpu.memory_space<hbm>>
    %dma_wait3A_114 = tpu.memref_slice %arg12[%dma_wait3A_105] : memref<4x!tpu.dma_semaphore, #tpu.memory_space<semaphore_mem>> -> memref<1x!tpu.dma_semaphore, #tpu.memory_space<semaphore_mem>>
    %dma_wait3A_115 = tpu.memref_squeeze %dma_wait3A_114 : memref<1x!tpu.dma_semaphore, #tpu.memory_space<semaphore_mem>> -> memref<!tpu.dma_semaphore, #tpu.memory_space<semaphore_mem>>
    %dma_wait3A_116 = arith.constant 0 : i32
    %dma_wait3A_117 = arith.constant 0 : i32
    %dma_wait3A_118 = tpu.memref_slice %arg6[%dma_wait3A_104, %dma_wait3A_116, %dma_wait3A_117] : memref<4x2x40xi32, #tpu.memory_space<vmem>> -> memref<1x2x40xi32, #tpu.memory_space<vmem>>
    %dma_wait3A_119 = tpu.memref_squeeze %dma_wait3A_118 : memref<1x2x40xi32, #tpu.memory_space<vmem>> -> memref<2x40xi32, #tpu.memory_space<vmem>>
    %dma_wait3A_120 = arith.constant 0 : i32
    %dma_wait3A_121 = arith.constant 0 : i32
    %dma_wait3A_122 = tpu.memref_slice %arg3[%add3A, %dma_wait3A, %dma_wait3A_120, %dma_wait3A_121] : memref<32x125x2x40xi32, #tpu.memory_space<hbm>> -> memref<1x1x2x40xi32, #tpu.memory_space<hbm>>
    %dma_wait3A_123 = tpu.memref_squeeze %dma_wait3A_122 : memref<1x1x2x40xi32, #tpu.memory_space<hbm>> -> memref<2x40xi32, #tpu.memory_space<hbm>>
    tpu.wait_dma2 semaphore(%dma_wait3A_115 : memref<!tpu.dma_semaphore, #tpu.memory_space<semaphore_mem>>) src(%dma_wait3A_123 : memref<2x40xi32, #tpu.memory_space<hbm>>) dst(%dma_wait3A_119 : memref<2x40xi32, #tpu.memory_space<vmem>>)
    %dma_wait3A_124 = arith.constant 0 : i32
    %dma_wait3A_125 = arith.constant 0 : i32
    %dma_wait3A_126 = arith.constant 0 : i32
    %dma_wait3A_127 = arith.constant 0 : i32
    %dma_wait3A_128 = arith.constant 0 : i32
    %dma_wait3A_129 = tpu.memref_slice %arg7[%dma_wait3A_125, %dma_wait3A_127, %dma_wait3A_128] : memref<4x2x40xi32, #tpu.memory_space<vmem>> -> memref<1x2x40xi32, #tpu.memory_space<vmem>>
    %dma_wait3A_130 = tpu.memref_squeeze %dma_wait3A_129 : memref<1x2x40xi32, #tpu.memory_space<vmem>> -> memref<2x40xi32, #tpu.memory_space<vmem>>
    %dma_wait3A_131 = arith.constant 0 : i32
    %dma_wait3A_132 = arith.constant 0 : i32
    %dma_wait3A_133 = tpu.memref_slice %arg4[%add3A, %dma_wait3A_124, %dma_wait3A_131, %dma_wait3A_132] : memref<32x125x2x40xi32, #tpu.memory_space<hbm>> -> memref<1x1x2x40xi32, #tpu.memory_space<hbm>>
    %dma_wait3A_134 = tpu.memref_squeeze %dma_wait3A_133 : memref<1x1x2x40xi32, #tpu.memory_space<hbm>> -> memref<2x40xi32, #tpu.memory_space<hbm>>
    %dma_wait3A_135 = tpu.memref_slice %arg13[%dma_wait3A_126] : memref<4x!tpu.dma_semaphore, #tpu.memory_space<semaphore_mem>> -> memref<1x!tpu.dma_semaphore, #tpu.memory_space<semaphore_mem>>
    %dma_wait3A_136 = tpu.memref_squeeze %dma_wait3A_135 : memref<1x!tpu.dma_semaphore, #tpu.memory_space<semaphore_mem>> -> memref<!tpu.dma_semaphore, #tpu.memory_space<semaphore_mem>>
    %dma_wait3A_137 = arith.constant 0 : i32
    %dma_wait3A_138 = arith.constant 0 : i32
    %dma_wait3A_139 = tpu.memref_slice %arg7[%dma_wait3A_125, %dma_wait3A_137, %dma_wait3A_138] : memref<4x2x40xi32, #tpu.memory_space<vmem>> -> memref<1x2x40xi32, #tpu.memory_space<vmem>>
    %dma_wait3A_140 = tpu.memref_squeeze %dma_wait3A_139 : memref<1x2x40xi32, #tpu.memory_space<vmem>> -> memref<2x40xi32, #tpu.memory_space<vmem>>
    %dma_wait3A_141 = arith.constant 0 : i32
    %dma_wait3A_142 = arith.constant 0 : i32
    %dma_wait3A_143 = tpu.memref_slice %arg4[%add3A, %dma_wait3A_124, %dma_wait3A_141, %dma_wait3A_142] : memref<32x125x2x40xi32, #tpu.memory_space<hbm>> -> memref<1x1x2x40xi32, #tpu.memory_space<hbm>>
    %dma_wait3A_144 = tpu.memref_squeeze %dma_wait3A_143 : memref<1x1x2x40xi32, #tpu.memory_space<hbm>> -> memref<2x40xi32, #tpu.memory_space<hbm>>
    tpu.wait_dma2 semaphore(%dma_wait3A_136 : memref<!tpu.dma_semaphore, #tpu.memory_space<semaphore_mem>>) src(%dma_wait3A_144 : memref<2x40xi32, #tpu.memory_space<hbm>>) dst(%dma_wait3A_140 : memref<2x40xi32, #tpu.memory_space<vmem>>)
    %barrier3A = arith.constant 0 : index
    tpu.barrier barrier_id(%barrier3A)
    %dma_start3A_145 = arith.constant 0 : i32
    %dma_start3A_146 = arith.constant 0 : i32
    %dma_start3A_147 = arith.constant 0 : i32
    %dma_start3A_148 = arith.constant 0 : i32
    %dma_start3A_149 = arith.constant 0 : i32
    %dma_start3A_150 = arith.constant 0 : i32
    %dma_start3A_151 = arith.constant 0 : i32
    %dma_start3A_152 = arith.constant 0 : i32
    %dma_start3A_153 = tpu.memref_slice %arg8[%dma_start3A_147, %dma_start3A_148, %dma_start3A_151, %dma_start3A_152] : memref<2x2x40x128xf32, #tpu.memory_space<vmem>> -> memref<1x1x40x128xf32, #tpu.memory_space<vmem>>
    %dma_start3A_154 = tpu.memref_squeeze %dma_start3A_153 : memref<1x1x40x128xf32, #tpu.memory_space<vmem>> -> memref<40x128xf32, #tpu.memory_space<vmem>>
    %dma_start3A_155 = arith.constant 0 : i32
    %dma_start3A_156 = tpu.memref_slice %arg6[%dma_start3A_145, %dma_start3A_146, %dma_start3A_155] : memref<4x2x40xi32, #tpu.memory_space<vmem>> -> memref<1x1x40xi32, #tpu.memory_space<vmem>>
    %dma_start3A_157 = tpu.memref_squeeze %dma_start3A_156 : memref<1x1x40xi32, #tpu.memory_space<vmem>> -> memref<40xi32, #tpu.memory_space<vmem>>
    %dma_start3A_158 = arith.constant 0 : i32
    %dma_start3A_159 = arith.constant 0 : i32
    %dma_start3A_160 = tpu.memref_slice %arg2[%dma_start3A_158, %dma_start3A_159] : memref<10000x128xf32, #tpu.memory_space<hbm>> -> memref<10000x128xf32, #tpu.memory_space<hbm>>
    %dma_start3A_161 = tpu.memref_slice %arg10[%dma_start3A_149, %dma_start3A_150] : memref<2x2x!tpu.dma_semaphore, #tpu.memory_space<semaphore_mem>> -> memref<1x1x!tpu.dma_semaphore, #tpu.memory_space<semaphore_mem>>
    %dma_start3A_162 = tpu.memref_squeeze %dma_start3A_161 : memref<1x1x!tpu.dma_semaphore, #tpu.memory_space<semaphore_mem>> -> memref<!tpu.dma_semaphore, #tpu.memory_space<semaphore_mem>>
    tpu.enqueue_indirect_dma source(%dma_start3A_160 : memref<10000x128xf32, #tpu.memory_space<hbm>>) target(%dma_start3A_154 : memref<40x128xf32, #tpu.memory_space<vmem>>) offsets(%dma_start3A_157 : memref<40xi32, #tpu.memory_space<vmem>>) semaphore(%dma_start3A_162 : memref<!tpu.dma_semaphore, #tpu.memory_space<semaphore_mem>>)
    %dma_start3A_163 = arith.constant 0 : i32
    %dma_start3A_164 = arith.constant 1 : i32
    %dma_start3A_165 = arith.constant 0 : i32
    %dma_start3A_166 = arith.constant 1 : i32
    %dma_start3A_167 = arith.constant 0 : i32
    %dma_start3A_168 = arith.constant 1 : i32
    %dma_start3A_169 = arith.constant 0 : i32
    %dma_start3A_170 = arith.constant 0 : i32
    %dma_start3A_171 = tpu.memref_slice %arg8[%dma_start3A_165, %dma_start3A_166, %dma_start3A_169, %dma_start3A_170] : memref<2x2x40x128xf32, #tpu.memory_space<vmem>> -> memref<1x1x40x128xf32, #tpu.memory_space<vmem>>
    %dma_start3A_172 = tpu.memref_squeeze %dma_start3A_171 : memref<1x1x40x128xf32, #tpu.memory_space<vmem>> -> memref<40x128xf32, #tpu.memory_space<vmem>>
    %dma_start3A_173 = arith.constant 0 : i32
    %dma_start3A_174 = tpu.memref_slice %arg6[%dma_start3A_163, %dma_start3A_164, %dma_start3A_173] : memref<4x2x40xi32, #tpu.memory_space<vmem>> -> memref<1x1x40xi32, #tpu.memory_space<vmem>>
    %dma_start3A_175 = tpu.memref_squeeze %dma_start3A_174 : memref<1x1x40xi32, #tpu.memory_space<vmem>> -> memref<40xi32, #tpu.memory_space<vmem>>
    %dma_start3A_176 = arith.constant 0 : i32
    %dma_start3A_177 = arith.constant 0 : i32
    %dma_start3A_178 = tpu.memref_slice %arg2[%dma_start3A_176, %dma_start3A_177] : memref<10000x128xf32, #tpu.memory_space<hbm>> -> memref<10000x128xf32, #tpu.memory_space<hbm>>
    %dma_start3A_179 = tpu.memref_slice %arg10[%dma_start3A_167, %dma_start3A_168] : memref<2x2x!tpu.dma_semaphore, #tpu.memory_space<semaphore_mem>> -> memref<1x1x!tpu.dma_semaphore, #tpu.memory_space<semaphore_mem>>
    %dma_start3A_180 = tpu.memref_squeeze %dma_start3A_179 : memref<1x1x!tpu.dma_semaphore, #tpu.memory_space<semaphore_mem>> -> memref<!tpu.dma_semaphore, #tpu.memory_space<semaphore_mem>>
    tpu.enqueue_indirect_dma source(%dma_start3A_178 : memref<10000x128xf32, #tpu.memory_space<hbm>>) target(%dma_start3A_172 : memref<40x128xf32, #tpu.memory_space<vmem>>) offsets(%dma_start3A_175 : memref<40xi32, #tpu.memory_space<vmem>>) semaphore(%dma_start3A_180 : memref<!tpu.dma_semaphore, #tpu.memory_space<semaphore_mem>>)
    %scan3A_181 = arith.constant 0 : i32
    %scan3A_182 = arith.constant 125 : i32
    %scan3A_183 = arith.addi %scan3A_181, %scan3A_182 : i32
    %scan3A_184 = arith.constant 1 : i32
    scf.for %scan3A_404 = %scan3A_181 to %scan3A_183 step %scan3A_184  : i32 {
      %mul3A_405 = arith.constant 1 : i32
      %mul3A_406 = arith.muli %scan3A_404, %mul3A_405 : i32
      %add3A_407 = arith.constant 0 : i32
      %add3A_408 = arith.addi %add3A_407, %mul3A_406 : i32
      %rem3A = arith.constant 2 : i32
      %rem3A_409 = arith.remsi %add3A_408, %rem3A : i32
      %rem3A_410 = arith.constant 4 : i32
      %rem3A_411 = arith.remsi %add3A_408, %rem3A_410 : i32
      %add3A_412 = arith.constant 2 : i32
      %add3A_413 = arith.addi %add3A_408, %add3A_412 : i32
      %lt3A = arith.constant 125 : i32
      %lt3A_414 = arith.cmpi slt, %add3A_413, %lt3A : i32
      %convert_element_type3A = arith.extui %lt3A_414 : i1 to i32
      %cond3A = arith.constant 0 : i32
      %cond3A_415 = arith.cmpi ne, %convert_element_type3A, %cond3A : i32
      scf.if %cond3A_415 {
        %add3A_487 = arith.constant 2 : i32
        %add3A_488 = arith.addi %add3A_408, %add3A_487 : i32
        %rem3A_489 = arith.constant 4 : i32
        %rem3A_490 = arith.remsi %add3A_488, %rem3A_489 : i32
        %add3A_491 = arith.constant 2 : i32
        %add3A_492 = arith.addi %add3A_408, %add3A_491 : i32
        %dma_start3A_493 = arith.constant 0 : i32
        %dma_start3A_494 = arith.constant 0 : i32
        %dma_start3A_495 = tpu.memref_slice %arg6[%rem3A_490, %dma_start3A_493, %dma_start3A_494] : memref<4x2x40xi32, #tpu.memory_space<vmem>> -> memref<1x2x40xi32, #tpu.memory_space<vmem>>
        %dma_start3A_496 = tpu.memref_squeeze %dma_start3A_495 : memref<1x2x40xi32, #tpu.memory_space<vmem>> -> memref<2x40xi32, #tpu.memory_space<vmem>>
        %dma_start3A_497 = arith.constant 0 : i32
        %dma_start3A_498 = arith.constant 0 : i32
        %dma_start3A_499 = tpu.memref_slice %arg3[%add3A, %add3A_492, %dma_start3A_497, %dma_start3A_498] : memref<32x125x2x40xi32, #tpu.memory_space<hbm>> -> memref<1x1x2x40xi32, #tpu.memory_space<hbm>>
        %dma_start3A_500 = tpu.memref_squeeze %dma_start3A_499 : memref<1x1x2x40xi32, #tpu.memory_space<hbm>> -> memref<2x40xi32, #tpu.memory_space<hbm>>
        %dma_start3A_501 = tpu.memref_slice %arg12[%rem3A_490] : memref<4x!tpu.dma_semaphore, #tpu.memory_space<semaphore_mem>> -> memref<1x!tpu.dma_semaphore, #tpu.memory_space<semaphore_mem>>
        %dma_start3A_502 = tpu.memref_squeeze %dma_start3A_501 : memref<1x!tpu.dma_semaphore, #tpu.memory_space<semaphore_mem>> -> memref<!tpu.dma_semaphore, #tpu.memory_space<semaphore_mem>>
        %dma_start3A_503 = arith.constant 0 : i32
        %dma_start3A_504 = arith.constant 0 : i32
        %dma_start3A_505 = tpu.memref_slice %arg6[%rem3A_490, %dma_start3A_503, %dma_start3A_504] : memref<4x2x40xi32, #tpu.memory_space<vmem>> -> memref<1x2x40xi32, #tpu.memory_space<vmem>>
        %dma_start3A_506 = tpu.memref_squeeze %dma_start3A_505 : memref<1x2x40xi32, #tpu.memory_space<vmem>> -> memref<2x40xi32, #tpu.memory_space<vmem>>
        %dma_start3A_507 = arith.constant 0 : i32
        %dma_start3A_508 = arith.constant 0 : i32
        %dma_start3A_509 = tpu.memref_slice %arg3[%add3A, %add3A_492, %dma_start3A_507, %dma_start3A_508] : memref<32x125x2x40xi32, #tpu.memory_space<hbm>> -> memref<1x1x2x40xi32, #tpu.memory_space<hbm>>
        %dma_start3A_510 = tpu.memref_squeeze %dma_start3A_509 : memref<1x1x2x40xi32, #tpu.memory_space<hbm>> -> memref<2x40xi32, #tpu.memory_space<hbm>>
        tpu.enqueue_dma source(%dma_start3A_510 : memref<2x40xi32, #tpu.memory_space<hbm>>) target(%dma_start3A_506 : memref<2x40xi32, #tpu.memory_space<vmem>>) target_semaphore(%dma_start3A_502 : memref<!tpu.dma_semaphore, #tpu.memory_space<semaphore_mem>>)
        %add3A_511 = arith.constant 2 : i32
        %add3A_512 = arith.addi %add3A_408, %add3A_511 : i32
        %dma_start3A_513 = arith.constant 0 : i32
        %dma_start3A_514 = arith.constant 0 : i32
        %dma_start3A_515 = tpu.memref_slice %arg7[%rem3A_490, %dma_start3A_513, %dma_start3A_514] : memref<4x2x40xi32, #tpu.memory_space<vmem>> -> memref<1x2x40xi32, #tpu.memory_space<vmem>>
        %dma_start3A_516 = tpu.memref_squeeze %dma_start3A_515 : memref<1x2x40xi32, #tpu.memory_space<vmem>> -> memref<2x40xi32, #tpu.memory_space<vmem>>
        %dma_start3A_517 = arith.constant 0 : i32
        %dma_start3A_518 = arith.constant 0 : i32
        %dma_start3A_519 = tpu.memref_slice %arg4[%add3A, %add3A_512, %dma_start3A_517, %dma_start3A_518] : memref<32x125x2x40xi32, #tpu.memory_space<hbm>> -> memref<1x1x2x40xi32, #tpu.memory_space<hbm>>
        %dma_start3A_520 = tpu.memref_squeeze %dma_start3A_519 : memref<1x1x2x40xi32, #tpu.memory_space<hbm>> -> memref<2x40xi32, #tpu.memory_space<hbm>>
        %dma_start3A_521 = tpu.memref_slice %arg13[%rem3A_490] : memref<4x!tpu.dma_semaphore, #tpu.memory_space<semaphore_mem>> -> memref<1x!tpu.dma_semaphore, #tpu.memory_space<semaphore_mem>>
        %dma_start3A_522 = tpu.memref_squeeze %dma_start3A_521 : memref<1x!tpu.dma_semaphore, #tpu.memory_space<semaphore_mem>> -> memref<!tpu.dma_semaphore, #tpu.memory_space<semaphore_mem>>
        %dma_start3A_523 = arith.constant 0 : i32
        %dma_start3A_524 = arith.constant 0 : i32
        %dma_start3A_525 = tpu.memref_slice %arg7[%rem3A_490, %dma_start3A_523, %dma_start3A_524] : memref<4x2x40xi32, #tpu.memory_space<vmem>> -> memref<1x2x40xi32, #tpu.memory_space<vmem>>
        %dma_start3A_526 = tpu.memref_squeeze %dma_start3A_525 : memref<1x2x40xi32, #tpu.memory_space<vmem>> -> memref<2x40xi32, #tpu.memory_space<vmem>>
        %dma_start3A_527 = arith.constant 0 : i32
        %dma_start3A_528 = arith.constant 0 : i32
        %dma_start3A_529 = tpu.memref_slice %arg4[%add3A, %add3A_512, %dma_start3A_527, %dma_start3A_528] : memref<32x125x2x40xi32, #tpu.memory_space<hbm>> -> memref<1x1x2x40xi32, #tpu.memory_space<hbm>>
        %dma_start3A_530 = tpu.memref_squeeze %dma_start3A_529 : memref<1x1x2x40xi32, #tpu.memory_space<hbm>> -> memref<2x40xi32, #tpu.memory_space<hbm>>
        tpu.enqueue_dma source(%dma_start3A_530 : memref<2x40xi32, #tpu.memory_space<hbm>>) target(%dma_start3A_526 : memref<2x40xi32, #tpu.memory_space<vmem>>) target_semaphore(%dma_start3A_522 : memref<!tpu.dma_semaphore, #tpu.memory_space<semaphore_mem>>)
      } else {
      }
      %dma_wait3A_416 = arith.constant 0 : i32
      %dma_wait3A_417 = arith.constant 0 : i32
      %dma_wait3A_418 = arith.constant 0 : i32
      %dma_wait3A_419 = arith.constant 0 : i32
      %dma_wait3A_420 = arith.constant 0 : i32
      %dma_wait3A_421 = tpu.memref_slice %arg8[%rem3A_409, %dma_wait3A_417, %dma_wait3A_419, %dma_wait3A_420] : memref<2x2x40x128xf32, #tpu.memory_space<vmem>> -> memref<1x1x40x128xf32, #tpu.memory_space<vmem>>
      %dma_wait3A_422 = tpu.memref_squeeze %dma_wait3A_421 : memref<1x1x40x128xf32, #tpu.memory_space<vmem>> -> memref<40x128xf32, #tpu.memory_space<vmem>>
      %dma_wait3A_423 = arith.constant 0 : i32
      %dma_wait3A_424 = tpu.memref_slice %arg6[%rem3A_411, %dma_wait3A_416, %dma_wait3A_423] : memref<4x2x40xi32, #tpu.memory_space<vmem>> -> memref<1x1x40xi32, #tpu.memory_space<vmem>>
      %dma_wait3A_425 = tpu.memref_squeeze %dma_wait3A_424 : memref<1x1x40xi32, #tpu.memory_space<vmem>> -> memref<40xi32, #tpu.memory_space<vmem>>
      %dma_wait3A_426 = arith.constant 0 : i32
      %dma_wait3A_427 = arith.constant 0 : i32
      %dma_wait3A_428 = tpu.memref_slice %arg2[%dma_wait3A_426, %dma_wait3A_427] : memref<10000x128xf32, #tpu.memory_space<hbm>> -> memref<10000x128xf32, #tpu.memory_space<hbm>>
      %dma_wait3A_429 = tpu.memref_slice %arg10[%rem3A_409, %dma_wait3A_418] : memref<2x2x!tpu.dma_semaphore, #tpu.memory_space<semaphore_mem>> -> memref<1x1x!tpu.dma_semaphore, #tpu.memory_space<semaphore_mem>>
      %dma_wait3A_430 = tpu.memref_squeeze %dma_wait3A_429 : memref<1x1x!tpu.dma_semaphore, #tpu.memory_space<semaphore_mem>> -> memref<!tpu.dma_semaphore, #tpu.memory_space<semaphore_mem>>
      tpu.wait_indirect_dma semaphore(%dma_wait3A_430 : memref<!tpu.dma_semaphore, #tpu.memory_space<semaphore_mem>>) src(%dma_wait3A_428 : memref<10000x128xf32, #tpu.memory_space<hbm>>) dst(%dma_wait3A_422 : memref<40x128xf32, #tpu.memory_space<vmem>>)
      %dma_start3A_431 = arith.constant 0 : i32
      %dma_start3A_432 = arith.constant 0 : i32
      %dma_start3A_433 = arith.constant 0 : i32
      %dma_start3A_434 = arith.constant 0 : i32
      %dma_start3A_435 = arith.constant 0 : i32
      %dma_start3A_436 = tpu.memref_slice %arg8[%rem3A_409, %dma_start3A_431, %dma_start3A_434, %dma_start3A_435] : memref<2x2x40x128xf32, #tpu.memory_space<vmem>> -> memref<1x1x40x128xf32, #tpu.memory_space<vmem>>
      %dma_start3A_437 = tpu.memref_squeeze %dma_start3A_436 : memref<1x1x40x128xf32, #tpu.memory_space<vmem>> -> memref<40x128xf32, #tpu.memory_space<vmem>>
      %dma_start3A_438 = arith.constant 0 : i32
      %dma_start3A_439 = tpu.memref_slice %arg7[%rem3A_411, %dma_start3A_432, %dma_start3A_438] : memref<4x2x40xi32, #tpu.memory_space<vmem>> -> memref<1x1x40xi32, #tpu.memory_space<vmem>>
      %dma_start3A_440 = tpu.memref_squeeze %dma_start3A_439 : memref<1x1x40xi32, #tpu.memory_space<vmem>> -> memref<40xi32, #tpu.memory_space<vmem>>
      %dma_start3A_441 = arith.constant 0 : i32
      %dma_start3A_442 = arith.constant 0 : i32
      %dma_start3A_443 = tpu.memref_slice %arg9[%dma_start3A_441, %dma_start3A_442] : memref<10112x128xf32, #tpu.memory_space<vmem_shared>> -> memref<10112x128xf32, #tpu.memory_space<vmem_shared>>
      %dma_start3A_444 = tpu.memref_slice %arg11[%rem3A_409, %dma_start3A_433] : memref<2x2x!tpu.dma_semaphore, #tpu.memory_space<semaphore_mem>> -> memref<1x1x!tpu.dma_semaphore, #tpu.memory_space<semaphore_mem>>
      %dma_start3A_445 = tpu.memref_squeeze %dma_start3A_444 : memref<1x1x!tpu.dma_semaphore, #tpu.memory_space<semaphore_mem>> -> memref<!tpu.dma_semaphore, #tpu.memory_space<semaphore_mem>>
      tpu.enqueue_indirect_dma source(%dma_start3A_437 : memref<40x128xf32, #tpu.memory_space<vmem>>) target(%dma_start3A_443 : memref<10112x128xf32, #tpu.memory_space<vmem_shared>>) offsets(%dma_start3A_440 : memref<40xi32, #tpu.memory_space<vmem>>) semaphore(%dma_start3A_445 : memref<!tpu.dma_semaphore, #tpu.memory_space<semaphore_mem>>) {add = true}
      %dma_wait3A_446 = arith.constant 1 : i32
      %dma_wait3A_447 = arith.constant 1 : i32
      %dma_wait3A_448 = arith.constant 1 : i32
      %dma_wait3A_449 = arith.constant 0 : i32
      %dma_wait3A_450 = arith.constant 0 : i32
      %dma_wait3A_451 = tpu.memref_slice %arg8[%rem3A_409, %dma_wait3A_447, %dma_wait3A_449, %dma_wait3A_450] : memref<2x2x40x128xf32, #tpu.memory_space<vmem>> -> memref<1x1x40x128xf32, #tpu.memory_space<vmem>>
      %dma_wait3A_452 = tpu.memref_squeeze %dma_wait3A_451 : memref<1x1x40x128xf32, #tpu.memory_space<vmem>> -> memref<40x128xf32, #tpu.memory_space<vmem>>
      %dma_wait3A_453 = arith.constant 0 : i32
      %dma_wait3A_454 = tpu.memref_slice %arg6[%rem3A_411, %dma_wait3A_446, %dma_wait3A_453] : memref<4x2x40xi32, #tpu.memory_space<vmem>> -> memref<1x1x40xi32, #tpu.memory_space<vmem>>
      %dma_wait3A_455 = tpu.memref_squeeze %dma_wait3A_454 : memref<1x1x40xi32, #tpu.memory_space<vmem>> -> memref<40xi32, #tpu.memory_space<vmem>>
      %dma_wait3A_456 = arith.constant 0 : i32
      %dma_wait3A_457 = arith.constant 0 : i32
      %dma_wait3A_458 = tpu.memref_slice %arg2[%dma_wait3A_456, %dma_wait3A_457] : memref<10000x128xf32, #tpu.memory_space<hbm>> -> memref<10000x128xf32, #tpu.memory_space<hbm>>
      %dma_wait3A_459 = tpu.memref_slice %arg10[%rem3A_409, %dma_wait3A_448] : memref<2x2x!tpu.dma_semaphore, #tpu.memory_space<semaphore_mem>> -> memref<1x1x!tpu.dma_semaphore, #tpu.memory_space<semaphore_mem>>
      %dma_wait3A_460 = tpu.memref_squeeze %dma_wait3A_459 : memref<1x1x!tpu.dma_semaphore, #tpu.memory_space<semaphore_mem>> -> memref<!tpu.dma_semaphore, #tpu.memory_space<semaphore_mem>>
      tpu.wait_indirect_dma semaphore(%dma_wait3A_460 : memref<!tpu.dma_semaphore, #tpu.memory_space<semaphore_mem>>) src(%dma_wait3A_458 : memref<10000x128xf32, #tpu.memory_space<hbm>>) dst(%dma_wait3A_452 : memref<40x128xf32, #tpu.memory_space<vmem>>)
      %dma_start3A_461 = arith.constant 1 : i32
      %dma_start3A_462 = arith.constant 1 : i32
      %dma_start3A_463 = arith.constant 1 : i32
      %dma_start3A_464 = arith.constant 0 : i32
      %dma_start3A_465 = arith.constant 0 : i32
      %dma_start3A_466 = tpu.memref_slice %arg8[%rem3A_409, %dma_start3A_461, %dma_start3A_464, %dma_start3A_465] : memref<2x2x40x128xf32, #tpu.memory_space<vmem>> -> memref<1x1x40x128xf32, #tpu.memory_space<vmem>>
      %dma_start3A_467 = tpu.memref_squeeze %dma_start3A_466 : memref<1x1x40x128xf32, #tpu.memory_space<vmem>> -> memref<40x128xf32, #tpu.memory_space<vmem>>
      %dma_start3A_468 = arith.constant 0 : i32
      %dma_start3A_469 = tpu.memref_slice %arg7[%rem3A_411, %dma_start3A_462, %dma_start3A_468] : memref<4x2x40xi32, #tpu.memory_space<vmem>> -> memref<1x1x40xi32, #tpu.memory_space<vmem>>
      %dma_start3A_470 = tpu.memref_squeeze %dma_start3A_469 : memref<1x1x40xi32, #tpu.memory_space<vmem>> -> memref<40xi32, #tpu.memory_space<vmem>>
      %dma_start3A_471 = arith.constant 0 : i32
      %dma_start3A_472 = arith.constant 0 : i32
      %dma_start3A_473 = tpu.memref_slice %arg9[%dma_start3A_471, %dma_start3A_472] : memref<10112x128xf32, #tpu.memory_space<vmem_shared>> -> memref<10112x128xf32, #tpu.memory_space<vmem_shared>>
      %dma_start3A_474 = tpu.memref_slice %arg11[%rem3A_409, %dma_start3A_463] : memref<2x2x!tpu.dma_semaphore, #tpu.memory_space<semaphore_mem>> -> memref<1x1x!tpu.dma_semaphore, #tpu.memory_space<semaphore_mem>>
      %dma_start3A_475 = tpu.memref_squeeze %dma_start3A_474 : memref<1x1x!tpu.dma_semaphore, #tpu.memory_space<semaphore_mem>> -> memref<!tpu.dma_semaphore, #tpu.memory_space<semaphore_mem>>
      tpu.enqueue_indirect_dma source(%dma_start3A_467 : memref<40x128xf32, #tpu.memory_space<vmem>>) target(%dma_start3A_473 : memref<10112x128xf32, #tpu.memory_space<vmem_shared>>) offsets(%dma_start3A_470 : memref<40xi32, #tpu.memory_space<vmem>>) semaphore(%dma_start3A_475 : memref<!tpu.dma_semaphore, #tpu.memory_space<semaphore_mem>>) {add = true}
      %gt3A = arith.constant 0 : i32
      %gt3A_476 = arith.cmpi sgt, %add3A_408, %gt3A : i32
      %convert_element_type3A_477 = arith.extui %gt3A_476 : i1 to i32
      %cond3A_478 = arith.constant 0 : i32
      %cond3A_479 = arith.cmpi ne, %convert_element_type3A_477, %cond3A_478 : i32
      scf.if %cond3A_479 {
        %add3A_487 = arith.constant 1 : i32
        %add3A_488 = arith.addi %add3A_408, %add3A_487 : i32
        %rem3A_489 = arith.constant 2 : i32
        %rem3A_490 = arith.remsi %add3A_488, %rem3A_489 : i32
        %add3A_491 = arith.constant 4 : i32
        %add3A_492 = arith.addi %add3A_408, %add3A_491 : i32
        %sub3A = arith.constant 1 : i32
        %sub3A_493 = arith.subi %add3A_492, %sub3A : i32
        %rem3A_494 = arith.constant 4 : i32
        %rem3A_495 = arith.remsi %sub3A_493, %rem3A_494 : i32
        %dma_wait3A_496 = arith.constant 0 : i32
        %dma_wait3A_497 = arith.constant 0 : i32
        %dma_wait3A_498 = arith.constant 0 : i32
        %dma_wait3A_499 = arith.constant 0 : i32
        %dma_wait3A_500 = arith.constant 0 : i32
        %dma_wait3A_501 = tpu.memref_slice %arg8[%rem3A_490, %dma_wait3A_496, %dma_wait3A_499, %dma_wait3A_500] : memref<2x2x40x128xf32, #tpu.memory_space<vmem>> -> memref<1x1x40x128xf32, #tpu.memory_space<vmem>>
        %dma_wait3A_502 = tpu.memref_squeeze %dma_wait3A_501 : memref<1x1x40x128xf32, #tpu.memory_space<vmem>> -> memref<40x128xf32, #tpu.memory_space<vmem>>
        %dma_wait3A_503 = arith.constant 0 : i32
        %dma_wait3A_504 = tpu.memref_slice %arg7[%rem3A_495, %dma_wait3A_497, %dma_wait3A_503] : memref<4x2x40xi32, #tpu.memory_space<vmem>> -> memref<1x1x40xi32, #tpu.memory_space<vmem>>
        %dma_wait3A_505 = tpu.memref_squeeze %dma_wait3A_504 : memref<1x1x40xi32, #tpu.memory_space<vmem>> -> memref<40xi32, #tpu.memory_space<vmem>>
        %dma_wait3A_506 = arith.constant 0 : i32
        %dma_wait3A_507 = arith.constant 0 : i32
        %dma_wait3A_508 = tpu.memref_slice %arg9[%dma_wait3A_506, %dma_wait3A_507] : memref<10112x128xf32, #tpu.memory_space<vmem_shared>> -> memref<10112x128xf32, #tpu.memory_space<vmem_shared>>
        %dma_wait3A_509 = tpu.memref_slice %arg11[%rem3A_490, %dma_wait3A_498] : memref<2x2x!tpu.dma_semaphore, #tpu.memory_space<semaphore_mem>> -> memref<1x1x!tpu.dma_semaphore, #tpu.memory_space<semaphore_mem>>
        %dma_wait3A_510 = tpu.memref_squeeze %dma_wait3A_509 : memref<1x1x!tpu.dma_semaphore, #tpu.memory_space<semaphore_mem>> -> memref<!tpu.dma_semaphore, #tpu.memory_space<semaphore_mem>>
        tpu.wait_indirect_dma semaphore(%dma_wait3A_510 : memref<!tpu.dma_semaphore, #tpu.memory_space<semaphore_mem>>) src(%dma_wait3A_502 : memref<40x128xf32, #tpu.memory_space<vmem>>) dst(%dma_wait3A_508 : memref<10112x128xf32, #tpu.memory_space<vmem_shared>>)
        %dma_wait3A_511 = arith.constant 1 : i32
        %dma_wait3A_512 = arith.constant 1 : i32
        %dma_wait3A_513 = arith.constant 1 : i32
        %dma_wait3A_514 = arith.constant 0 : i32
        %dma_wait3A_515 = arith.constant 0 : i32
        %dma_wait3A_516 = tpu.memref_slice %arg8[%rem3A_490, %dma_wait3A_511, %dma_wait3A_514, %dma_wait3A_515] : memref<2x2x40x128xf32, #tpu.memory_space<vmem>> -> memref<1x1x40x128xf32, #tpu.memory_space<vmem>>
        %dma_wait3A_517 = tpu.memref_squeeze %dma_wait3A_516 : memref<1x1x40x128xf32, #tpu.memory_space<vmem>> -> memref<40x128xf32, #tpu.memory_space<vmem>>
        %dma_wait3A_518 = arith.constant 0 : i32
        %dma_wait3A_519 = tpu.memref_slice %arg7[%rem3A_495, %dma_wait3A_512, %dma_wait3A_518] : memref<4x2x40xi32, #tpu.memory_space<vmem>> -> memref<1x1x40xi32, #tpu.memory_space<vmem>>
        %dma_wait3A_520 = tpu.memref_squeeze %dma_wait3A_519 : memref<1x1x40xi32, #tpu.memory_space<vmem>> -> memref<40xi32, #tpu.memory_space<vmem>>
        %dma_wait3A_521 = arith.constant 0 : i32
        %dma_wait3A_522 = arith.constant 0 : i32
        %dma_wait3A_523 = tpu.memref_slice %arg9[%dma_wait3A_521, %dma_wait3A_522] : memref<10112x128xf32, #tpu.memory_space<vmem_shared>> -> memref<10112x128xf32, #tpu.memory_space<vmem_shared>>
        %dma_wait3A_524 = tpu.memref_slice %arg11[%rem3A_490, %dma_wait3A_513] : memref<2x2x!tpu.dma_semaphore, #tpu.memory_space<semaphore_mem>> -> memref<1x1x!tpu.dma_semaphore, #tpu.memory_space<semaphore_mem>>
        %dma_wait3A_525 = tpu.memref_squeeze %dma_wait3A_524 : memref<1x1x!tpu.dma_semaphore, #tpu.memory_space<semaphore_mem>> -> memref<!tpu.dma_semaphore, #tpu.memory_space<semaphore_mem>>
        tpu.wait_indirect_dma semaphore(%dma_wait3A_525 : memref<!tpu.dma_semaphore, #tpu.memory_space<semaphore_mem>>) src(%dma_wait3A_517 : memref<40x128xf32, #tpu.memory_space<vmem>>) dst(%dma_wait3A_523 : memref<10112x128xf32, #tpu.memory_space<vmem_shared>>)
      } else {
      }
      %add3A_480 = arith.constant 1 : i32
      %add3A_481 = arith.addi %add3A_408, %add3A_480 : i32
      %lt3A_482 = arith.constant 125 : i32
      %lt3A_483 = arith.cmpi slt, %add3A_481, %lt3A_482 : i32
      %convert_element_type3A_484 = arith.extui %lt3A_483 : i1 to i32
      %cond3A_485 = arith.constant 0 : i32
      %cond3A_486 = arith.cmpi ne, %convert_element_type3A_484, %cond3A_485 : i32
      scf.if %cond3A_486 {
        %add3A_487 = arith.constant 1 : i32
        %add3A_488 = arith.addi %add3A_408, %add3A_487 : i32
        %rem3A_489 = arith.constant 2 : i32
        %rem3A_490 = arith.remsi %add3A_488, %rem3A_489 : i32
        %add3A_491 = arith.constant 1 : i32
        %add3A_492 = arith.addi %add3A_408, %add3A_491 : i32
        %rem3A_493 = arith.constant 4 : i32
        %rem3A_494 = arith.remsi %add3A_492, %rem3A_493 : i32
        %add3A_495 = arith.constant 1 : i32
        %add3A_496 = arith.addi %add3A_408, %add3A_495 : i32
        %dma_wait3A_497 = arith.constant 0 : i32
        %dma_wait3A_498 = arith.constant 0 : i32
        %dma_wait3A_499 = tpu.memref_slice %arg6[%rem3A_494, %dma_wait3A_497, %dma_wait3A_498] : memref<4x2x40xi32, #tpu.memory_space<vmem>> -> memref<1x2x40xi32, #tpu.memory_space<vmem>>
        %dma_wait3A_500 = tpu.memref_squeeze %dma_wait3A_499 : memref<1x2x40xi32, #tpu.memory_space<vmem>> -> memref<2x40xi32, #tpu.memory_space<vmem>>
        %dma_wait3A_501 = arith.constant 0 : i32
        %dma_wait3A_502 = arith.constant 0 : i32
        %dma_wait3A_503 = tpu.memref_slice %arg3[%add3A, %add3A_496, %dma_wait3A_501, %dma_wait3A_502] : memref<32x125x2x40xi32, #tpu.memory_space<hbm>> -> memref<1x1x2x40xi32, #tpu.memory_space<hbm>>
        %dma_wait3A_504 = tpu.memref_squeeze %dma_wait3A_503 : memref<1x1x2x40xi32, #tpu.memory_space<hbm>> -> memref<2x40xi32, #tpu.memory_space<hbm>>
        %dma_wait3A_505 = tpu.memref_slice %arg12[%rem3A_494] : memref<4x!tpu.dma_semaphore, #tpu.memory_space<semaphore_mem>> -> memref<1x!tpu.dma_semaphore, #tpu.memory_space<semaphore_mem>>
        %dma_wait3A_506 = tpu.memref_squeeze %dma_wait3A_505 : memref<1x!tpu.dma_semaphore, #tpu.memory_space<semaphore_mem>> -> memref<!tpu.dma_semaphore, #tpu.memory_space<semaphore_mem>>
        %dma_wait3A_507 = arith.constant 0 : i32
        %dma_wait3A_508 = arith.constant 0 : i32
        %dma_wait3A_509 = tpu.memref_slice %arg6[%rem3A_494, %dma_wait3A_507, %dma_wait3A_508] : memref<4x2x40xi32, #tpu.memory_space<vmem>> -> memref<1x2x40xi32, #tpu.memory_space<vmem>>
        %dma_wait3A_510 = tpu.memref_squeeze %dma_wait3A_509 : memref<1x2x40xi32, #tpu.memory_space<vmem>> -> memref<2x40xi32, #tpu.memory_space<vmem>>
        %dma_wait3A_511 = arith.constant 0 : i32
        %dma_wait3A_512 = arith.constant 0 : i32
        %dma_wait3A_513 = tpu.memref_slice %arg3[%add3A, %add3A_496, %dma_wait3A_511, %dma_wait3A_512] : memref<32x125x2x40xi32, #tpu.memory_space<hbm>> -> memref<1x1x2x40xi32, #tpu.memory_space<hbm>>
        %dma_wait3A_514 = tpu.memref_squeeze %dma_wait3A_513 : memref<1x1x2x40xi32, #tpu.memory_space<hbm>> -> memref<2x40xi32, #tpu.memory_space<hbm>>
        tpu.wait_dma2 semaphore(%dma_wait3A_506 : memref<!tpu.dma_semaphore, #tpu.memory_space<semaphore_mem>>) src(%dma_wait3A_514 : memref<2x40xi32, #tpu.memory_space<hbm>>) dst(%dma_wait3A_510 : memref<2x40xi32, #tpu.memory_space<vmem>>)
        %add3A_515 = arith.constant 1 : i32
        %add3A_516 = arith.addi %add3A_408, %add3A_515 : i32
        %dma_wait3A_517 = arith.constant 0 : i32
        %dma_wait3A_518 = arith.constant 0 : i32
        %dma_wait3A_519 = tpu.memref_slice %arg7[%rem3A_494, %dma_wait3A_517, %dma_wait3A_518] : memref<4x2x40xi32, #tpu.memory_space<vmem>> -> memref<1x2x40xi32, #tpu.memory_space<vmem>>
        %dma_wait3A_520 = tpu.memref_squeeze %dma_wait3A_519 : memref<1x2x40xi32, #tpu.memory_space<vmem>> -> memref<2x40xi32, #tpu.memory_space<vmem>>
        %dma_wait3A_521 = arith.constant 0 : i32
        %dma_wait3A_522 = arith.constant 0 : i32
        %dma_wait3A_523 = tpu.memref_slice %arg4[%add3A, %add3A_516, %dma_wait3A_521, %dma_wait3A_522] : memref<32x125x2x40xi32, #tpu.memory_space<hbm>> -> memref<1x1x2x40xi32, #tpu.memory_space<hbm>>
        %dma_wait3A_524 = tpu.memref_squeeze %dma_wait3A_523 : memref<1x1x2x40xi32, #tpu.memory_space<hbm>> -> memref<2x40xi32, #tpu.memory_space<hbm>>
        %dma_wait3A_525 = tpu.memref_slice %arg13[%rem3A_494] : memref<4x!tpu.dma_semaphore, #tpu.memory_space<semaphore_mem>> -> memref<1x!tpu.dma_semaphore, #tpu.memory_space<semaphore_mem>>
        %dma_wait3A_526 = tpu.memref_squeeze %dma_wait3A_525 : memref<1x!tpu.dma_semaphore, #tpu.memory_space<semaphore_mem>> -> memref<!tpu.dma_semaphore, #tpu.memory_space<semaphore_mem>>
        %dma_wait3A_527 = arith.constant 0 : i32
        %dma_wait3A_528 = arith.constant 0 : i32
        %dma_wait3A_529 = tpu.memref_slice %arg7[%rem3A_494, %dma_wait3A_527, %dma_wait3A_528] : memref<4x2x40xi32, #tpu.memory_space<vmem>> -> memref<1x2x40xi32, #tpu.memory_space<vmem>>
        %dma_wait3A_530 = tpu.memref_squeeze %dma_wait3A_529 : memref<1x2x40xi32, #tpu.memory_space<vmem>> -> memref<2x40xi32, #tpu.memory_space<vmem>>
        %dma_wait3A_531 = arith.constant 0 : i32
        %dma_wait3A_532 = arith.constant 0 : i32
        %dma_wait3A_533 = tpu.memref_slice %arg4[%add3A, %add3A_516, %dma_wait3A_531, %dma_wait3A_532] : memref<32x125x2x40xi32, #tpu.memory_space<hbm>> -> memref<1x1x2x40xi32, #tpu.memory_space<hbm>>
        %dma_wait3A_534 = tpu.memref_squeeze %dma_wait3A_533 : memref<1x1x2x40xi32, #tpu.memory_space<hbm>> -> memref<2x40xi32, #tpu.memory_space<hbm>>
        tpu.wait_dma2 semaphore(%dma_wait3A_526 : memref<!tpu.dma_semaphore, #tpu.memory_space<semaphore_mem>>) src(%dma_wait3A_534 : memref<2x40xi32, #tpu.memory_space<hbm>>) dst(%dma_wait3A_530 : memref<2x40xi32, #tpu.memory_space<vmem>>)
        %dma_start3A_535 = arith.constant 0 : i32
        %dma_start3A_536 = arith.constant 0 : i32
        %dma_start3A_537 = arith.constant 0 : i32
        %dma_start3A_538 = arith.constant 0 : i32
        %dma_start3A_539 = arith.constant 0 : i32
        %dma_start3A_540 = tpu.memref_slice %arg8[%rem3A_490, %dma_start3A_536, %dma_start3A_538, %dma_start3A_539] : memref<2x2x40x128xf32, #tpu.memory_space<vmem>> -> memref<1x1x40x128xf32, #tpu.memory_space<vmem>>
        %dma_start3A_541 = tpu.memref_squeeze %dma_start3A_540 : memref<1x1x40x128xf32, #tpu.memory_space<vmem>> -> memref<40x128xf32, #tpu.memory_space<vmem>>
        %dma_start3A_542 = arith.constant 0 : i32
        %dma_start3A_543 = tpu.memref_slice %arg6[%rem3A_494, %dma_start3A_535, %dma_start3A_542] : memref<4x2x40xi32, #tpu.memory_space<vmem>> -> memref<1x1x40xi32, #tpu.memory_space<vmem>>
        %dma_start3A_544 = tpu.memref_squeeze %dma_start3A_543 : memref<1x1x40xi32, #tpu.memory_space<vmem>> -> memref<40xi32, #tpu.memory_space<vmem>>
        %dma_start3A_545 = arith.constant 0 : i32
        %dma_start3A_546 = arith.constant 0 : i32
        %dma_start3A_547 = tpu.memref_slice %arg2[%dma_start3A_545, %dma_start3A_546] : memref<10000x128xf32, #tpu.memory_space<hbm>> -> memref<10000x128xf32, #tpu.memory_space<hbm>>
        %dma_start3A_548 = tpu.memref_slice %arg10[%rem3A_490, %dma_start3A_537] : memref<2x2x!tpu.dma_semaphore, #tpu.memory_space<semaphore_mem>> -> memref<1x1x!tpu.dma_semaphore, #tpu.memory_space<semaphore_mem>>
        %dma_start3A_549 = tpu.memref_squeeze %dma_start3A_548 : memref<1x1x!tpu.dma_semaphore, #tpu.memory_space<semaphore_mem>> -> memref<!tpu.dma_semaphore, #tpu.memory_space<semaphore_mem>>
        tpu.enqueue_indirect_dma source(%dma_start3A_547 : memref<10000x128xf32, #tpu.memory_space<hbm>>) target(%dma_start3A_541 : memref<40x128xf32, #tpu.memory_space<vmem>>) offsets(%dma_start3A_544 : memref<40xi32, #tpu.memory_space<vmem>>) semaphore(%dma_start3A_549 : memref<!tpu.dma_semaphore, #tpu.memory_space<semaphore_mem>>)
        %dma_start3A_550 = arith.constant 1 : i32
        %dma_start3A_551 = arith.constant 1 : i32
        %dma_start3A_552 = arith.constant 1 : i32
        %dma_start3A_553 = arith.constant 0 : i32
        %dma_start3A_554 = arith.constant 0 : i32
        %dma_start3A_555 = tpu.memref_slice %arg8[%rem3A_490, %dma_start3A_551, %dma_start3A_553, %dma_start3A_554] : memref<2x2x40x128xf32, #tpu.memory_space<vmem>> -> memref<1x1x40x128xf32, #tpu.memory_space<vmem>>
        %dma_start3A_556 = tpu.memref_squeeze %dma_start3A_555 : memref<1x1x40x128xf32, #tpu.memory_space<vmem>> -> memref<40x128xf32, #tpu.memory_space<vmem>>
        %dma_start3A_557 = arith.constant 0 : i32
        %dma_start3A_558 = tpu.memref_slice %arg6[%rem3A_494, %dma_start3A_550, %dma_start3A_557] : memref<4x2x40xi32, #tpu.memory_space<vmem>> -> memref<1x1x40xi32, #tpu.memory_space<vmem>>
        %dma_start3A_559 = tpu.memref_squeeze %dma_start3A_558 : memref<1x1x40xi32, #tpu.memory_space<vmem>> -> memref<40xi32, #tpu.memory_space<vmem>>
        %dma_start3A_560 = arith.constant 0 : i32
        %dma_start3A_561 = arith.constant 0 : i32
        %dma_start3A_562 = tpu.memref_slice %arg2[%dma_start3A_560, %dma_start3A_561] : memref<10000x128xf32, #tpu.memory_space<hbm>> -> memref<10000x128xf32, #tpu.memory_space<hbm>>
        %dma_start3A_563 = tpu.memref_slice %arg10[%rem3A_490, %dma_start3A_552] : memref<2x2x!tpu.dma_semaphore, #tpu.memory_space<semaphore_mem>> -> memref<1x1x!tpu.dma_semaphore, #tpu.memory_space<semaphore_mem>>
        %dma_start3A_564 = tpu.memref_squeeze %dma_start3A_563 : memref<1x1x!tpu.dma_semaphore, #tpu.memory_space<semaphore_mem>> -> memref<!tpu.dma_semaphore, #tpu.memory_space<semaphore_mem>>
        tpu.enqueue_indirect_dma source(%dma_start3A_562 : memref<10000x128xf32, #tpu.memory_space<hbm>>) target(%dma_start3A_556 : memref<40x128xf32, #tpu.memory_space<vmem>>) offsets(%dma_start3A_559 : memref<40xi32, #tpu.memory_space<vmem>>) semaphore(%dma_start3A_564 : memref<!tpu.dma_semaphore, #tpu.memory_space<semaphore_mem>>)
      } else {
      }
    }
    %scan3A_185 = arith.constant 125 : i32
    %dma_wait3A_186 = arith.constant 0 : i32
    %dma_wait3A_187 = arith.constant 0 : i32
    %dma_wait3A_188 = arith.constant 0 : i32
    %dma_wait3A_189 = arith.constant 0 : i32
    %dma_wait3A_190 = arith.constant 0 : i32
    %dma_wait3A_191 = arith.constant 0 : i32
    %dma_wait3A_192 = arith.constant 0 : i32
    %dma_wait3A_193 = arith.constant 0 : i32
    %dma_wait3A_194 = tpu.memref_slice %arg8[%dma_wait3A_186, %dma_wait3A_187, %dma_wait3A_192, %dma_wait3A_193] : memref<2x2x40x128xf32, #tpu.memory_space<vmem>> -> memref<1x1x40x128xf32, #tpu.memory_space<vmem>>
    %dma_wait3A_195 = tpu.memref_squeeze %dma_wait3A_194 : memref<1x1x40x128xf32, #tpu.memory_space<vmem>> -> memref<40x128xf32, #tpu.memory_space<vmem>>
    %dma_wait3A_196 = arith.constant 0 : i32
    %dma_wait3A_197 = tpu.memref_slice %arg7[%dma_wait3A_188, %dma_wait3A_189, %dma_wait3A_196] : memref<4x2x40xi32, #tpu.memory_space<vmem>> -> memref<1x1x40xi32, #tpu.memory_space<vmem>>
    %dma_wait3A_198 = tpu.memref_squeeze %dma_wait3A_197 : memref<1x1x40xi32, #tpu.memory_space<vmem>> -> memref<40xi32, #tpu.memory_space<vmem>>
    %dma_wait3A_199 = arith.constant 0 : i32
    %dma_wait3A_200 = arith.constant 0 : i32
    %dma_wait3A_201 = tpu.memref_slice %arg9[%dma_wait3A_199, %dma_wait3A_200] : memref<10112x128xf32, #tpu.memory_space<vmem_shared>> -> memref<10112x128xf32, #tpu.memory_space<vmem_shared>>
    %dma_wait3A_202 = tpu.memref_slice %arg11[%dma_wait3A_190, %dma_wait3A_191] : memref<2x2x!tpu.dma_semaphore, #tpu.memory_space<semaphore_mem>> -> memref<1x1x!tpu.dma_semaphore, #tpu.memory_space<semaphore_mem>>
    %dma_wait3A_203 = tpu.memref_squeeze %dma_wait3A_202 : memref<1x1x!tpu.dma_semaphore, #tpu.memory_space<semaphore_mem>> -> memref<!tpu.dma_semaphore, #tpu.memory_space<semaphore_mem>>
    tpu.wait_indirect_dma semaphore(%dma_wait3A_203 : memref<!tpu.dma_semaphore, #tpu.memory_space<semaphore_mem>>) src(%dma_wait3A_195 : memref<40x128xf32, #tpu.memory_space<vmem>>) dst(%dma_wait3A_201 : memref<10112x128xf32, #tpu.memory_space<vmem_shared>>)
    %dma_wait3A_204 = arith.constant 0 : i32
    %dma_wait3A_205 = arith.constant 1 : i32
    %dma_wait3A_206 = arith.constant 0 : i32
    %dma_wait3A_207 = arith.constant 1 : i32
    %dma_wait3A_208 = arith.constant 0 : i32
    %dma_wait3A_209 = arith.constant 1 : i32
    %dma_wait3A_210 = arith.constant 0 : i32
    %dma_wait3A_211 = arith.constant 0 : i32
    %dma_wait3A_212 = tpu.memref_slice %arg8[%dma_wait3A_204, %dma_wait3A_205, %dma_wait3A_210, %dma_wait3A_211] : memref<2x2x40x128xf32, #tpu.memory_space<vmem>> -> memref<1x1x40x128xf32, #tpu.memory_space<vmem>>
    %dma_wait3A_213 = tpu.memref_squeeze %dma_wait3A_212 : memref<1x1x40x128xf32, #tpu.memory_space<vmem>> -> memref<40x128xf32, #tpu.memory_space<vmem>>
    %dma_wait3A_214 = arith.constant 0 : i32
    %dma_wait3A_215 = tpu.memref_slice %arg7[%dma_wait3A_206, %dma_wait3A_207, %dma_wait3A_214] : memref<4x2x40xi32, #tpu.memory_space<vmem>> -> memref<1x1x40xi32, #tpu.memory_space<vmem>>
    %dma_wait3A_216 = tpu.memref_squeeze %dma_wait3A_215 : memref<1x1x40xi32, #tpu.memory_space<vmem>> -> memref<40xi32, #tpu.memory_space<vmem>>
    %dma_wait3A_217 = arith.constant 0 : i32
    %dma_wait3A_218 = arith.constant 0 : i32
    %dma_wait3A_219 = tpu.memref_slice %arg9[%dma_wait3A_217, %dma_wait3A_218] : memref<10112x128xf32, #tpu.memory_space<vmem_shared>> -> memref<10112x128xf32, #tpu.memory_space<vmem_shared>>
    %dma_wait3A_220 = tpu.memref_slice %arg11[%dma_wait3A_208, %dma_wait3A_209] : memref<2x2x!tpu.dma_semaphore, #tpu.memory_space<semaphore_mem>> -> memref<1x1x!tpu.dma_semaphore, #tpu.memory_space<semaphore_mem>>
    %dma_wait3A_221 = tpu.memref_squeeze %dma_wait3A_220 : memref<1x1x!tpu.dma_semaphore, #tpu.memory_space<semaphore_mem>> -> memref<!tpu.dma_semaphore, #tpu.memory_space<semaphore_mem>>
    tpu.wait_indirect_dma semaphore(%dma_wait3A_221 : memref<!tpu.dma_semaphore, #tpu.memory_space<semaphore_mem>>) src(%dma_wait3A_213 : memref<40x128xf32, #tpu.memory_space<vmem>>) dst(%dma_wait3A_219 : memref<10112x128xf32, #tpu.memory_space<vmem_shared>>)
    %barrier3A_222 = arith.constant 0 : index
    tpu.barrier barrier_id(%barrier3A_222)
    %add3A_223 = arith.constant 0 : i32
    %add3A_224 = arith.addi %mul3A_2, %add3A_223 : i32
    %dma_start3A_225 = arith.constant 0 : i32
    %dma_start3A_226 = arith.constant 0 : i32
    %dma_start3A_227 = arith.constant 0 : i32
    %dma_start3A_228 = arith.constant 0 : i32
    %dma_start3A_229 = arith.constant 0 : i32
    %dma_start3A_230 = arith.constant 0 : i32
    %dma_start3A_231 = tpu.memref_slice %arg8[%dma_start3A_225, %dma_start3A_226, %dma_start3A_229, %dma_start3A_230] : memref<2x2x40x128xf32, #tpu.memory_space<vmem>> -> memref<1x1x40x128xf32, #tpu.memory_space<vmem>>
    %dma_start3A_232 = tpu.memref_squeeze %dma_start3A_231 : memref<1x1x40x128xf32, #tpu.memory_space<vmem>> -> memref<40x128xf32, #tpu.memory_space<vmem>>
    %dma_start3A_233 = arith.constant 0 : i32
    %dma_start3A_234 = tpu.memref_slice %arg9[%add3A_224, %dma_start3A_233] : memref<10112x128xf32, #tpu.memory_space<vmem_shared>> -> memref<40x128xf32, #tpu.memory_space<vmem_shared>>
    %dma_start3A_235 = tpu.memref_slice %arg11[%dma_start3A_227, %dma_start3A_228] : memref<2x2x!tpu.dma_semaphore, #tpu.memory_space<semaphore_mem>> -> memref<1x1x!tpu.dma_semaphore, #tpu.memory_space<semaphore_mem>>
    %dma_start3A_236 = tpu.memref_squeeze %dma_start3A_235 : memref<1x1x!tpu.dma_semaphore, #tpu.memory_space<semaphore_mem>> -> memref<!tpu.dma_semaphore, #tpu.memory_space<semaphore_mem>>
    %dma_start3A_237 = arith.constant 0 : i32
    %dma_start3A_238 = arith.constant 0 : i32
    %dma_start3A_239 = tpu.memref_slice %arg8[%dma_start3A_225, %dma_start3A_226, %dma_start3A_237, %dma_start3A_238] : memref<2x2x40x128xf32, #tpu.memory_space<vmem>> -> memref<1x1x40x128xf32, #tpu.memory_space<vmem>>
    %dma_start3A_240 = tpu.memref_squeeze %dma_start3A_239 : memref<1x1x40x128xf32, #tpu.memory_space<vmem>> -> memref<40x128xf32, #tpu.memory_space<vmem>>
    %dma_start3A_241 = arith.constant 0 : i32
    %dma_start3A_242 = tpu.memref_slice %arg9[%add3A_224, %dma_start3A_241] : memref<10112x128xf32, #tpu.memory_space<vmem_shared>> -> memref<40x128xf32, #tpu.memory_space<vmem_shared>>
    tpu.enqueue_dma source(%dma_start3A_242 : memref<40x128xf32, #tpu.memory_space<vmem_shared>>) target(%dma_start3A_240 : memref<40x128xf32, #tpu.memory_space<vmem>>) target_semaphore(%dma_start3A_236 : memref<!tpu.dma_semaphore, #tpu.memory_space<semaphore_mem>>)
    %add3A_243 = arith.constant 40 : i32
    %add3A_244 = arith.addi %mul3A_2, %add3A_243 : i32
    %dma_start3A_245 = arith.constant 0 : i32
    %dma_start3A_246 = arith.constant 1 : i32
    %dma_start3A_247 = arith.constant 0 : i32
    %dma_start3A_248 = arith.constant 1 : i32
    %dma_start3A_249 = arith.constant 0 : i32
    %dma_start3A_250 = arith.constant 0 : i32
    %dma_start3A_251 = tpu.memref_slice %arg8[%dma_start3A_245, %dma_start3A_246, %dma_start3A_249, %dma_start3A_250] : memref<2x2x40x128xf32, #tpu.memory_space<vmem>> -> memref<1x1x40x128xf32, #tpu.memory_space<vmem>>
    %dma_start3A_252 = tpu.memref_squeeze %dma_start3A_251 : memref<1x1x40x128xf32, #tpu.memory_space<vmem>> -> memref<40x128xf32, #tpu.memory_space<vmem>>
    %dma_start3A_253 = arith.constant 0 : i32
    %dma_start3A_254 = tpu.memref_slice %arg9[%add3A_244, %dma_start3A_253] : memref<10112x128xf32, #tpu.memory_space<vmem_shared>> -> memref<40x128xf32, #tpu.memory_space<vmem_shared>>
    %dma_start3A_255 = tpu.memref_slice %arg11[%dma_start3A_247, %dma_start3A_248] : memref<2x2x!tpu.dma_semaphore, #tpu.memory_space<semaphore_mem>> -> memref<1x1x!tpu.dma_semaphore, #tpu.memory_space<semaphore_mem>>
    %dma_start3A_256 = tpu.memref_squeeze %dma_start3A_255 : memref<1x1x!tpu.dma_semaphore, #tpu.memory_space<semaphore_mem>> -> memref<!tpu.dma_semaphore, #tpu.memory_space<semaphore_mem>>
    %dma_start3A_257 = arith.constant 0 : i32
    %dma_start3A_258 = arith.constant 0 : i32
    %dma_start3A_259 = tpu.memref_slice %arg8[%dma_start3A_245, %dma_start3A_246, %dma_start3A_257, %dma_start3A_258] : memref<2x2x40x128xf32, #tpu.memory_space<vmem>> -> memref<1x1x40x128xf32, #tpu.memory_space<vmem>>
    %dma_start3A_260 = tpu.memref_squeeze %dma_start3A_259 : memref<1x1x40x128xf32, #tpu.memory_space<vmem>> -> memref<40x128xf32, #tpu.memory_space<vmem>>
    %dma_start3A_261 = arith.constant 0 : i32
    %dma_start3A_262 = tpu.memref_slice %arg9[%add3A_244, %dma_start3A_261] : memref<10112x128xf32, #tpu.memory_space<vmem_shared>> -> memref<40x128xf32, #tpu.memory_space<vmem_shared>>
    tpu.enqueue_dma source(%dma_start3A_262 : memref<40x128xf32, #tpu.memory_space<vmem_shared>>) target(%dma_start3A_260 : memref<40x128xf32, #tpu.memory_space<vmem>>) target_semaphore(%dma_start3A_256 : memref<!tpu.dma_semaphore, #tpu.memory_space<semaphore_mem>>)
    %add3A_263 = arith.constant 80 : i32
    %add3A_264 = arith.addi %mul3A_2, %add3A_263 : i32
    %dma_start3A_265 = arith.constant 1 : i32
    %dma_start3A_266 = arith.constant 0 : i32
    %dma_start3A_267 = arith.constant 1 : i32
    %dma_start3A_268 = arith.constant 0 : i32
    %dma_start3A_269 = arith.constant 0 : i32
    %dma_start3A_270 = arith.constant 0 : i32
    %dma_start3A_271 = tpu.memref_slice %arg8[%dma_start3A_265, %dma_start3A_266, %dma_start3A_269, %dma_start3A_270] : memref<2x2x40x128xf32, #tpu.memory_space<vmem>> -> memref<1x1x40x128xf32, #tpu.memory_space<vmem>>
    %dma_start3A_272 = tpu.memref_squeeze %dma_start3A_271 : memref<1x1x40x128xf32, #tpu.memory_space<vmem>> -> memref<40x128xf32, #tpu.memory_space<vmem>>
    %dma_start3A_273 = arith.constant 0 : i32
    %dma_start3A_274 = tpu.memref_slice %arg9[%add3A_264, %dma_start3A_273] : memref<10112x128xf32, #tpu.memory_space<vmem_shared>> -> memref<40x128xf32, #tpu.memory_space<vmem_shared>>
    %dma_start3A_275 = tpu.memref_slice %arg11[%dma_start3A_267, %dma_start3A_268] : memref<2x2x!tpu.dma_semaphore, #tpu.memory_space<semaphore_mem>> -> memref<1x1x!tpu.dma_semaphore, #tpu.memory_space<semaphore_mem>>
    %dma_start3A_276 = tpu.memref_squeeze %dma_start3A_275 : memref<1x1x!tpu.dma_semaphore, #tpu.memory_space<semaphore_mem>> -> memref<!tpu.dma_semaphore, #tpu.memory_space<semaphore_mem>>
    %dma_start3A_277 = arith.constant 0 : i32
    %dma_start3A_278 = arith.constant 0 : i32
    %dma_start3A_279 = tpu.memref_slice %arg8[%dma_start3A_265, %dma_start3A_266, %dma_start3A_277, %dma_start3A_278] : memref<2x2x40x128xf32, #tpu.memory_space<vmem>> -> memref<1x1x40x128xf32, #tpu.memory_space<vmem>>
    %dma_start3A_280 = tpu.memref_squeeze %dma_start3A_279 : memref<1x1x40x128xf32, #tpu.memory_space<vmem>> -> memref<40x128xf32, #tpu.memory_space<vmem>>
    %dma_start3A_281 = arith.constant 0 : i32
    %dma_start3A_282 = tpu.memref_slice %arg9[%add3A_264, %dma_start3A_281] : memref<10112x128xf32, #tpu.memory_space<vmem_shared>> -> memref<40x128xf32, #tpu.memory_space<vmem_shared>>
    tpu.enqueue_dma source(%dma_start3A_282 : memref<40x128xf32, #tpu.memory_space<vmem_shared>>) target(%dma_start3A_280 : memref<40x128xf32, #tpu.memory_space<vmem>>) target_semaphore(%dma_start3A_276 : memref<!tpu.dma_semaphore, #tpu.memory_space<semaphore_mem>>)
    %add3A_283 = arith.constant 120 : i32
    %add3A_284 = arith.addi %mul3A_2, %add3A_283 : i32
    %dma_start3A_285 = arith.constant 1 : i32
    %dma_start3A_286 = arith.constant 1 : i32
    %dma_start3A_287 = arith.constant 1 : i32
    %dma_start3A_288 = arith.constant 1 : i32
    %dma_start3A_289 = arith.constant 0 : i32
    %dma_start3A_290 = arith.constant 0 : i32
    %dma_start3A_291 = tpu.memref_slice %arg8[%dma_start3A_285, %dma_start3A_286, %dma_start3A_289, %dma_start3A_290] : memref<2x2x40x128xf32, #tpu.memory_space<vmem>> -> memref<1x1x40x128xf32, #tpu.memory_space<vmem>>
    %dma_start3A_292 = tpu.memref_squeeze %dma_start3A_291 : memref<1x1x40x128xf32, #tpu.memory_space<vmem>> -> memref<40x128xf32, #tpu.memory_space<vmem>>
    %dma_start3A_293 = arith.constant 0 : i32
    %dma_start3A_294 = tpu.memref_slice %arg9[%add3A_284, %dma_start3A_293] : memref<10112x128xf32, #tpu.memory_space<vmem_shared>> -> memref<40x128xf32, #tpu.memory_space<vmem_shared>>
    %dma_start3A_295 = tpu.memref_slice %arg11[%dma_start3A_287, %dma_start3A_288] : memref<2x2x!tpu.dma_semaphore, #tpu.memory_space<semaphore_mem>> -> memref<1x1x!tpu.dma_semaphore, #tpu.memory_space<semaphore_mem>>
    %dma_start3A_296 = tpu.memref_squeeze %dma_start3A_295 : memref<1x1x!tpu.dma_semaphore, #tpu.memory_space<semaphore_mem>> -> memref<!tpu.dma_semaphore, #tpu.memory_space<semaphore_mem>>
    %dma_start3A_297 = arith.constant 0 : i32
    %dma_start3A_298 = arith.constant 0 : i32
    %dma_start3A_299 = tpu.memref_slice %arg8[%dma_start3A_285, %dma_start3A_286, %dma_start3A_297, %dma_start3A_298] : memref<2x2x40x128xf32, #tpu.memory_space<vmem>> -> memref<1x1x40x128xf32, #tpu.memory_space<vmem>>
    %dma_start3A_300 = tpu.memref_squeeze %dma_start3A_299 : memref<1x1x40x128xf32, #tpu.memory_space<vmem>> -> memref<40x128xf32, #tpu.memory_space<vmem>>
    %dma_start3A_301 = arith.constant 0 : i32
    %dma_start3A_302 = tpu.memref_slice %arg9[%add3A_284, %dma_start3A_301] : memref<10112x128xf32, #tpu.memory_space<vmem_shared>> -> memref<40x128xf32, #tpu.memory_space<vmem_shared>>
    tpu.enqueue_dma source(%dma_start3A_302 : memref<40x128xf32, #tpu.memory_space<vmem_shared>>) target(%dma_start3A_300 : memref<40x128xf32, #tpu.memory_space<vmem>>) target_semaphore(%dma_start3A_296 : memref<!tpu.dma_semaphore, #tpu.memory_space<semaphore_mem>>)
    %scan3A_303 = arith.constant 0 : i32
    %scan3A_304 = arith.constant 15 : i32
    %scan3A_305 = arith.addi %scan3A_303, %scan3A_304 : i32
    %scan3A_306 = arith.constant 1 : i32
    scf.for %scan3A_404 = %scan3A_303 to %scan3A_305 step %scan3A_306  : i32 {
      %mul3A_405 = arith.constant 1 : i32
      %mul3A_406 = arith.muli %scan3A_404, %mul3A_405 : i32
      %add3A_407 = arith.constant 0 : i32
      %add3A_408 = arith.addi %add3A_407, %mul3A_406 : i32
      %rem3A = arith.constant 4 : i32
      %rem3A_409 = arith.remsi %add3A_408, %rem3A : i32
      %jit3A = arith.constant 2 : i32
      %div3A = arith.divsi %rem3A_409, %jit3A : i32
      %sign3A = arith.constant 0 : i32
      %sign3A_410 = arith.cmpi sgt, %rem3A_409, %sign3A : i32
      %sign3A_411 = arith.extui %sign3A_410 : i1 to i32
      %sign3A_412 = arith.constant 0 : i32
      %sign3A_413 = arith.cmpi slt, %rem3A_409, %sign3A_412 : i32
      %sign3A_414 = arith.extui %sign3A_413 : i1 to i32
      %sign3A_415 = arith.subi %sign3A_411, %sign3A_414 : i32
      %sign3A_416 = arith.constant 0 : i32
      %sign3A_417 = arith.cmpi sgt, %jit3A, %sign3A_416 : i32
      %sign3A_418 = arith.extui %sign3A_417 : i1 to i32
      %sign3A_419 = arith.constant 0 : i32
      %sign3A_420 = arith.cmpi slt, %jit3A, %sign3A_419 : i32
      %sign3A_421 = arith.extui %sign3A_420 : i1 to i32
      %sign3A_422 = arith.subi %sign3A_418, %sign3A_421 : i32
      %ne3A = arith.cmpi ne, %sign3A_415, %sign3A_422 : i32
      %rem3A_423 = arith.remsi %rem3A_409, %jit3A : i32
      %ne3A_424 = arith.constant 0 : i32
      %ne3A_425 = arith.cmpi ne, %rem3A_423, %ne3A_424 : i32
      %and3A = arith.andi %ne3A, %ne3A_425 : i1
      %sub3A = arith.constant 1 : i32
      %sub3A_426 = arith.subi %div3A, %sub3A : i32
      %select_n3A = arith.select %and3A, %sub3A_426, %div3A : i32
      %rem3A_427 = arith.constant 2 : i32
      %rem3A_428 = arith.remsi %rem3A_409, %rem3A_427 : i32
      %mul3A_429 = arith.constant 40 : i32
      %mul3A_430 = arith.muli %add3A_408, %mul3A_429 : i32
      %add3A_431 = arith.addi %mul3A_2, %mul3A_430 : i32
      %dma_wait3A_432 = arith.constant 0 : i32
      %dma_wait3A_433 = arith.constant 0 : i32
      %dma_wait3A_434 = tpu.memref_slice %arg8[%select_n3A, %rem3A_428, %dma_wait3A_432, %dma_wait3A_433] : memref<2x2x40x128xf32, #tpu.memory_space<vmem>> -> memref<1x1x40x128xf32, #tpu.memory_space<vmem>>
      %dma_wait3A_435 = tpu.memref_squeeze %dma_wait3A_434 : memref<1x1x40x128xf32, #tpu.memory_space<vmem>> -> memref<40x128xf32, #tpu.memory_space<vmem>>
      %dma_wait3A_436 = arith.constant 0 : i32
      %dma_wait3A_437 = tpu.memref_slice %arg9[%add3A_431, %dma_wait3A_436] : memref<10112x128xf32, #tpu.memory_space<vmem_shared>> -> memref<40x128xf32, #tpu.memory_space<vmem_shared>>
      %dma_wait3A_438 = tpu.memref_slice %arg11[%select_n3A, %rem3A_428] : memref<2x2x!tpu.dma_semaphore, #tpu.memory_space<semaphore_mem>> -> memref<1x1x!tpu.dma_semaphore, #tpu.memory_space<semaphore_mem>>
      %dma_wait3A_439 = tpu.memref_squeeze %dma_wait3A_438 : memref<1x1x!tpu.dma_semaphore, #tpu.memory_space<semaphore_mem>> -> memref<!tpu.dma_semaphore, #tpu.memory_space<semaphore_mem>>
      %dma_wait3A_440 = arith.constant 0 : i32
      %dma_wait3A_441 = arith.constant 0 : i32
      %dma_wait3A_442 = tpu.memref_slice %arg8[%select_n3A, %rem3A_428, %dma_wait3A_440, %dma_wait3A_441] : memref<2x2x40x128xf32, #tpu.memory_space<vmem>> -> memref<1x1x40x128xf32, #tpu.memory_space<vmem>>
      %dma_wait3A_443 = tpu.memref_squeeze %dma_wait3A_442 : memref<1x1x40x128xf32, #tpu.memory_space<vmem>> -> memref<40x128xf32, #tpu.memory_space<vmem>>
      %dma_wait3A_444 = arith.constant 0 : i32
      %dma_wait3A_445 = tpu.memref_slice %arg9[%add3A_431, %dma_wait3A_444] : memref<10112x128xf32, #tpu.memory_space<vmem_shared>> -> memref<40x128xf32, #tpu.memory_space<vmem_shared>>
      tpu.wait_dma2 semaphore(%dma_wait3A_439 : memref<!tpu.dma_semaphore, #tpu.memory_space<semaphore_mem>>) src(%dma_wait3A_445 : memref<40x128xf32, #tpu.memory_space<vmem_shared>>) dst(%dma_wait3A_443 : memref<40x128xf32, #tpu.memory_space<vmem>>)
      %mul3A_446 = arith.constant 40 : i32
      %mul3A_447 = arith.muli %add3A_408, %mul3A_446 : i32
      %add3A_448 = arith.addi %mul3A_2, %mul3A_447 : i32
      %dma_start3A_449 = arith.constant 0 : i32
      %dma_start3A_450 = arith.constant 0 : i32
      %dma_start3A_451 = tpu.memref_slice %arg8[%select_n3A, %rem3A_428, %dma_start3A_449, %dma_start3A_450] : memref<2x2x40x128xf32, #tpu.memory_space<vmem>> -> memref<1x1x40x128xf32, #tpu.memory_space<vmem>>
      %dma_start3A_452 = tpu.memref_squeeze %dma_start3A_451 : memref<1x1x40x128xf32, #tpu.memory_space<vmem>> -> memref<40x128xf32, #tpu.memory_space<vmem>>
      %dma_start3A_453 = arith.constant 0 : i32
      %dma_start3A_454 = tpu.memref_slice %arg5[%arg0, %add3A_448, %dma_start3A_453] : memref<2x10112x128xf32, #tpu.memory_space<hbm>> -> memref<1x40x128xf32, #tpu.memory_space<hbm>>
      %dma_start3A_455 = tpu.memref_squeeze %dma_start3A_454 : memref<1x40x128xf32, #tpu.memory_space<hbm>> -> memref<40x128xf32, #tpu.memory_space<hbm>>
      %dma_start3A_456 = tpu.memref_slice %arg10[%select_n3A, %rem3A_428] : memref<2x2x!tpu.dma_semaphore, #tpu.memory_space<semaphore_mem>> -> memref<1x1x!tpu.dma_semaphore, #tpu.memory_space<semaphore_mem>>
      %dma_start3A_457 = tpu.memref_squeeze %dma_start3A_456 : memref<1x1x!tpu.dma_semaphore, #tpu.memory_space<semaphore_mem>> -> memref<!tpu.dma_semaphore, #tpu.memory_space<semaphore_mem>>
      %dma_start3A_458 = arith.constant 0 : i32
      %dma_start3A_459 = tpu.memref_slice %arg5[%arg0, %add3A_448, %dma_start3A_458] : memref<2x10112x128xf32, #tpu.memory_space<hbm>> -> memref<1x40x128xf32, #tpu.memory_space<hbm>>
      %dma_start3A_460 = tpu.memref_squeeze %dma_start3A_459 : memref<1x40x128xf32, #tpu.memory_space<hbm>> -> memref<40x128xf32, #tpu.memory_space<hbm>>
      %dma_start3A_461 = arith.constant 0 : i32
      %dma_start3A_462 = arith.constant 0 : i32
      %dma_start3A_463 = tpu.memref_slice %arg8[%select_n3A, %rem3A_428, %dma_start3A_461, %dma_start3A_462] : memref<2x2x40x128xf32, #tpu.memory_space<vmem>> -> memref<1x1x40x128xf32, #tpu.memory_space<vmem>>
      %dma_start3A_464 = tpu.memref_squeeze %dma_start3A_463 : memref<1x1x40x128xf32, #tpu.memory_space<vmem>> -> memref<40x128xf32, #tpu.memory_space<vmem>>
      tpu.enqueue_dma source(%dma_start3A_464 : memref<40x128xf32, #tpu.memory_space<vmem>>) target(%dma_start3A_460 : memref<40x128xf32, #tpu.memory_space<hbm>>) target_semaphore(%dma_start3A_457 : memref<!tpu.dma_semaphore, #tpu.memory_space<semaphore_mem>>)
      %add3A_465 = arith.constant 4 : i32
      %add3A_466 = arith.addi %add3A_408, %add3A_465 : i32
      %lt3A = arith.constant 15 : i32
      %lt3A_467 = arith.cmpi slt, %add3A_466, %lt3A : i32
      %convert_element_type3A = arith.extui %lt3A_467 : i1 to i32
      %cond3A = arith.constant 0 : i32
      %cond3A_468 = arith.cmpi ne, %convert_element_type3A, %cond3A : i32
      scf.if %cond3A_468 {
        %mul3A_469 = arith.constant 40 : i32
        %mul3A_470 = arith.muli %add3A_408, %mul3A_469 : i32
        %add3A_471 = arith.addi %mul3A_2, %mul3A_470 : i32
        %dma_wait3A_472 = arith.constant 0 : i32
        %dma_wait3A_473 = arith.constant 0 : i32
        %dma_wait3A_474 = tpu.memref_slice %arg8[%select_n3A, %rem3A_428, %dma_wait3A_472, %dma_wait3A_473] : memref<2x2x40x128xf32, #tpu.memory_space<vmem>> -> memref<1x1x40x128xf32, #tpu.memory_space<vmem>>
        %dma_wait3A_475 = tpu.memref_squeeze %dma_wait3A_474 : memref<1x1x40x128xf32, #tpu.memory_space<vmem>> -> memref<40x128xf32, #tpu.memory_space<vmem>>
        %dma_wait3A_476 = arith.constant 0 : i32
        %dma_wait3A_477 = tpu.memref_slice %arg5[%arg0, %add3A_471, %dma_wait3A_476] : memref<2x10112x128xf32, #tpu.memory_space<hbm>> -> memref<1x40x128xf32, #tpu.memory_space<hbm>>
        %dma_wait3A_478 = tpu.memref_squeeze %dma_wait3A_477 : memref<1x40x128xf32, #tpu.memory_space<hbm>> -> memref<40x128xf32, #tpu.memory_space<hbm>>
        %dma_wait3A_479 = tpu.memref_slice %arg10[%select_n3A, %rem3A_428] : memref<2x2x!tpu.dma_semaphore, #tpu.memory_space<semaphore_mem>> -> memref<1x1x!tpu.dma_semaphore, #tpu.memory_space<semaphore_mem>>
        %dma_wait3A_480 = tpu.memref_squeeze %dma_wait3A_479 : memref<1x1x!tpu.dma_semaphore, #tpu.memory_space<semaphore_mem>> -> memref<!tpu.dma_semaphore, #tpu.memory_space<semaphore_mem>>
        %dma_wait3A_481 = arith.constant 0 : i32
        %dma_wait3A_482 = tpu.memref_slice %arg5[%arg0, %add3A_471, %dma_wait3A_481] : memref<2x10112x128xf32, #tpu.memory_space<hbm>> -> memref<1x40x128xf32, #tpu.memory_space<hbm>>
        %dma_wait3A_483 = tpu.memref_squeeze %dma_wait3A_482 : memref<1x40x128xf32, #tpu.memory_space<hbm>> -> memref<40x128xf32, #tpu.memory_space<hbm>>
        %dma_wait3A_484 = arith.constant 0 : i32
        %dma_wait3A_485 = arith.constant 0 : i32
        %dma_wait3A_486 = tpu.memref_slice %arg8[%select_n3A, %rem3A_428, %dma_wait3A_484, %dma_wait3A_485] : memref<2x2x40x128xf32, #tpu.memory_space<vmem>> -> memref<1x1x40x128xf32, #tpu.memory_space<vmem>>
        %dma_wait3A_487 = tpu.memref_squeeze %dma_wait3A_486 : memref<1x1x40x128xf32, #tpu.memory_space<vmem>> -> memref<40x128xf32, #tpu.memory_space<vmem>>
        tpu.wait_dma2 semaphore(%dma_wait3A_480 : memref<!tpu.dma_semaphore, #tpu.memory_space<semaphore_mem>>) src(%dma_wait3A_487 : memref<40x128xf32, #tpu.memory_space<vmem>>) dst(%dma_wait3A_483 : memref<40x128xf32, #tpu.memory_space<hbm>>)
        %add3A_488 = arith.constant 4 : i32
        %add3A_489 = arith.addi %add3A_408, %add3A_488 : i32
        %mul3A_490 = arith.constant 40 : i32
        %mul3A_491 = arith.muli %add3A_489, %mul3A_490 : i32
        %add3A_492 = arith.addi %mul3A_2, %mul3A_491 : i32
        %dma_start3A_493 = arith.constant 0 : i32
        %dma_start3A_494 = arith.constant 0 : i32
        %dma_start3A_495 = tpu.memref_slice %arg8[%select_n3A, %rem3A_428, %dma_start3A_493, %dma_start3A_494] : memref<2x2x40x128xf32, #tpu.memory_space<vmem>> -> memref<1x1x40x128xf32, #tpu.memory_space<vmem>>
        %dma_start3A_496 = tpu.memref_squeeze %dma_start3A_495 : memref<1x1x40x128xf32, #tpu.memory_space<vmem>> -> memref<40x128xf32, #tpu.memory_space<vmem>>
        %dma_start3A_497 = arith.constant 0 : i32
        %dma_start3A_498 = tpu.memref_slice %arg9[%add3A_492, %dma_start3A_497] : memref<10112x128xf32, #tpu.memory_space<vmem_shared>> -> memref<40x128xf32, #tpu.memory_space<vmem_shared>>
        %dma_start3A_499 = tpu.memref_slice %arg11[%select_n3A, %rem3A_428] : memref<2x2x!tpu.dma_semaphore, #tpu.memory_space<semaphore_mem>> -> memref<1x1x!tpu.dma_semaphore, #tpu.memory_space<semaphore_mem>>
        %dma_start3A_500 = tpu.memref_squeeze %dma_start3A_499 : memref<1x1x!tpu.dma_semaphore, #tpu.memory_space<semaphore_mem>> -> memref<!tpu.dma_semaphore, #tpu.memory_space<semaphore_mem>>
        %dma_start3A_501 = arith.constant 0 : i32
        %dma_start3A_502 = arith.constant 0 : i32
        %dma_start3A_503 = tpu.memref_slice %arg8[%select_n3A, %rem3A_428, %dma_start3A_501, %dma_start3A_502] : memref<2x2x40x128xf32, #tpu.memory_space<vmem>> -> memref<1x1x40x128xf32, #tpu.memory_space<vmem>>
        %dma_start3A_504 = tpu.memref_squeeze %dma_start3A_503 : memref<1x1x40x128xf32, #tpu.memory_space<vmem>> -> memref<40x128xf32, #tpu.memory_space<vmem>>
        %dma_start3A_505 = arith.constant 0 : i32
        %dma_start3A_506 = tpu.memref_slice %arg9[%add3A_492, %dma_start3A_505] : memref<10112x128xf32, #tpu.memory_space<vmem_shared>> -> memref<40x128xf32, #tpu.memory_space<vmem_shared>>
        tpu.enqueue_dma source(%dma_start3A_506 : memref<40x128xf32, #tpu.memory_space<vmem_shared>>) target(%dma_start3A_504 : memref<40x128xf32, #tpu.memory_space<vmem>>) target_semaphore(%dma_start3A_500 : memref<!tpu.dma_semaphore, #tpu.memory_space<semaphore_mem>>)
      } else {
      }
    }
    %scan3A_307 = arith.constant 15 : i32
    %add3A_308 = arith.constant 440 : i32
    %add3A_309 = arith.addi %mul3A_2, %add3A_308 : i32
    %dma_wait3A_310 = arith.constant 1 : i32
    %dma_wait3A_311 = arith.constant 1 : i32
    %dma_wait3A_312 = arith.constant 1 : i32
    %dma_wait3A_313 = arith.constant 1 : i32
    %dma_wait3A_314 = arith.constant 0 : i32
    %dma_wait3A_315 = arith.constant 0 : i32
    %dma_wait3A_316 = tpu.memref_slice %arg8[%dma_wait3A_310, %dma_wait3A_311, %dma_wait3A_314, %dma_wait3A_315] : memref<2x2x40x128xf32, #tpu.memory_space<vmem>> -> memref<1x1x40x128xf32, #tpu.memory_space<vmem>>
    %dma_wait3A_317 = tpu.memref_squeeze %dma_wait3A_316 : memref<1x1x40x128xf32, #tpu.memory_space<vmem>> -> memref<40x128xf32, #tpu.memory_space<vmem>>
    %dma_wait3A_318 = arith.constant 0 : i32
    %dma_wait3A_319 = tpu.memref_slice %arg5[%arg0, %add3A_309, %dma_wait3A_318] : memref<2x10112x128xf32, #tpu.memory_space<hbm>> -> memref<1x40x128xf32, #tpu.memory_space<hbm>>
    %dma_wait3A_320 = tpu.memref_squeeze %dma_wait3A_319 : memref<1x40x128xf32, #tpu.memory_space<hbm>> -> memref<40x128xf32, #tpu.memory_space<hbm>>
    %dma_wait3A_321 = tpu.memref_slice %arg10[%dma_wait3A_312, %dma_wait3A_313] : memref<2x2x!tpu.dma_semaphore, #tpu.memory_space<semaphore_mem>> -> memref<1x1x!tpu.dma_semaphore, #tpu.memory_space<semaphore_mem>>
    %dma_wait3A_322 = tpu.memref_squeeze %dma_wait3A_321 : memref<1x1x!tpu.dma_semaphore, #tpu.memory_space<semaphore_mem>> -> memref<!tpu.dma_semaphore, #tpu.memory_space<semaphore_mem>>
    %dma_wait3A_323 = arith.constant 0 : i32
    %dma_wait3A_324 = tpu.memref_slice %arg5[%arg0, %add3A_309, %dma_wait3A_323] : memref<2x10112x128xf32, #tpu.memory_space<hbm>> -> memref<1x40x128xf32, #tpu.memory_space<hbm>>
    %dma_wait3A_325 = tpu.memref_squeeze %dma_wait3A_324 : memref<1x40x128xf32, #tpu.memory_space<hbm>> -> memref<40x128xf32, #tpu.memory_space<hbm>>
    %dma_wait3A_326 = arith.constant 0 : i32
    %dma_wait3A_327 = arith.constant 0 : i32
    %dma_wait3A_328 = tpu.memref_slice %arg8[%dma_wait3A_310, %dma_wait3A_311, %dma_wait3A_326, %dma_wait3A_327] : memref<2x2x40x128xf32, #tpu.memory_space<vmem>> -> memref<1x1x40x128xf32, #tpu.memory_space<vmem>>
    %dma_wait3A_329 = tpu.memref_squeeze %dma_wait3A_328 : memref<1x1x40x128xf32, #tpu.memory_space<vmem>> -> memref<40x128xf32, #tpu.memory_space<vmem>>
    tpu.wait_dma2 semaphore(%dma_wait3A_322 : memref<!tpu.dma_semaphore, #tpu.memory_space<semaphore_mem>>) src(%dma_wait3A_329 : memref<40x128xf32, #tpu.memory_space<vmem>>) dst(%dma_wait3A_325 : memref<40x128xf32, #tpu.memory_space<hbm>>)
    %add3A_330 = arith.constant 480 : i32
    %add3A_331 = arith.addi %mul3A_2, %add3A_330 : i32
    %dma_wait3A_332 = arith.constant 0 : i32
    %dma_wait3A_333 = arith.constant 0 : i32
    %dma_wait3A_334 = arith.constant 0 : i32
    %dma_wait3A_335 = arith.constant 0 : i32
    %dma_wait3A_336 = arith.constant 0 : i32
    %dma_wait3A_337 = arith.constant 0 : i32
    %dma_wait3A_338 = tpu.memref_slice %arg8[%dma_wait3A_332, %dma_wait3A_333, %dma_wait3A_336, %dma_wait3A_337] : memref<2x2x40x128xf32, #tpu.memory_space<vmem>> -> memref<1x1x40x128xf32, #tpu.memory_space<vmem>>
    %dma_wait3A_339 = tpu.memref_squeeze %dma_wait3A_338 : memref<1x1x40x128xf32, #tpu.memory_space<vmem>> -> memref<40x128xf32, #tpu.memory_space<vmem>>
    %dma_wait3A_340 = arith.constant 0 : i32
    %dma_wait3A_341 = tpu.memref_slice %arg5[%arg0, %add3A_331, %dma_wait3A_340] : memref<2x10112x128xf32, #tpu.memory_space<hbm>> -> memref<1x40x128xf32, #tpu.memory_space<hbm>>
    %dma_wait3A_342 = tpu.memref_squeeze %dma_wait3A_341 : memref<1x40x128xf32, #tpu.memory_space<hbm>> -> memref<40x128xf32, #tpu.memory_space<hbm>>
    %dma_wait3A_343 = tpu.memref_slice %arg10[%dma_wait3A_334, %dma_wait3A_335] : memref<2x2x!tpu.dma_semaphore, #tpu.memory_space<semaphore_mem>> -> memref<1x1x!tpu.dma_semaphore, #tpu.memory_space<semaphore_mem>>
    %dma_wait3A_344 = tpu.memref_squeeze %dma_wait3A_343 : memref<1x1x!tpu.dma_semaphore, #tpu.memory_space<semaphore_mem>> -> memref<!tpu.dma_semaphore, #tpu.memory_space<semaphore_mem>>
    %dma_wait3A_345 = arith.constant 0 : i32
    %dma_wait3A_346 = tpu.memref_slice %arg5[%arg0, %add3A_331, %dma_wait3A_345] : memref<2x10112x128xf32, #tpu.memory_space<hbm>> -> memref<1x40x128xf32, #tpu.memory_space<hbm>>
    %dma_wait3A_347 = tpu.memref_squeeze %dma_wait3A_346 : memref<1x40x128xf32, #tpu.memory_space<hbm>> -> memref<40x128xf32, #tpu.memory_space<hbm>>
    %dma_wait3A_348 = arith.constant 0 : i32
    %dma_wait3A_349 = arith.constant 0 : i32
    %dma_wait3A_350 = tpu.memref_slice %arg8[%dma_wait3A_332, %dma_wait3A_333, %dma_wait3A_348, %dma_wait3A_349] : memref<2x2x40x128xf32, #tpu.memory_space<vmem>> -> memref<1x1x40x128xf32, #tpu.memory_space<vmem>>
    %dma_wait3A_351 = tpu.memref_squeeze %dma_wait3A_350 : memref<1x1x40x128xf32, #tpu.memory_space<vmem>> -> memref<40x128xf32, #tpu.memory_space<vmem>>
    tpu.wait_dma2 semaphore(%dma_wait3A_344 : memref<!tpu.dma_semaphore, #tpu.memory_space<semaphore_mem>>) src(%dma_wait3A_351 : memref<40x128xf32, #tpu.memory_space<vmem>>) dst(%dma_wait3A_347 : memref<40x128xf32, #tpu.memory_space<hbm>>)
    %add3A_352 = arith.constant 520 : i32
    %add3A_353 = arith.addi %mul3A_2, %add3A_352 : i32
    %dma_wait3A_354 = arith.constant 0 : i32
    %dma_wait3A_355 = arith.constant 1 : i32
    %dma_wait3A_356 = arith.constant 0 : i32
    %dma_wait3A_357 = arith.constant 1 : i32
    %dma_wait3A_358 = arith.constant 0 : i32
    %dma_wait3A_359 = arith.constant 0 : i32
    %dma_wait3A_360 = tpu.memref_slice %arg8[%dma_wait3A_354, %dma_wait3A_355, %dma_wait3A_358, %dma_wait3A_359] : memref<2x2x40x128xf32, #tpu.memory_space<vmem>> -> memref<1x1x40x128xf32, #tpu.memory_space<vmem>>
    %dma_wait3A_361 = tpu.memref_squeeze %dma_wait3A_360 : memref<1x1x40x128xf32, #tpu.memory_space<vmem>> -> memref<40x128xf32, #tpu.memory_space<vmem>>
    %dma_wait3A_362 = arith.constant 0 : i32
    %dma_wait3A_363 = tpu.memref_slice %arg5[%arg0, %add3A_353, %dma_wait3A_362] : memref<2x10112x128xf32, #tpu.memory_space<hbm>> -> memref<1x40x128xf32, #tpu.memory_space<hbm>>
    %dma_wait3A_364 = tpu.memref_squeeze %dma_wait3A_363 : memref<1x40x128xf32, #tpu.memory_space<hbm>> -> memref<40x128xf32, #tpu.memory_space<hbm>>
    %dma_wait3A_365 = tpu.memref_slice %arg10[%dma_wait3A_356, %dma_wait3A_357] : memref<2x2x!tpu.dma_semaphore, #tpu.memory_space<semaphore_mem>> -> memref<1x1x!tpu.dma_semaphore, #tpu.memory_space<semaphore_mem>>
    %dma_wait3A_366 = tpu.memref_squeeze %dma_wait3A_365 : memref<1x1x!tpu.dma_semaphore, #tpu.memory_space<semaphore_mem>> -> memref<!tpu.dma_semaphore, #tpu.memory_space<semaphore_mem>>
    %dma_wait3A_367 = arith.constant 0 : i32
    %dma_wait3A_368 = tpu.memref_slice %arg5[%arg0, %add3A_353, %dma_wait3A_367] : memref<2x10112x128xf32, #tpu.memory_space<hbm>> -> memref<1x40x128xf32, #tpu.memory_space<hbm>>
    %dma_wait3A_369 = tpu.memref_squeeze %dma_wait3A_368 : memref<1x40x128xf32, #tpu.memory_space<hbm>> -> memref<40x128xf32, #tpu.memory_space<hbm>>
    %dma_wait3A_370 = arith.constant 0 : i32
    %dma_wait3A_371 = arith.constant 0 : i32
    %dma_wait3A_372 = tpu.memref_slice %arg8[%dma_wait3A_354, %dma_wait3A_355, %dma_wait3A_370, %dma_wait3A_371] : memref<2x2x40x128xf32, #tpu.memory_space<vmem>> -> memref<1x1x40x128xf32, #tpu.memory_space<vmem>>
    %dma_wait3A_373 = tpu.memref_squeeze %dma_wait3A_372 : memref<1x1x40x128xf32, #tpu.memory_space<vmem>> -> memref<40x128xf32, #tpu.memory_space<vmem>>
    tpu.wait_dma2 semaphore(%dma_wait3A_366 : memref<!tpu.dma_semaphore, #tpu.memory_space<semaphore_mem>>) src(%dma_wait3A_373 : memref<40x128xf32, #tpu.memory_space<vmem>>) dst(%dma_wait3A_369 : memref<40x128xf32, #tpu.memory_space<hbm>>)
    %add3A_374 = arith.constant 560 : i32
    %add3A_375 = arith.addi %mul3A_2, %add3A_374 : i32
    %dma_wait3A_376 = arith.constant 1 : i32
    %dma_wait3A_377 = arith.constant 0 : i32
    %dma_wait3A_378 = arith.constant 1 : i32
    %dma_wait3A_379 = arith.constant 0 : i32
    %dma_wait3A_380 = arith.constant 0 : i32
    %dma_wait3A_381 = arith.constant 0 : i32
    %dma_wait3A_382 = tpu.memref_slice %arg8[%dma_wait3A_376, %dma_wait3A_377, %dma_wait3A_380, %dma_wait3A_381] : memref<2x2x40x128xf32, #tpu.memory_space<vmem>> -> memref<1x1x40x128xf32, #tpu.memory_space<vmem>>
    %dma_wait3A_383 = tpu.memref_squeeze %dma_wait3A_382 : memref<1x1x40x128xf32, #tpu.memory_space<vmem>> -> memref<40x128xf32, #tpu.memory_space<vmem>>
    %dma_wait3A_384 = arith.constant 0 : i32
    %dma_wait3A_385 = tpu.memref_slice %arg5[%arg0, %add3A_375, %dma_wait3A_384] : memref<2x10112x128xf32, #tpu.memory_space<hbm>> -> memref<1x40x128xf32, #tpu.memory_space<hbm>>
    %dma_wait3A_386 = tpu.memref_squeeze %dma_wait3A_385 : memref<1x40x128xf32, #tpu.memory_space<hbm>> -> memref<40x128xf32, #tpu.memory_space<hbm>>
    %dma_wait3A_387 = tpu.memref_slice %arg10[%dma_wait3A_378, %dma_wait3A_379] : memref<2x2x!tpu.dma_semaphore, #tpu.memory_space<semaphore_mem>> -> memref<1x1x!tpu.dma_semaphore, #tpu.memory_space<semaphore_mem>>
    %dma_wait3A_388 = tpu.memref_squeeze %dma_wait3A_387 : memref<1x1x!tpu.dma_semaphore, #tpu.memory_space<semaphore_mem>> -> memref<!tpu.dma_semaphore, #tpu.memory_space<semaphore_mem>>
    %dma_wait3A_389 = arith.constant 0 : i32
    %dma_wait3A_390 = tpu.memref_slice %arg5[%arg0, %add3A_375, %dma_wait3A_389] : memref<2x10112x128xf32, #tpu.memory_space<hbm>> -> memref<1x40x128xf32, #tpu.memory_space<hbm>>
    %dma_wait3A_391 = tpu.memref_squeeze %dma_wait3A_390 : memref<1x40x128xf32, #tpu.memory_space<hbm>> -> memref<40x128xf32, #tpu.memory_space<hbm>>
    %dma_wait3A_392 = arith.constant 0 : i32
    %dma_wait3A_393 = arith.constant 0 : i32
    %dma_wait3A_394 = tpu.memref_slice %arg8[%dma_wait3A_376, %dma_wait3A_377, %dma_wait3A_392, %dma_wait3A_393] : memref<2x2x40x128xf32, #tpu.memory_space<vmem>> -> memref<1x1x40x128xf32, #tpu.memory_space<vmem>>
    %dma_wait3A_395 = tpu.memref_squeeze %dma_wait3A_394 : memref<1x1x40x128xf32, #tpu.memory_space<vmem>> -> memref<40x128xf32, #tpu.memory_space<vmem>>
    tpu.wait_dma2 semaphore(%dma_wait3A_388 : memref<!tpu.dma_semaphore, #tpu.memory_space<semaphore_mem>>) src(%dma_wait3A_395 : memref<40x128xf32, #tpu.memory_space<vmem>>) dst(%dma_wait3A_391 : memref<40x128xf32, #tpu.memory_space<hbm>>)
    %add3A_396 = arith.constant 600 : i32
    %add3A_397 = arith.addi %mul3A_2, %add3A_396 : i32
    %run_scoped3A_398 = arith.constant 0 : i32
    %run_scoped3A_399 = arith.constant 0 : i32
    "tpu.region"() ({
      %run_scoped3A_404 = tpu.sem_alloc : memref<!tpu.dma_semaphore, #tpu.memory_space<semaphore_mem>>
      %dma_start3A_405 = arith.constant 0 : i32
      %dma_start3A_406 = arith.constant 0 : i32
      %dma_start3A_407 = tpu.memref_slice %arg8[%run_scoped3A_398, %run_scoped3A_399, %dma_start3A_405, %dma_start3A_406] : memref<2x2x40x128xf32, #tpu.memory_space<vmem>> -> memref<1x1x32x128xf32, #tpu.memory_space<vmem>>
      %dma_start3A_408 = tpu.memref_squeeze %dma_start3A_407 : memref<1x1x32x128xf32, #tpu.memory_space<vmem>> -> memref<32x128xf32, #tpu.memory_space<vmem>>
      %dma_start3A_409 = arith.constant 0 : i32
      %dma_start3A_410 = tpu.memref_slice %arg9[%add3A_397, %dma_start3A_409] : memref<10112x128xf32, #tpu.memory_space<vmem_shared>> -> memref<32x128xf32, #tpu.memory_space<vmem_shared>>
      %dma_start3A_411 = arith.constant 0 : i32
      %dma_start3A_412 = arith.constant 0 : i32
      %dma_start3A_413 = tpu.memref_slice %arg8[%run_scoped3A_398, %run_scoped3A_399, %dma_start3A_411, %dma_start3A_412] : memref<2x2x40x128xf32, #tpu.memory_space<vmem>> -> memref<1x1x32x128xf32, #tpu.memory_space<vmem>>
      %dma_start3A_414 = tpu.memref_squeeze %dma_start3A_413 : memref<1x1x32x128xf32, #tpu.memory_space<vmem>> -> memref<32x128xf32, #tpu.memory_space<vmem>>
      %dma_start3A_415 = arith.constant 0 : i32
      %dma_start3A_416 = tpu.memref_slice %arg9[%add3A_397, %dma_start3A_415] : memref<10112x128xf32, #tpu.memory_space<vmem_shared>> -> memref<32x128xf32, #tpu.memory_space<vmem_shared>>
      tpu.enqueue_dma source(%dma_start3A_416 : memref<32x128xf32, #tpu.memory_space<vmem_shared>>) target(%dma_start3A_414 : memref<32x128xf32, #tpu.memory_space<vmem>>) target_semaphore(%run_scoped3A_404 : memref<!tpu.dma_semaphore, #tpu.memory_space<semaphore_mem>>)
      %dma_wait3A_417 = arith.constant 0 : i32
      %dma_wait3A_418 = arith.constant 0 : i32
      %dma_wait3A_419 = tpu.memref_slice %arg8[%run_scoped3A_398, %run_scoped3A_399, %dma_wait3A_417, %dma_wait3A_418] : memref<2x2x40x128xf32, #tpu.memory_space<vmem>> -> memref<1x1x32x128xf32, #tpu.memory_space<vmem>>
      %dma_wait3A_420 = tpu.memref_squeeze %dma_wait3A_419 : memref<1x1x32x128xf32, #tpu.memory_space<vmem>> -> memref<32x128xf32, #tpu.memory_space<vmem>>
      %dma_wait3A_421 = arith.constant 0 : i32
      %dma_wait3A_422 = tpu.memref_slice %arg9[%add3A_397, %dma_wait3A_421] : memref<10112x128xf32, #tpu.memory_space<vmem_shared>> -> memref<32x128xf32, #tpu.memory_space<vmem_shared>>
      %dma_wait3A_423 = arith.constant 0 : i32
      %dma_wait3A_424 = arith.constant 0 : i32
      %dma_wait3A_425 = tpu.memref_slice %arg8[%run_scoped3A_398, %run_scoped3A_399, %dma_wait3A_423, %dma_wait3A_424] : memref<2x2x40x128xf32, #tpu.memory_space<vmem>> -> memref<1x1x32x128xf32, #tpu.memory_space<vmem>>
      %dma_wait3A_426 = tpu.memref_squeeze %dma_wait3A_425 : memref<1x1x32x128xf32, #tpu.memory_space<vmem>> -> memref<32x128xf32, #tpu.memory_space<vmem>>
      %dma_wait3A_427 = arith.constant 0 : i32
      %dma_wait3A_428 = tpu.memref_slice %arg9[%add3A_397, %dma_wait3A_427] : memref<10112x128xf32, #tpu.memory_space<vmem_shared>> -> memref<32x128xf32, #tpu.memory_space<vmem_shared>>
      tpu.wait_dma2 semaphore(%run_scoped3A_404 : memref<!tpu.dma_semaphore, #tpu.memory_space<semaphore_mem>>) src(%dma_wait3A_428 : memref<32x128xf32, #tpu.memory_space<vmem_shared>>) dst(%dma_wait3A_426 : memref<32x128xf32, #tpu.memory_space<vmem>>)
      tpu.yield
    }) : () -> ()
    %add3A_400 = arith.constant 600 : i32
    %add3A_401 = arith.addi %mul3A_2, %add3A_400 : i32
    %run_scoped3A_402 = arith.constant 0 : i32
    %run_scoped3A_403 = arith.constant 0 : i32
    "tpu.region"() ({
      %run_scoped3A_404 = tpu.sem_alloc : memref<!tpu.dma_semaphore, #tpu.memory_space<semaphore_mem>>
      %dma_start3A_405 = arith.constant 0 : i32
      %dma_start3A_406 = arith.constant 0 : i32
      %dma_start3A_407 = tpu.memref_slice %arg8[%run_scoped3A_402, %run_scoped3A_403, %dma_start3A_405, %dma_start3A_406] : memref<2x2x40x128xf32, #tpu.memory_space<vmem>> -> memref<1x1x32x128xf32, #tpu.memory_space<vmem>>
      %dma_start3A_408 = tpu.memref_squeeze %dma_start3A_407 : memref<1x1x32x128xf32, #tpu.memory_space<vmem>> -> memref<32x128xf32, #tpu.memory_space<vmem>>
      %dma_start3A_409 = arith.constant 0 : i32
      %dma_start3A_410 = tpu.memref_slice %arg5[%arg0, %add3A_401, %dma_start3A_409] : memref<2x10112x128xf32, #tpu.memory_space<hbm>> -> memref<1x32x128xf32, #tpu.memory_space<hbm>>
      %dma_start3A_411 = tpu.memref_squeeze %dma_start3A_410 : memref<1x32x128xf32, #tpu.memory_space<hbm>> -> memref<32x128xf32, #tpu.memory_space<hbm>>
      %dma_start3A_412 = arith.constant 0 : i32
      %dma_start3A_413 = tpu.memref_slice %arg5[%arg0, %add3A_401, %dma_start3A_412] : memref<2x10112x128xf32, #tpu.memory_space<hbm>> -> memref<1x32x128xf32, #tpu.memory_space<hbm>>
      %dma_start3A_414 = tpu.memref_squeeze %dma_start3A_413 : memref<1x32x128xf32, #tpu.memory_space<hbm>> -> memref<32x128xf32, #tpu.memory_space<hbm>>
      %dma_start3A_415 = arith.constant 0 : i32
      %dma_start3A_416 = arith.constant 0 : i32
      %dma_start3A_417 = tpu.memref_slice %arg8[%run_scoped3A_402, %run_scoped3A_403, %dma_start3A_415, %dma_start3A_416] : memref<2x2x40x128xf32, #tpu.memory_space<vmem>> -> memref<1x1x32x128xf32, #tpu.memory_space<vmem>>
      %dma_start3A_418 = tpu.memref_squeeze %dma_start3A_417 : memref<1x1x32x128xf32, #tpu.memory_space<vmem>> -> memref<32x128xf32, #tpu.memory_space<vmem>>
      tpu.enqueue_dma source(%dma_start3A_418 : memref<32x128xf32, #tpu.memory_space<vmem>>) target(%dma_start3A_414 : memref<32x128xf32, #tpu.memory_space<hbm>>) target_semaphore(%run_scoped3A_404 : memref<!tpu.dma_semaphore, #tpu.memory_space<semaphore_mem>>)
      %dma_wait3A_419 = arith.constant 0 : i32
      %dma_wait3A_420 = arith.constant 0 : i32
      %dma_wait3A_421 = tpu.memref_slice %arg8[%run_scoped3A_402, %run_scoped3A_403, %dma_wait3A_419, %dma_wait3A_420] : memref<2x2x40x128xf32, #tpu.memory_space<vmem>> -> memref<1x1x32x128xf32, #tpu.memory_space<vmem>>
      %dma_wait3A_422 = tpu.memref_squeeze %dma_wait3A_421 : memref<1x1x32x128xf32, #tpu.memory_space<vmem>> -> memref<32x128xf32, #tpu.memory_space<vmem>>
      %dma_wait3A_423 = arith.constant 0 : i32
      %dma_wait3A_424 = tpu.memref_slice %arg5[%arg0, %add3A_401, %dma_wait3A_423] : memref<2x10112x128xf32, #tpu.memory_space<hbm>> -> memref<1x32x128xf32, #tpu.memory_space<hbm>>
      %dma_wait3A_425 = tpu.memref_squeeze %dma_wait3A_424 : memref<1x32x128xf32, #tpu.memory_space<hbm>> -> memref<32x128xf32, #tpu.memory_space<hbm>>
      %dma_wait3A_426 = arith.constant 0 : i32
      %dma_wait3A_427 = tpu.memref_slice %arg5[%arg0, %add3A_401, %dma_wait3A_426] : memref<2x10112x128xf32, #tpu.memory_space<hbm>> -> memref<1x32x128xf32, #tpu.memory_space<hbm>>
      %dma_wait3A_428 = tpu.memref_squeeze %dma_wait3A_427 : memref<1x32x128xf32, #tpu.memory_space<hbm>> -> memref<32x128xf32, #tpu.memory_space<hbm>>
      %dma_wait3A_429 = arith.constant 0 : i32
      %dma_wait3A_430 = arith.constant 0 : i32
      %dma_wait3A_431 = tpu.memref_slice %arg8[%run_scoped3A_402, %run_scoped3A_403, %dma_wait3A_429, %dma_wait3A_430] : memref<2x2x40x128xf32, #tpu.memory_space<vmem>> -> memref<1x1x32x128xf32, #tpu.memory_space<vmem>>
      %dma_wait3A_432 = tpu.memref_squeeze %dma_wait3A_431 : memref<1x1x32x128xf32, #tpu.memory_space<vmem>> -> memref<32x128xf32, #tpu.memory_space<vmem>>
      tpu.wait_dma2 semaphore(%run_scoped3A_404 : memref<!tpu.dma_semaphore, #tpu.memory_space<semaphore_mem>>) src(%dma_wait3A_432 : memref<32x128xf32, #tpu.memory_space<vmem>>) dst(%dma_wait3A_428 : memref<32x128xf32, #tpu.memory_space<hbm>>)
      tpu.yield
    }) : () -> ()
    return
  }
}

module attributes {stable_mosaic.version = 14 : i64} {
  func.func @body(%arg0: memref<10000x128xf32, #tpu.memory_space<vmem>>, %arg1: memref<2x10112x128xf32, #tpu.memory_space<vmem>>, %arg2: memref<128x128xf32, #tpu.memory_space<vmem>>, %arg3: memref<1x128xf32, #tpu.memory_space<vmem>>, %arg4: memref<1x128xf32, #tpu.memory_space<vmem>>, %arg5: memref<1x128xf32, #tpu.memory_space<vmem>>, %arg6: memref<128x128xf32, #tpu.memory_space<vmem>>, %arg7: memref<1x128xf32, #tpu.memory_space<vmem>>, %arg8: memref<10000x128xf32, #tpu.memory_space<vmem>>) attributes {dimension_semantics = [], scalar_prefetch = 0 : i64, scratch_operands = 0 : i64, tpu.core_type = #tpu.core_type<tc>} {
    %get3A = arith.constant 0 : index
    %get3A_0 = arith.constant 0 : index
    %get3A_1 = vector.load %arg0[%get3A, %get3A_0] : memref<10000x128xf32, #tpu.memory_space<vmem>>, vector<10000x128xf32>
    %get3A_2 = arith.constant 0 : index
    %get3A_3 = arith.constant 0 : index
    %get3A_4 = arith.constant 0 : index
    %get3A_5 = vector.load %arg1[%get3A_2, %get3A_3, %get3A_4] : memref<2x10112x128xf32, #tpu.memory_space<vmem>>, vector<1x10000x128xf32>
    %get3A_6 = vector.shape_cast %get3A_5 : vector<1x10000x128xf32> to vector<10000x128xf32>
    %add3A = arith.addf %get3A_1, %get3A_6 : vector<10000x128xf32>
    %get3A_7 = arith.constant 1 : index
    %get3A_8 = arith.constant 0 : index
    %get3A_9 = arith.constant 0 : index
    %get3A_10 = vector.load %arg1[%get3A_7, %get3A_8, %get3A_9] : memref<2x10112x128xf32, #tpu.memory_space<vmem>>, vector<1x10000x128xf32>
    %get3A_11 = vector.shape_cast %get3A_10 : vector<1x10000x128xf32> to vector<10000x128xf32>
    %add3A_12 = arith.addf %add3A, %get3A_11 : vector<10000x128xf32>
    %get3A_13 = arith.constant 0 : index
    %get3A_14 = arith.constant 0 : index
    %get3A_15 = vector.load %arg2[%get3A_13, %get3A_14] : memref<128x128xf32, #tpu.memory_space<vmem>>, vector<128x128xf32>
    %dot_general3A = arith.constant dense<0.000000e+00> : vector<10000x128xf32>
    %dot_general3A_16 = tpu.matmul %add3A_12, %get3A_15, %dot_general3A {dimension_numbers = #tpu.dot_dimension_numbers<[1], [0], [0], [1], [0, 0, 1, 1], [], []>, transpose_lhs_hint = false} : vector<10000x128xf32>, vector<128x128xf32>, vector<10000x128xf32> -> vector<10000x128xf32>
    %get3A_17 = arith.constant 0 : index
    %get3A_18 = arith.constant 0 : index
    %get3A_19 = vector.load %arg3[%get3A_17, %get3A_18] : memref<1x128xf32, #tpu.memory_space<vmem>>, vector<1x128xf32>
    %add3A_20 = vector.broadcast %get3A_19 : vector<1x128xf32> to vector<10000x128xf32>
    %add3A_21 = arith.addf %dot_general3A_16, %add3A_20 : vector<10000x128xf32>
    %reduce_sum3A = arith.constant dense<0.000000e+00> : vector<128xf32>
    %reduce_sum3A_22 = vector.multi_reduction <add>, %add3A_21, %reduce_sum3A [0] : vector<10000x128xf32> to vector<128xf32>
    %broadcast_in_dim3A = vector.shape_cast %reduce_sum3A_22 : vector<128xf32> to vector<1x128xf32>
    %div3A = arith.constant 1.000000e+04 : f32
    %div3A_23 = vector.broadcast %div3A : f32 to vector<1x128xf32>
    %div3A_24 = arith.divf %broadcast_in_dim3A, %div3A_23 : vector<1x128xf32>
    %sub3A = vector.broadcast %div3A_24 : vector<1x128xf32> to vector<10000x128xf32>
    %sub3A_25 = arith.subf %add3A_21, %sub3A : vector<10000x128xf32>
    %integer_pow3A = arith.mulf %sub3A_25, %sub3A_25 : vector<10000x128xf32>
    %reduce_sum3A_26 = arith.constant dense<0.000000e+00> : vector<128xf32>
    %reduce_sum3A_27 = vector.multi_reduction <add>, %integer_pow3A, %reduce_sum3A_26 [0] : vector<10000x128xf32> to vector<128xf32>
    %broadcast_in_dim3A_28 = vector.shape_cast %reduce_sum3A_27 : vector<128xf32> to vector<1x128xf32>
    %div3A_29 = arith.constant 1.000000e+04 : f32
    %div3A_30 = vector.broadcast %div3A_29 : f32 to vector<1x128xf32>
    %div3A_31 = arith.divf %broadcast_in_dim3A_28, %div3A_30 : vector<1x128xf32>
    %sub3A_32 = vector.broadcast %div3A_24 : vector<1x128xf32> to vector<10000x128xf32>
    %sub3A_33 = arith.subf %add3A_21, %sub3A_32 : vector<10000x128xf32>
    %add3A_34 = arith.constant 9.99999974E-6 : f32
    %add3A_35 = vector.broadcast %add3A_34 : f32 to vector<1x128xf32>
    %add3A_36 = arith.addf %div3A_31, %add3A_35 : vector<1x128xf32>
    %sqrt3A = math.sqrt %add3A_36 : vector<1x128xf32>
    %div3A_37 = vector.broadcast %sqrt3A : vector<1x128xf32> to vector<10000x128xf32>
    %div3A_38 = arith.divf %sub3A_33, %div3A_37 : vector<10000x128xf32>
    %get3A_39 = arith.constant 0 : index
    %get3A_40 = arith.constant 0 : index
    %get3A_41 = vector.load %arg4[%get3A_39, %get3A_40] : memref<1x128xf32, #tpu.memory_space<vmem>>, vector<1x128xf32>
    %mul3A = vector.broadcast %get3A_41 : vector<1x128xf32> to vector<10000x128xf32>
    %mul3A_42 = arith.mulf %div3A_38, %mul3A : vector<10000x128xf32>
    %get3A_43 = arith.constant 0 : index
    %get3A_44 = arith.constant 0 : index
    %get3A_45 = vector.load %arg5[%get3A_43, %get3A_44] : memref<1x128xf32, #tpu.memory_space<vmem>>, vector<1x128xf32>
    %add3A_46 = vector.broadcast %get3A_45 : vector<1x128xf32> to vector<10000x128xf32>
    %add3A_47 = arith.addf %mul3A_42, %add3A_46 : vector<10000x128xf32>
    %max3A = arith.constant 0.000000e+00 : f32
    %max3A_48 = vector.broadcast %max3A : f32 to vector<10000x128xf32>
    %max3A_49 = arith.maximumf %add3A_47, %max3A_48 : vector<10000x128xf32>
    %get3A_50 = arith.constant 0 : index
    %get3A_51 = arith.constant 0 : index
    %get3A_52 = vector.load %arg6[%get3A_50, %get3A_51] : memref<128x128xf32, #tpu.memory_space<vmem>>, vector<128x128xf32>
    %dot_general3A_53 = arith.constant dense<0.000000e+00> : vector<10000x128xf32>
    %dot_general3A_54 = tpu.matmul %max3A_49, %get3A_52, %dot_general3A_53 {dimension_numbers = #tpu.dot_dimension_numbers<[1], [0], [0], [1], [0, 0, 1, 1], [], []>, transpose_lhs_hint = false} : vector<10000x128xf32>, vector<128x128xf32>, vector<10000x128xf32> -> vector<10000x128xf32>
    %get3A_55 = arith.constant 0 : index
    %get3A_56 = arith.constant 0 : index
    %get3A_57 = vector.load %arg7[%get3A_55, %get3A_56] : memref<1x128xf32, #tpu.memory_space<vmem>>, vector<1x128xf32>
    %add3A_58 = vector.broadcast %get3A_57 : vector<1x128xf32> to vector<10000x128xf32>
    %add3A_59 = arith.addf %dot_general3A_54, %add3A_58 : vector<10000x128xf32>
    %swap3A = arith.constant 0 : index
    %swap3A_60 = arith.constant 0 : index
    %swap3A_61 = vector.load %arg8[%swap3A, %swap3A_60] : memref<10000x128xf32, #tpu.memory_space<vmem>>, vector<10000x128xf32>
    tpu.vector_store %arg8[%swap3A, %swap3A_60], %add3A_59 {strides = array<i32>} : memref<10000x128xf32, #tpu.memory_space<vmem>>, vector<10000x128xf32>,
    return
  }
}

module attributes {stable_mosaic.version = 14 : i64} {
  func.func @body(%arg0: memref<10000x128xf32, #tpu.memory_space<vmem>>, %arg1: memref<2x10112x128xf32, #tpu.memory_space<vmem>>, %arg2: memref<128x128xf32, #tpu.memory_space<vmem>>, %arg3: memref<1x128xf32, #tpu.memory_space<vmem>>, %arg4: memref<1x128xf32, #tpu.memory_space<vmem>>, %arg5: memref<1x128xf32, #tpu.memory_space<vmem>>, %arg6: memref<128x128xf32, #tpu.memory_space<vmem>>, %arg7: memref<1x128xf32, #tpu.memory_space<vmem>>, %arg8: memref<10000x128xf32, #tpu.memory_space<vmem>>) attributes {dimension_semantics = [], scalar_prefetch = 0 : i64, scratch_operands = 0 : i64, tpu.core_type = #tpu.core_type<tc>} {
    %get3A = arith.constant 0 : index
    %get3A_0 = arith.constant 0 : index
    %get3A_1 = vector.load %arg0[%get3A, %get3A_0] : memref<10000x128xf32, #tpu.memory_space<vmem>>, vector<10000x128xf32>
    %get3A_2 = arith.constant 0 : index
    %get3A_3 = arith.constant 0 : index
    %get3A_4 = arith.constant 0 : index
    %get3A_5 = vector.load %arg1[%get3A_2, %get3A_3, %get3A_4] : memref<2x10112x128xf32, #tpu.memory_space<vmem>>, vector<1x10000x128xf32>
    %get3A_6 = vector.shape_cast %get3A_5 : vector<1x10000x128xf32> to vector<10000x128xf32>
    %add3A = arith.addf %get3A_1, %get3A_6 : vector<10000x128xf32>
    %get3A_7 = arith.constant 1 : index
    %get3A_8 = arith.constant 0 : index
    %get3A_9 = arith.constant 0 : index
    %get3A_10 = vector.load %arg1[%get3A_7, %get3A_8, %get3A_9] : memref<2x10112x128xf32, #tpu.memory_space<vmem>>, vector<1x10000x128xf32>
    %get3A_11 = vector.shape_cast %get3A_10 : vector<1x10000x128xf32> to vector<10000x128xf32>
    %add3A_12 = arith.addf %add3A, %get3A_11 : vector<10000x128xf32>
    %get3A_13 = arith.constant 0 : index
    %get3A_14 = arith.constant 0 : index
    %get3A_15 = vector.load %arg2[%get3A_13, %get3A_14] : memref<128x128xf32, #tpu.memory_space<vmem>>, vector<128x128xf32>
    %dot_general3A = arith.constant dense<0.000000e+00> : vector<10000x128xf32>
    %dot_general3A_16 = tpu.matmul %add3A_12, %get3A_15, %dot_general3A {dimension_numbers = #tpu.dot_dimension_numbers<[1], [0], [0], [1], [0, 0, 1, 1], [], []>, transpose_lhs_hint = false} : vector<10000x128xf32>, vector<128x128xf32>, vector<10000x128xf32> -> vector<10000x128xf32>
    %get3A_17 = arith.constant 0 : index
    %get3A_18 = arith.constant 0 : index
    %get3A_19 = vector.load %arg3[%get3A_17, %get3A_18] : memref<1x128xf32, #tpu.memory_space<vmem>>, vector<1x128xf32>
    %add3A_20 = vector.broadcast %get3A_19 : vector<1x128xf32> to vector<10000x128xf32>
    %add3A_21 = arith.addf %dot_general3A_16, %add3A_20 : vector<10000x128xf32>
    %reduce_sum3A = arith.constant dense<0.000000e+00> : vector<128xf32>
    %reduce_sum3A_22 = vector.multi_reduction <add>, %add3A_21, %reduce_sum3A [0] : vector<10000x128xf32> to vector<128xf32>
    %broadcast_in_dim3A = vector.shape_cast %reduce_sum3A_22 : vector<128xf32> to vector<1x128xf32>
    %div3A = arith.constant 1.000000e+04 : f32
    %div3A_23 = vector.broadcast %div3A : f32 to vector<1x128xf32>
    %div3A_24 = arith.divf %broadcast_in_dim3A, %div3A_23 : vector<1x128xf32>
    %sub3A = vector.broadcast %div3A_24 : vector<1x128xf32> to vector<10000x128xf32>
    %sub3A_25 = arith.subf %add3A_21, %sub3A : vector<10000x128xf32>
    %integer_pow3A = arith.mulf %sub3A_25, %sub3A_25 : vector<10000x128xf32>
    %reduce_sum3A_26 = arith.constant dense<0.000000e+00> : vector<128xf32>
    %reduce_sum3A_27 = vector.multi_reduction <add>, %integer_pow3A, %reduce_sum3A_26 [0] : vector<10000x128xf32> to vector<128xf32>
    %broadcast_in_dim3A_28 = vector.shape_cast %reduce_sum3A_27 : vector<128xf32> to vector<1x128xf32>
    %div3A_29 = arith.constant 1.000000e+04 : f32
    %div3A_30 = vector.broadcast %div3A_29 : f32 to vector<1x128xf32>
    %div3A_31 = arith.divf %broadcast_in_dim3A_28, %div3A_30 : vector<1x128xf32>
    %sub3A_32 = vector.broadcast %div3A_24 : vector<1x128xf32> to vector<10000x128xf32>
    %sub3A_33 = arith.subf %add3A_21, %sub3A_32 : vector<10000x128xf32>
    %add3A_34 = arith.constant 9.99999974E-6 : f32
    %add3A_35 = vector.broadcast %add3A_34 : f32 to vector<1x128xf32>
    %add3A_36 = arith.addf %div3A_31, %add3A_35 : vector<1x128xf32>
    %sqrt3A = math.sqrt %add3A_36 : vector<1x128xf32>
    %div3A_37 = vector.broadcast %sqrt3A : vector<1x128xf32> to vector<10000x128xf32>
    %div3A_38 = arith.divf %sub3A_33, %div3A_37 : vector<10000x128xf32>
    %get3A_39 = arith.constant 0 : index
    %get3A_40 = arith.constant 0 : index
    %get3A_41 = vector.load %arg4[%get3A_39, %get3A_40] : memref<1x128xf32, #tpu.memory_space<vmem>>, vector<1x128xf32>
    %mul3A = vector.broadcast %get3A_41 : vector<1x128xf32> to vector<10000x128xf32>
    %mul3A_42 = arith.mulf %div3A_38, %mul3A : vector<10000x128xf32>
    %get3A_43 = arith.constant 0 : index
    %get3A_44 = arith.constant 0 : index
    %get3A_45 = vector.load %arg5[%get3A_43, %get3A_44] : memref<1x128xf32, #tpu.memory_space<vmem>>, vector<1x128xf32>
    %add3A_46 = vector.broadcast %get3A_45 : vector<1x128xf32> to vector<10000x128xf32>
    %add3A_47 = arith.addf %mul3A_42, %add3A_46 : vector<10000x128xf32>
    %max3A = arith.constant 0.000000e+00 : f32
    %max3A_48 = vector.broadcast %max3A : f32 to vector<10000x128xf32>
    %max3A_49 = arith.maximumf %add3A_47, %max3A_48 : vector<10000x128xf32>
    %get3A_50 = arith.constant 0 : index
    %get3A_51 = arith.constant 0 : index
    %get3A_52 = vector.load %arg6[%get3A_50, %get3A_51] : memref<128x128xf32, #tpu.memory_space<vmem>>, vector<128x128xf32>
    %dot_general3A_53 = arith.constant dense<0.000000e+00> : vector<10000x128xf32>
    %dot_general3A_54 = tpu.matmul %max3A_49, %get3A_52, %dot_general3A_53 {dimension_numbers = #tpu.dot_dimension_numbers<[1], [0], [0], [1], [0, 0, 1, 1], [], []>, transpose_lhs_hint = false} : vector<10000x128xf32>, vector<128x128xf32>, vector<10000x128xf32> -> vector<10000x128xf32>
    %get3A_55 = arith.constant 0 : index
    %get3A_56 = arith.constant 0 : index
    %get3A_57 = vector.load %arg7[%get3A_55, %get3A_56] : memref<1x128xf32, #tpu.memory_space<vmem>>, vector<1x128xf32>
    %add3A_58 = vector.broadcast %get3A_57 : vector<1x128xf32> to vector<10000x128xf32>
    %add3A_59 = arith.addf %dot_general3A_54, %add3A_58 : vector<10000x128xf32>
    %max3A_60 = arith.constant 0.000000e+00 : f32
    %max3A_61 = vector.broadcast %max3A_60 : f32 to vector<10000x128xf32>
    %max3A_62 = arith.maximumf %add3A_59, %max3A_61 : vector<10000x128xf32>
    %swap3A = arith.constant 0 : index
    %swap3A_63 = arith.constant 0 : index
    %swap3A_64 = vector.load %arg8[%swap3A, %swap3A_63] : memref<10000x128xf32, #tpu.memory_space<vmem>>, vector<10000x128xf32>
    tpu.vector_store %arg8[%swap3A, %swap3A_63], %max3A_62 {strides = array<i32>} : memref<10000x128xf32, #tpu.memory_space<vmem>>, vector<10000x128xf32>,
    return
  }
}

</mosaic_0001>

<sc_bundles>
// kernel: kernel.6.cloned.1.call-start
scs
__scs_entry_jumppad:
0x0: {  	(pc) =	sbr.rel $0x88, $3  }
0x1: {  	(tag) =	ssettag $0x0;
	lr =	simm.s32 $0x1  }
0x2: {  	[smem:$0x3F93] =	sst lr;
	_ =	strace $0xD0000000  }
0x3: {  	_ = 	snop  }
0x4: {  	_ = 	snop  }
0x5: {  	_ = 	snop  }
0x6: {  	_ = 	snop  }
0x7: {  	_ = 	snop  }
__scs_overlays_trampoline_lowered:
0x8: {  	[smem:$0x3FA2] =	sst s0  }
0x9: {  	[smem:$0x3FA3] =	sst s1  }
0xa: {  	[smem:$0x3FA4] =	sst s2  }
0xb: {  	[smem:$0x3FA5] =	sst s3  }
0xc: {  	[smem:$0x3FA6] =	sst s4  }
0xd: {  	[smem:$0x3FA7] =	sst s5  }
0xe: {  	[smem:$0x3FA8] =	sst s6  }
0xf: {  	[smem:$0x3FA9] =	sst s7  }
0x10: {  	[smem:$0x3FAA] =	sst s8  }
0x11: {  	[smem:$0x3FAB] =	sst s9;
	s0 =	simm.s32 @!p0 $0x0  }
0x12: {  	s1 =	sld [smem:$0x3F91];
	s0 =	simm.s32 @p0 $0x1  }
0x13: {  	[smem:$0x3FAC] =	sst s0;
	s0 =	simm.s32 @!p1 $0x0  }
0x14: {  	s2 =	sld [smem:$0x3F90];
	s0 =	simm.s32 @p1 $0x1  }
0x15: {  	[smem:$0x3FAD] =	sst s0;
	s0 =	simm.s32 @!p2 $0x0  }
0x16: {  	s3 =	sld [smem:$0x3FDB];
	s0 =	simm.s32 @p2 $0x1  }
0x17: {  	s4 =	simm.s32 $0x1BF5;
	[smem:$0x3FAF] =	sst s0  }
0x18: {  	s0 =	sld [smem:$0x3F92];
	_ =	swait.ge [sflag:s4], $0x0  }
0x19: {  	s7 =	sld [smem:$0x3F93]  }
0x1a: {  	s8 =	sadd.s32 $0xFFFFE003, lr  }
0x1b: {  	s9 =	sadd.s32 $0xFFFFFEF7, lr;
	s5 =	simm.s32 $0xFFFFFFFF;
	p2 =	slt.u32 s8, $0xFFFFF086  }
0x1c: {  	p1 =	slt.u32 s9, $0xF7A;
	s5 =	simm.s32 @!p2 $0x0  }
0x1d: {  	s5 =	simm.s32 @p1 $0x1;
	p0 =	seq.s32 s7, s2  }
0x1e: {  	s7 =	smul.u32 @!p0 $0xF7A, s2;
	p2 =	seq.s32 @!p0 s5, $0x0  }
0x1f: {  	s9 =	smul.u32 $0xF7A, s1;
	s8 =	simm.s32 @!p0 $0x1BF5;
	p2 =	por !p2, p0  }
0x20: {  	[sflag:s8] =	ssyncset.s32 @!p0 $0xFFFFF086;
	s6 =	sadd.s32 @!p0 s3, s7;
	s7 =	simm.s32 @!p0 $0x108  }
0x21: {  	s3 =	sadd.s32 s3, s9;
	s6 =	sadd.s32 @!p0 $0x88, s6;
	s7 =	simm.s32 @p2 $0x1082  }
0x22: {  	[simem:s7], [sflag:s8] =	dma.local @!p0 [hbm:s6], $0xF7A  }
0x23: {  	s9 =	sor.u32 $0xD0000000, s2;
	s6 =	simm.s32 $0x108;
	_ =	swait.ge @!p0 [sflag:s8], $0x0  }
0x24: {  	s3 =	sadd.s32 $0x88, s3;
	s6 =	simm.s32 @!p1 $0x1082;
	[sflag:s4] =	ssyncset.s32 $0xFFFFF086  }
0x25: {  	[simem:s6], [sflag:s4] =	dma.local [hbm:s3], $0xF7A  }
0x26: {  	[smem:$0x3F93] =	sst s1;
	(tag) =	ssettag s2;
	_ =	strace s9  }
0x27: {  	s1 =	sld [smem:$0x3FA3]  }
0x28: {  	s2 =	sld [smem:$0x3FA4]  }
0x29: {  	s4 =	sld [smem:$0x3FA6]  }
0x2a: {  	p0 =	seq.s32 s5, $0x0;
	s5 =	sld [smem:$0x3FA7]  }
0x2b: {  	s6 =	sld [smem:$0x3FA8]  }
0x2c: {  	s7 =	sld [smem:$0x3FA9]  }
0x2d: {  	s3 =	simm.s32 $0x108;
	s8 =	sld [smem:$0x3FAA]  }
0x2e: {  	s3 =	simm.s32 @!p0 $0x1082;
	s9 =	sld [smem:$0x3FAB]  }
0x2f: {  	lr =	sadd.s32 s0, s3;
	s0 =	sld [smem:$0x3FA2]  }
0x30: {  	s3 =	sld [smem:$0x3FA5]  }
0x31: {  	[smem:$0x3FAE] =	sst s10  }
0x32: {  	s10 =	sld [smem:$0x3FAC];
	_ =	sdelay $0x3  }
0x33: {  	p0 =	seq.s32 s10, $0x1;
	s10 =	sld [smem:$0x3FAE];
	_ =	sdelay $0x3  }
0x34: {  	[smem:$0x3FAE] =	sst s10  }
0x35: {  	s10 =	sld [smem:$0x3FAD];
	_ =	sdelay $0x3  }
0x36: {  	p1 =	seq.s32 s10, $0x1;
	s10 =	sld [smem:$0x3FAE];
	_ =	sdelay $0x3  }
0x37: {  	[smem:$0x3FAE] =	sst s10  }
0x38: {  	s10 =	sld [smem:$0x3FAF]  }
0x39: {  	_ = 	snop;
	(pc) =	sbr.ind lr, $3  }
0x3a: {  	_ = 	snop  }
0x3b: {  	_ = 	snop  }
0x3c: {  	p2 =	seq.s32 s10, $0x1;
	s10 =	sld [smem:$0x3FAE]  }
0x3d: {  	_ =	shalt  }
0x3e: {  	_ =	shalt  }
0x3f: {  	_ =	shalt  }
0x40: {  	_ =	shalt  }
0x41: {  	_ =	shalt  }
0x42: {  	_ =	shalt  }
0x43: {  	_ =	shalt  }
0x44: {  	_ =	shalt  }
0x45: {  	_ =	shalt  }
0x46: {  	_ =	shalt  }
0x47: {  	_ =	shalt  }
0x48: {  	_ =	shalt  }
0x49: {  	_ =	shalt  }
0x4a: {  	_ =	shalt  }
0x4b: {  	_ =	shalt  }
0x4c: {  	_ =	shalt  }
0x4d: {  	_ =	shalt  }
0x4e: {  	_ =	shalt  }
0x4f: {  	_ =	shalt  }
0x50: {  	_ =	shalt  }
0x51: {  	_ =	shalt  }
0x52: {  	_ =	shalt  }
0x53: {  	_ =	shalt  }
0x54: {  	_ =	shalt  }
0x55: {  	_ =	shalt  }
0x56: {  	_ =	shalt  }
0x57: {  	_ =	shalt  }
0x58: {  	_ =	shalt  }
0x59: {  	_ =	shalt  }
0x5a: {  	_ =	shalt  }
0x5b: {  	_ =	shalt  }
0x5c: {  	_ =	shalt  }
0x5d: {  	_ =	shalt  }
0x5e: {  	_ =	shalt  }
0x5f: {  	_ =	shalt  }
0x60: {  	_ =	shalt  }
0x61: {  	_ =	shalt  }
0x62: {  	_ =	shalt  }
0x63: {  	_ =	shalt  }
0x64: {  	_ =	shalt  }
0x65: {  	_ =	shalt  }
0x66: {  	_ =	shalt  }
0x67: {  	_ =	shalt  }
0x68: {  	_ =	shalt  }
0x69: {  	_ =	shalt  }
0x6a: {  	_ =	shalt  }
0x6b: {  	_ =	shalt  }
0x6c: {  	_ =	shalt  }
0x6d: {  	_ =	shalt  }
0x6e: {  	_ =	shalt  }
0x6f: {  	_ =	shalt  }
0x70: {  	_ =	shalt  }
0x71: {  	_ =	shalt  }
0x72: {  	_ =	shalt  }
0x73: {  	_ =	shalt  }
0x74: {  	_ =	shalt  }
0x75: {  	_ =	shalt  }
0x76: {  	_ =	shalt  }
0x77: {  	_ =	shalt  }
0x78: {  	_ =	shalt  }
0x79: {  	_ =	shalt  }
0x7a: {  	_ =	shalt  }
0x7b: {  	_ =	shalt  }
0x7c: {  	_ =	shalt  }
0x7d: {  	_ =	shalt  }
0x7e: {  	_ =	shalt  }
0x7f: {  	_ =	shalt  }
0x80: {  	_ =	shalt  }
0x81: {  	_ =	shalt  }
0x82: {  	_ =	shalt  }
0x83: {  	_ =	shalt  }
0x84: {  	_ =	shalt  }
0x85: {  	_ =	shalt  }
0x86: {  	_ =	shalt  }
0x87: {  	_ =	shalt  }
.Lfunc_end0:
.L_simem_size_0:
called_computation_lowered:
.L_overlay_start_0:
0x88: {  	s2 =	sld [smem:$0x3FD9]  }
0x89: {  	s3 =	sld [smem:$0x3FFE];
	_ =	sdelay $0x1  }
0x8a: {  	s1 =	srdreg.scid  }
0x8b: {  	s0 =	sand.u32 $0x1, s1  }
0x8c: {  	s17 =	sshll.u32 s0, $0xA;
	s2 =	sadd.s32 s3, s2  }
0x8d: {  	s2 =	sadd.s32 s2, s17  }
0x8e: {  	[smem:$0x3FBA] =	sst s2  }
0x8f: {  	_ = 	snop  }
0x90: {  	s2 =	sld [smem:$0x3FC9];
	(tm) =	ssettm $0x1  }
0x91: {  	s18 =	sld [smem:$0x3FFB];
	_ =	sdelay $0x3  }
0x92: {  	_ =	strace s18  }
0x93: {  	s3 =	sld [smem:$0x3FFC];
	_ =	sdelay $0x3  }
0x94: {  	_ =	strace s3  }
0x95: {  	s3 =	sld [smem:$0x3FFD];
	_ =	sdelay $0x3  }
0x96: {  	_ =	strace s3  }
0x97: {  	_ =	strace $0x8FFFFFFF  }
0x98: {  	s19 =	sld [smem:$0x3FDB];
	_ =	sdelay $0x1  }
0x99: {  	s4 =	simm.s32 $_scs_section_size  }
0x9a: {  	s5 =	simm.s32 $_size__tile_overlayer_lowered;
	s6 =	simm.s32 $_tile_overlayer_lowered  }
0x9b: {  	s22 =	simm.s32 $0x1BFF;
	s21 =	sshll.u32 s6, $0x1;
	s3 =	sadd.s32 s4, s19  }
0x9c: {  	s7 =	simm.s32 $0x0;
	s20 =	sshll.u32 s5, $0x1;
	s5 =	sadd.s32 s21, s3  }
0x9d: {  	[timem:s7], [sflag:s22] =	dma.local [hbm:s5], s20  }
0x9e: {  	_ =	swait.ge [sflag:s22], s20  }
0x9f: {  	s4 =	ssub.s32 $0x0, s20;
	[sflag:s22] =	ssyncset.done $0x0  }
0xa0: {  	[sflag:s22] =	ssyncadd.s32 s4;
	_ =	sdelay $0x1  }
0xa1: {  	s23 =	simm.s32 $0x1B8B  }
0xa2: {  	_ =	swait.ge [sflag:s23], $0x1  }
0xa3: {  	[sflag:s23] =	ssyncset.done $0x0  }
0xa4: {  	s25 =	simm.s32 $0x1B8E;
	s24 =	sld [smem:$0x3FFE];
	[sflag:s23] =	ssyncadd.s32 $0xFFFFFFFF  }
0xa5: {  	s26 =	simm.s32 $execute0_lowered;
	[smem:$0x3FD2] =	sst s25  }
0xa6: {  	s5 =	sshll.u32 s26, $0x1;
	_ =	strace $0x80000046;
	[dreg:$0x1] =	wrdreg $0xFFFFFFFF  }
0xa7: {  	s28 =	simm.s32 $_size_execute0_lowered;
	s3 =	sadd.s32 s3, s5;
	[dreg:$0x0] =	wrdreg $0x0  }
0xa8: {  	s5 =	sshll.u32 s28, $0x1;
	[dreg:$0x2] =	wrdreg s3  }
0xa9: {  	[dreg:$0x3] =	wrdreg s5  }
0xaa: {  	[dreg:$0x4] =	wrdreg $0xC0  }
0xab: {  	_ =	task [dreg:s7], $0x5FFFF  }
0xac: {  	[dreg:$0x1] =	wrdreg $0xFFFFFFFF  }
0xad: {  	[dreg:$0x0] =	wrdreg $0x60  }
0xae: {  	[dreg:$0x2] =	wrdreg s2  }
0xaf: {  	[dreg:$0x3] =	wrdreg s24  }
0xb0: {  	[dreg:$0x4] =	wrdreg $0x58000  }
0xb1: {  	[dreg:$0x5] =	wrdreg $0x9  }
0xb2: {  	_ =	task.clear_ibuf [dreg:s7], $0x6FFFF;
	_ =	strace $0x90000046  }
0xb3: {  	s29 =	simm.s32 $0x9;
	_ =	strace $0x80000048  }
0xb4: {  	_ =	swait.ge [sflag:s29], $0x1  }
0xb5: {  	[sflag:s29] =	ssyncadd.s32 $0xFFFFFFFF  }
0xb6: {  	_ =	strace $0x90000048  }
0xb7: {  	_ =	sfence  }
0xb8: {  	s30 =	sld [smem:$0x0];
	_ =	sdelay $0x2  }
0xb9: {  	s31 =	sshll.u32 s1, $0xD;
	s1 =	sshrl.u32 s1, $0x2  }
0xba: {  	s3 =	sand.u32 $0x4000, s31;
	s1 =	sadd.s32 s1, s30  }
0xbb: {  	s0 =	sor.u32 s3, s0;
	s1 =	sshll.u32 s1, $0x11  }
0xbc: {  	s0 =	sor.u32 s1, s0  }
0xbd: {  	s0 =	sadd.s32 $0x8F2B, s0  }
0xbe: {  	[sflag:s0] =	ssyncadd.remote.s32 $0x1  }
0xbf: {  	_ =	sfence.sel $0xFFFF  }
0xc0: {  	[dreg:$0x0] =	wrdreg $0xFFFFFFFF;
	(pc) =	sbr.abs _section_cstart, $3  }
0xc1: {  	[dreg:$0x1] =	wrdreg $0xFFFFFFFF  }
0xc2: {  	_ =	task.clear_ibuf [dreg:s7], $0x2FFFF;
	_ =	strace $0x9FFFFFFF  }
0xc3: {  	(tm) =	ssettm $0x7FFFFFFF  }
tec
execute0_lowered:
.L_overlay_start_1:
0x0: {  	(tag) =	ssettag $0x1  }
0x1: {  	s1 =	rddreg [dreg:$0x0]  }
0x2: {  	s0 =	rddreg [dreg:$0x1];
	s16 =	stileid.u32  }
0x3: {  	s2 =	rddreg [dreg:$0x2];
	s28 =	smul.u32 $0x13C00, s16  }
0x4: {  	s3 =	srdreg.scid;
	s4 =	simm.s32 $0x0;
	s11 =	smul.u32 $0x4F000, s16  }
0x5: {  	s3 =	sand.u32 $0x1, s3;
	[smem:$0x7FF] =	sst s4;
	s21 =	smul.u32 $0x7D00, s16  }
0x6: {  	s5 =	sshll.u32 s3, $0x4;
	_ =	strace $0x80000047;
	s31 =	smul.u32 $0x13C000, s3  }
0x7: {  	s7 =	ssub.s32 $0x2, s3;
	s3 =	smul.u32 $0x7D000, s3;
	s6 =	sor.u32 s16, s5  }
0x8: {  	s5 =	sadd.s32 $0x21C00, s0;
	s9 =	sshrl.u32 s7, $0x1;
	s17 =	sadd.s32 $0x12C00, s28  }
0x9: {  	s12 =	sshrl.u32 s11, $0x2;
	s18 =	sadd.s32 s2, s28;
	s16 =	simm.s32 $0x28  }
0xa: {  	s8 =	smul.u32 $0x7D00, s6;
	s6 =	sadd.s32 $0x2800, s0;
	s0 =	sadd.s32 $0x41000, s0  }
0xb: {  	s7 =	ssub.s32 s7, s9;
	s11 =	sadd.s32 s17, s2;
	s19 =	sadd.s32 $0x5000, s18  }
0xc: {  	s12 =	sadd.s32 s12, s2;
	s7 =	smax.u32 s7, $0x1;
	[dreg:$0xa] =	wrdreg s19  }
0xd: {  	s3 =	sadd.s32 s21, s3;
	s20 =	sadd.s32 $0x6400, s12;
	[dreg:$0x9] =	wrdreg s7  }
0xe: {  	s21 =	simm.s32 $0x2;
	s22 =	sadd.s32 $0x7800, s12;
	[dreg:$0xb] =	wrdreg s20  }
0xf: {  	s13 =	sadd.s32 $0x1400, s12;
	s23 =	sadd.s32 $0x8C00, s12;
	[dreg:$0xc] =	wrdreg s22  }
0x10: {  	s14 =	sadd.s32 $0x2800, s12;
	s24 =	sadd.s32 $0xA000, s12;
	[dreg:$0xd] =	wrdreg s23  }
0x11: {  	s15 =	sadd.s32 $0x3C00, s12;
	s25 =	sadd.s32 $0xB400, s12;
	[dreg:$0xe] =	wrdreg s24  }
0x12: {  	s26 =	sadd.s32 $0xC800, s12;
	s19 =	simm.s32 $0x1C00;
	[dreg:$0xf] =	wrdreg s25  }
0x13: {  	s8 =	sshrl.u32 s8, $0x3;
	s25 =	sadd.s32 $0x200, s3;
	[dreg:$0x10] =	wrdreg s26  }
0x14: {  	s3 =	simm.s32 $0x800;
	s7 =	simm.s32 $0x1;
	s10 =	sadd.s32 s5, s8  }
0x15: {  	s29 =	sadd.s32 $0x20, s8;
	s8 =	sadd.s32 s6, s8;
	[dreg:$0x4] =	wrdreg s10  }
0x16: {  	s22 =	simm.s32 $0x3;
	[dreg:$0x5] =	wrdreg s8;
	s30 =	sadd.s32 s5, s29  }
0x17: {  	s24 =	simm.s32 $0x0;
	s10 =	sadd.s32 s6, s29;
	[dreg:$0x6] =	wrdreg s30  }
0x18: {  	s8 =	sadd.s32 s28, s31;
	s28 =	sadd.s32 $0xDC00, s12;
	[dreg:$0x7] =	wrdreg s10  }
0x19: {  	s29 =	sadd.s32 $0xF000, s12;
	s10 =	sadd.s32 s31, s17;
	[dreg:$0x11] =	wrdreg s28  }
0x1a: {  	s8 =	sshrl.u32 s8, $0x3;
	[dreg:$0x12] =	wrdreg s29;
	s30 =	sadd.s32 $0x10400, s12  }
0x1b: {  	s31 =	sadd.s32 $0x11800, s12;
	s10 =	sshrl.u32 s10, $0x3;
	[dreg:$0x13] =	wrdreg s30  }
0x1c: {  	s23 =	sadd.s32 s8, s0;
	[dreg:$0x14] =	wrdreg s31;
	s10 =	sadd.s32 s0, s10  }
0x1d: {  	v0 =	vimm.f32 $0.0e+00;
	s8 =	simm.s32 $0x11;
	s0 =	sadd.s32 $0x5000, s12;
	[dreg:$0x8] =	wrdreg s10  }
.LBB2_1:
0x1e: {  	s9 =	rddreg [dreg:$0x4]  }
0x1f: {  	s26 =	rddreg [dreg:$0x5]  }
0x20: {  	[tilespmem:s4], [sflag:$0x9] =	stream.linear.gather [hbm4b:s9+s4], $0x100, $0x38;
	[tilespmem:$0x19400] =	vst v63  }
0x21: {  	s10 =	simm.s32 $0x400;
	s28 =	rddreg [dreg:$0x6]  }
0x22: {  	[tilespmem:s10], [sflag:$0xD] =	stream.linear.gather [hbm4b:s26+s4], $0x100, $0x38;
	[tilespmem:$0x19400] =	vst v63  }
0x23: {  	s29 =	simm.s32 $0x100;
	s30 =	rddreg [dreg:$0x7]  }
0x24: {  	[tilespmem:s29], [sflag:$0xA] =	stream.linear.gather [hbm4b:s28+s4], $0x100, $0x38;
	[tilespmem:$0x19400] =	vst v63  }
0x25: {  	s31 =	simm.s32 $0x500;
	s17 =	simm.s32 $0x0;
	s9 =	simm.s32 $0x200  }
0x26: {  	[tilespmem:s31], [sflag:$0xE] =	stream.linear.gather [hbm4b:s30+s4], $0x100, $0x38;
	[tilespmem:$0x19400] =	vst v63  }
.LBB2_2:
0x27: {  	p0 =	sne.s32 s9, $0x4E00;
	[tilespmem:s17+$0x870] =	vst v0  }
0x28: {  	[tilespmem:s17+$0x800] =	vst v0  }
0x29: {  	[tilespmem:s17+$0x810] =	vst v0  }
.Ltmp0:
0x2a: {  	[tilespmem:s17+$0x820] =	vst v0;
	(pc) =	sbr.rel @p0 .LBB2_2-.Ltmp0, $4  }
0x2b: {  	[tilespmem:s17+$0x830] =	vst v0  }
0x2c: {  	[tilespmem:s17+$0x840] =	vst v0  }
0x2d: {  	[tilespmem:s17+$0x850] =	vst v0  }
0x2e: {  	[tilespmem:s17+$0x860] =	vst v0;
	s17 =	sshra.s32 s9, $0x2;
	s9 =	sadd.s32 $0x200, s9  }
0x2f: {  	[tilespmem:s17+$0x870] =	vst v0  }
0x30: {  	[tilespmem:s17+$0x800] =	vst v0  }
0x31: {  	[tilespmem:s17+$0x810] =	vst v0  }
0x32: {  	[tilespmem:s17+$0x820] =	vst v0  }
0x33: {  	[tilespmem:s17+$0x830] =	vst v0  }
0x34: {  	[tilespmem:s17+$0x840] =	vst v0  }
0x35: {  	[tilespmem:s17+$0x850] =	vst v0  }
0x36: {  	[tilespmem:s17+$0x860] =	vst v0  }
0x37: {  	[spmem:s12] =	stream.linear.scatter [tilespmem:s3], [sflag:$0x1], $0x1400, $0x38;
	[tilespmem:$0x19400] =	vst v63  }
0x38: {  	_ = 	snop  }
0x39: {  	[spmem:s13] =	stream.linear.scatter [tilespmem:s3], [sflag:$0x1], $0x1400, $0x38;
	[tilespmem:$0x19400] =	vst v63  }
0x3a: {  	_ = 	snop  }
0x3b: {  	[spmem:s14] =	stream.linear.scatter [tilespmem:s3], [sflag:$0x1], $0x1400, $0x38;
	[tilespmem:$0x19400] =	vst v63  }
0x3c: {  	_ = 	snop  }
0x3d: {  	[spmem:s15] =	stream.linear.scatter [tilespmem:s3], [sflag:$0x1], $0x1400, $0x38;
	[tilespmem:$0x19400] =	vst v63  }
0x3e: {  	s9 =	rddreg [dreg:$0xa]  }
0x3f: {  	[spmem:s9] =	stream.linear.scatter [tilespmem:s3], [sflag:$0x1], $0x1400, $0x38;
	[tilespmem:$0x19400] =	vst v63  }
0x40: {  	s17 =	rddreg [dreg:$0xb]  }
0x41: {  	[spmem:s17] =	stream.linear.scatter [tilespmem:s3], [sflag:$0x1], $0x1400, $0x38;
	[tilespmem:$0x19400] =	vst v63  }
0x42: {  	s18 =	rddreg [dreg:$0xc]  }
0x43: {  	[spmem:s18] =	stream.linear.scatter [tilespmem:s3], [sflag:$0x1], $0x1400, $0x38;
	[tilespmem:$0x19400] =	vst v63  }
0x44: {  	s20 =	rddreg [dreg:$0xd]  }
0x45: {  	[spmem:s20] =	stream.linear.scatter [tilespmem:s3], [sflag:$0x1], $0x1400, $0x38;
	[tilespmem:$0x19400] =	vst v63  }
0x46: {  	s26 =	rddreg [dreg:$0xe]  }
0x47: {  	[spmem:s26] =	stream.linear.scatter [tilespmem:s3], [sflag:$0x1], $0x1400, $0x38;
	[tilespmem:$0x19400] =	vst v63  }
0x48: {  	s30 =	rddreg [dreg:$0xf]  }
0x49: {  	[spmem:s30] =	stream.linear.scatter [tilespmem:s3], [sflag:$0x1], $0x1400, $0x38;
	[tilespmem:$0x19400] =	vst v63  }
0x4a: {  	s31 =	rddreg [dreg:$0x10]  }
0x4b: {  	[spmem:s31] =	stream.linear.scatter [tilespmem:s3], [sflag:$0x1], $0x1400, $0x38;
	[tilespmem:$0x19400] =	vst v63  }
0x4c: {  	s10 =	rddreg [dreg:$0x11]  }
0x4d: {  	[spmem:s10] =	stream.linear.scatter [tilespmem:s3], [sflag:$0x1], $0x1400, $0x38;
	[tilespmem:$0x19400] =	vst v63  }
0x4e: {  	s17 =	rddreg [dreg:$0x12]  }
0x4f: {  	[spmem:s17] =	stream.linear.scatter [tilespmem:s3], [sflag:$0x1], $0x1400, $0x38;
	[tilespmem:$0x19400] =	vst v63  }
0x50: {  	s18 =	rddreg [dreg:$0x13]  }
0x51: {  	[spmem:s18] =	stream.linear.scatter [tilespmem:s3], [sflag:$0x1], $0x1400, $0x38;
	[tilespmem:$0x19400] =	vst v63  }
0x52: {  	s20 =	rddreg [dreg:$0x14]  }
0x53: {  	[spmem:s20] =	stream.linear.scatter [tilespmem:s3], [sflag:$0x1], $0x1400, $0x38;
	[tilespmem:$0x19400] =	vst v63  }
0x54: {  	_ =	swait.ge [sflag:s7], $0x1400  }
0x55: {  	[sflag:s7] =	ssyncset.done $0x0  }
0x56: {  	[sflag:s7] =	ssyncadd.s32 $0xFFFFEC00  }
0x57: {  	_ =	swait.ge [sflag:s7], $0x1400  }
0x58: {  	[sflag:s7] =	ssyncset.done $0x0  }
0x59: {  	[sflag:s7] =	ssyncadd.s32 $0xFFFFEC00  }
0x5a: {  	_ =	swait.ge [sflag:s7], $0x1400  }
0x5b: {  	[sflag:s7] =	ssyncset.done $0x0  }
0x5c: {  	[sflag:s7] =	ssyncadd.s32 $0xFFFFEC00  }
0x5d: {  	_ =	swait.ge [sflag:s7], $0x1400  }
0x5e: {  	[sflag:s7] =	ssyncset.done $0x0  }
0x5f: {  	[sflag:s7] =	ssyncadd.s32 $0xFFFFEC00  }
0x60: {  	_ =	swait.ge [sflag:s7], $0x1400  }
0x61: {  	[sflag:s7] =	ssyncset.done $0x0  }
0x62: {  	[sflag:s7] =	ssyncadd.s32 $0xFFFFEC00  }
0x63: {  	_ =	swait.ge [sflag:s7], $0x1400  }
0x64: {  	[sflag:s7] =	ssyncset.done $0x0  }
0x65: {  	[sflag:s7] =	ssyncadd.s32 $0xFFFFEC00  }
0x66: {  	_ =	swait.ge [sflag:s7], $0x1400  }
0x67: {  	[sflag:s7] =	ssyncset.done $0x0  }
0x68: {  	[sflag:s7] =	ssyncadd.s32 $0xFFFFEC00  }
0x69: {  	_ =	swait.ge [sflag:s7], $0x1400  }
0x6a: {  	[sflag:s7] =	ssyncset.done $0x0  }
0x6b: {  	[sflag:s7] =	ssyncadd.s32 $0xFFFFEC00  }
0x6c: {  	_ =	swait.ge [sflag:s7], $0x1400  }
0x6d: {  	[sflag:s7] =	ssyncset.done $0x0  }
0x6e: {  	[sflag:s7] =	ssyncadd.s32 $0xFFFFEC00  }
0x6f: {  	_ =	swait.ge [sflag:s7], $0x1400  }
0x70: {  	[sflag:s7] =	ssyncset.done $0x0  }
0x71: {  	[sflag:s7] =	ssyncadd.s32 $0xFFFFEC00  }
0x72: {  	_ =	swait.ge [sflag:s7], $0x1400  }
0x73: {  	[sflag:s7] =	ssyncset.done $0x0  }
0x74: {  	[sflag:s7] =	ssyncadd.s32 $0xFFFFEC00  }
0x75: {  	_ =	swait.ge [sflag:s7], $0x1400  }
0x76: {  	[sflag:s7] =	ssyncset.done $0x0  }
0x77: {  	[sflag:s7] =	ssyncadd.s32 $0xFFFFEC00  }
0x78: {  	_ =	swait.ge [sflag:s7], $0x1400  }
0x79: {  	[sflag:s7] =	ssyncset.done $0x0  }
0x7a: {  	[sflag:s7] =	ssyncadd.s32 $0xFFFFEC00  }
0x7b: {  	_ =	swait.ge [sflag:s7], $0x1400  }
0x7c: {  	[sflag:s7] =	ssyncset.done $0x0  }
0x7d: {  	[sflag:s7] =	ssyncadd.s32 $0xFFFFEC00  }
0x7e: {  	_ =	swait.ge [sflag:s7], $0x1400  }
0x7f: {  	[sflag:s7] =	ssyncset.done $0x0  }
0x80: {  	[sflag:s7] =	ssyncadd.s32 $0xFFFFEC00  }
0x81: {  	[spmem:s11] =	stream.linear.scatter [tilespmem:s3], [sflag:$0x11], $0x1000, $0x38;
	[tilespmem:$0x19400] =	vst v63  }
0x82: {  	_ =	swait.ge [sflag:s8], $0x1000  }
0x83: {  	[sflag:s8] =	ssyncset.done $0x0  }
0x84: {  	s26 =	simm.s32 $0x9;
	[sflag:s8] =	ssyncadd.s32 $0xFFFFF000  }
0x85: {  	_ =	swait.ge [sflag:s26], $0x100  }
0x86: {  	[sflag:s26] =	ssyncset.done $0x0  }
0x87: {  	s30 =	simm.s32 $0xD;
	[sflag:s26] =	ssyncadd.s32 $0xFFFFFF00  }
0x88: {  	_ =	swait.ge [sflag:s30], $0x100  }
0x89: {  	[sflag:s30] =	ssyncset.done $0x0  }
0x8a: {  	[sflag:s30] =	ssyncadd.s32 $0xFFFFFF00  }
0x8b: {  	s26 =	simm.s32 $0x0;
	[bflag:$0x0] =	sbarrier.arrive $0xFFFF  }
0x8c: {  	[tilespmem:s3], [sflag:$0x1] =	stream.indirect.gather [hbm4b:s1+s16], $0x80, s26, s16, $0xb8;
	[tilespmem:$0x19400] =	vst v63  }
0x8d: {  	s28 =	simm.s32 $0x0;
	s29 =	simm.s32 $0x0;
	s31 =	simm.s32 $0x80  }
0x8e: {  	[tilespmem:s19], [sflag:$0x2] =	stream.indirect.gather [hbm4b:s1+s16], $0x80, s31, s16, $0xb8;
	[tilespmem:$0x19400] =	vst v63  }
.LBB2_4:
0x8f: {  	p0 =	sgt.u32 s28, $0x7A  }
0x90: {  	s9 =	sadd.s32 @!p0 $0x2, s28;
	s17 =	sadd.s32 @!p0 s26, s25  }
0x91: {  	s18 =	simm.s32 @!p0 $0x0;
	s9 =	sand.u32 @!p0 $0x3, s9;
	s17 =	sshrl.u32 @!p0 s17, $0x3  }
0x92: {  	s30 =	sshll.u32 @!p0 s9, $0x8;
	s31 =	sadd.s32 @!p0 $0x9, s9;
	s10 =	sadd.s32 @!p0 s5, s17  }
0x93: {  	[tilespmem:s30], [sflag:s31] =	stream.linear.gather @!p0 [hbm4b:s10+s18], $0x100, $0x38;
	[tilespmem:$0x19400] =	vst v63  }
0x94: {  	s9 =	sadd.s32 @!p0 $0xD, s9;
	s17 =	sadd.s32 @!p0 s6, s17;
	s10 =	sand.u32 $0x1, s28  }
0x95: {  	s30 =	sor.u32 @!p0 $0x400, s30;
	s20 =	smul.u32 $0xA000, s10;
	s31 =	sshllo.u32 s10, $0x1  }
0x96: {  	[tilespmem:s30], [sflag:s9] =	stream.linear.gather @!p0 [hbm4b:s17+s18], $0x100, $0x38;
	[tilespmem:$0x19400] =	vst v63  }
0x97: {  	s10 =	sshll.u32 s10, $0x1;
	s30 =	sand.u32 $0x300, s26;
	_ =	swait.ge [sflag:s31], $0x1400  }
0x98: {  	s9 =	sshrl.u32 s20, $0x2;
	s17 =	sor.u32 $0x400, s30;
	[sflag:s31] =	ssyncset.done $0x0  }
0x99: {  	s20 =	sor.u32 $0x5, s10;
	s18 =	sadd.s32 $0x800, s9;
	[sflag:s31] =	ssyncadd.s32 $0xFFFFEC00  }
0x9a: {  	[spmem:s2] =	stream.indirect.scatter.add.f32 [tilespmem:s18], [sflag:s20], $0x80, s17, s16, $0xb8;
	[tilespmem:$0x19400] =	vst v63  }
0x9b: {  	s20 =	sadd.s32 $0x2, s10  }
0x9c: {  	_ =	swait.ge [sflag:s20], $0x1400  }
0x9d: {  	p0 =	seq.s32 s28, $0x0;
	s9 =	sadd.s32 $0x1C00, s9;
	[sflag:s20] =	ssyncset.done $0x0  }
0x9e: {  	s31 =	sor.u32 $0x480, s30;
	s10 =	sadd.s32 $0x6, s10;
	[sflag:s20] =	ssyncadd.s32 $0xFFFFEC00  }
0x9f: {  	[spmem:s2] =	stream.indirect.scatter.add.f32 [tilespmem:s9], [sflag:s10], $0x80, s31, s16, $0xb8;
	[tilespmem:$0x19400] =	vst v63  }
0xa0: {  	s9 =	sxor.u32 @!p0 $0xFFFFFFFF, s29  }
0xa1: {  	s9 =	sand.u32 @!p0 $0x2, s9  }
0xa2: {  	p1 =	seq.s32 @!p0 s28, $0x7C;
	s10 =	sor.u32 @!p0 $0x5, s9  }
0xa3: {  	p1 =	por p0, !p1;
	_ =	swait.ge @!p0 [sflag:s10], $0x1400  }
.Ltmp1:
0xa4: {  	[sflag:s10] =	ssyncset.done @!p0 $0x0;
	(pc) =	sbr.rel @!p1 .LBB2_6-.Ltmp1, $4  }
0xa5: {  	s9 =	sadd.s32 @!p0 $0x6, s9;
	[sflag:s10] =	ssyncadd.s32 @!p0 $0xFFFFEC00  }
0xa6: {  	_ =	swait.ge @!p0 [sflag:s9], $0x1400  }
0xa7: {  	[sflag:s9] =	ssyncset.done @!p0 $0x0  }
0xa8: {  	[sflag:s9] =	ssyncadd.s32 @!p0 $0xFFFFEC00  }
0xa9: {  	s28 =	sadd.s32 $0x1, s28  }
0xaa: {  	s9 =	sand.u32 $0x3, s28  }
0xab: {  	s10 =	sadd.s32 $0x9, s9  }
0xac: {  	s17 =	sand.u32 $0x1, s28;
	_ =	swait.ge [sflag:s10], $0x100  }
0xad: {  	s29 =	sadd.s32 $0x2, s29;
	s18 =	smul.u32 $0xA000, s17;
	[sflag:s10] =	ssyncset.done $0x0  }
0xae: {  	s26 =	sadd.s32 $0x100, s26;
	s30 =	sadd.s32 $0xD, s9;
	[sflag:s10] =	ssyncadd.s32 $0xFFFFFF00  }
0xaf: {  	s9 =	sshll.u32 s9, $0x8;
	s18 =	sshrl.u32 s18, $0x2;
	_ =	swait.ge [sflag:s30], $0x100  }
.Ltmp2:
0xb0: {  	s31 =	sadd.s32 $0x800, s18;
	[sflag:s30] =	ssyncset.done $0x0;
	(pc) =	sbr.rel .LBB2_4-.Ltmp2, $4  }
0xb1: {  	[sflag:s30] =	ssyncadd.s32 $0xFFFFFF00;
	s30 =	sshll.u32 s17, $0x1;
	s17 =	sshllo.u32 s17, $0x1  }
0xb2: {  	[tilespmem:s31], [sflag:s17] =	stream.indirect.gather [hbm4b:s1+s16], $0x80, s9, s16, $0xb8;
	[tilespmem:$0x19400] =	vst v63  }
0xb3: {  	s20 =	sadd.s32 $0x1C00, s18;
	s9 =	sor.u32 $0x80, s9;
	s31 =	sadd.s32 $0x2, s30  }
0xb4: {  	[tilespmem:s20], [sflag:s31] =	stream.indirect.gather [hbm4b:s1+s16], $0x80, s9, s16, $0xb8;
	[tilespmem:$0x19400] =	vst v63  }
.LBB2_6:
0xb5: {  	s9 =	simm.s32 $0x5  }
0xb6: {  	_ =	swait.ge [sflag:s9], $0x1400  }
0xb7: {  	[sflag:s9] =	ssyncset.done $0x0  }
0xb8: {  	s18 =	simm.s32 $0x6;
	[sflag:s9] =	ssyncadd.s32 $0xFFFFEC00  }
0xb9: {  	_ =	swait.ge [sflag:s18], $0x1400  }
0xba: {  	[sflag:s18] =	ssyncset.done $0x0  }
0xbb: {  	[sflag:s18] =	ssyncadd.s32 $0xFFFFEC00  }
0xbc: {  	[bflag:$0x0] =	sbarrier.arrive $0xFFFF  }
0xbd: {  	[tilespmem:s3], [sflag:$0x5] =	stream.linear.gather [spmem:s12], $0x1400, $0x38;
	[tilespmem:$0x19400] =	vst v63  }
0xbe: {  	s20 =	simm.s32 $0x4400;
	s26 =	simm.s32 $0x0;
	s17 =	simm.s32 $0x0  }
0xbf: {  	[tilespmem:s19], [sflag:$0x6] =	stream.linear.gather [spmem:s13], $0x1400, $0x38;
	[tilespmem:$0x19400] =	vst v63  }
0xc0: {  	s10 =	sand.u32 $0x3, s26;
	s9 =	sand.u32 $0x1, s26;
	s19 =	simm.s32 $0x3000  }
0xc1: {  	[tilespmem:s19], [sflag:$0x7] =	stream.linear.gather [spmem:s14], $0x1400, $0x38;
	[tilespmem:$0x19400] =	vst v63  }
0xc2: {  	s31 =	sadd.s32 $0x5, s10;
	p0 =	seq.s32 s9, $0x1;
	s9 =	simm.s32 $0x1400  }
0xc3: {  	[tilespmem:s20], [sflag:$0x8] =	stream.linear.gather [spmem:s15], $0x1400, $0x38;
	[tilespmem:$0x19400] =	vst v63  }
0xc4: {  	s17 =	sand.u32 $0x2800, s17;
	s9 =	simm.s32 @!p0 $0x0;
	_ =	swait.ge [sflag:s31], $0x1400  }
0xc5: {  	p0 =	por $0x0, $0x0;
	s9 =	sor.u32 s9, s17;
	[sflag:s31] =	ssyncset.done $0x0  }
0xc6: {  	s17 =	sadd.s32 $0x800, s9;
	s9 =	sadd.s32 $0x1, s10;
	[sflag:s31] =	ssyncadd.s32 $0xFFFFEC00  }
0xc7: {  	[hbm4b:s23+s4] =	stream.linear.scatter [tilespmem:s17], [sflag:s9], $0x1400, $0x38;
	[tilespmem:$0x19400] =	vst v63  }
0xc8: {  	s28 =	sadd.s32 $0x1400, s0;
	s30 =	sadd.s32 $0x280, s23;
	_ =	swait.ge @!p0 [sflag:s9], $0x1400  }
0xc9: {  	s29 =	smov.u32 s0;
	s26 =	simm.s32 $0x1;
	[sflag:s9] =	ssyncset.done @!p0 $0x0  }
.LBB2_7:
0xca: {  	s10 =	sand.u32 $0x3, s26;
	s18 =	sshll.u32 s26, $0x1E  }
0xcb: {  	[sflag:s9] =	ssyncadd.s32 @!p0 $0xFFFFEC00;
	s9 =	smov.u32 s29;
	s29 =	smov.u32 s28  }
0xcc: {  	s20 =	sand.u32 $0x1, s26;
	s19 =	sadd.s32 $0x5, s10;
	s18 =	sshra.s32 s18, $0x1F  }
0xcd: {  	[tilespmem:s17], [sflag:s31] =	stream.linear.gather @!p0 [spmem:s9], $0x1400, $0x38;
	[tilespmem:$0x19400] =	vst v63  }
0xce: {  	s9 =	sand.u32 $0x2800, s18  }
0xcf: {  	p0 =	seq.s32 s20, $0x1;
	s17 =	simm.s32 $0x1400;
	_ =	swait.ge [sflag:s19], $0x1400  }
0xd0: {  	s17 =	simm.s32 @!p0 $0x0;
	p0 =	sgt.u32 s26, $0xA;
	s26 =	sadd.s32 $0x1, s26  }
0xd1: {  	[sflag:s19] =	ssyncset.done $0x0;
	p1 =	sne.s32 s26, $0xF  }
.Ltmp3:
0xd2: {  	s9 =	sor.u32 s17, s9;
	[sflag:s19] =	ssyncadd.s32 $0xFFFFEC00;
	(pc) =	sbr.rel @p1 .LBB2_7-.Ltmp3, $4  }
0xd3: {  	s17 =	sadd.s32 $0x800, s9;
	s9 =	sadd.s32 $0x1, s10  }
0xd4: {  	[hbm4b:s30+s4] =	stream.linear.scatter [tilespmem:s17], [sflag:s9], $0x1400, $0x38;
	[tilespmem:$0x19400] =	vst v63  }
0xd5: {  	s31 =	smov.u32 s19;
	_ =	swait.ge @!p0 [sflag:s9], $0x1400  }
0xd6: {  	s28 =	sadd.s32 $0x1400, s28;
	s30 =	sadd.s32 $0x280, s30;
	[sflag:s9] =	ssyncset.done @!p0 $0x0  }
0xd7: {  	[sflag:s9] =	ssyncadd.s32 @!p0 $0xFFFFEC00  }
0xd8: {  	[tilespmem:s17], [sflag:s31] =	stream.linear.gather @!p0 [spmem:s29], $0x1400, $0x38;
	[tilespmem:$0x19400] =	vst v63  }
0xd9: {  	s29 =	simm.s32 $0x4  }
0xda: {  	_ =	swait.ge [sflag:s29], $0x1400  }
0xdb: {  	[sflag:s29] =	ssyncset.done $0x0  }
0xdc: {  	[sflag:s29] =	ssyncadd.s32 $0xFFFFEC00  }
0xdd: {  	_ =	swait.ge [sflag:s7], $0x1400  }
0xde: {  	[sflag:s7] =	ssyncset.done $0x0  }
0xdf: {  	[sflag:s7] =	ssyncadd.s32 $0xFFFFEC00  }
0xe0: {  	_ =	swait.ge [sflag:s21], $0x1400  }
0xe1: {  	[sflag:s21] =	ssyncset.done $0x0  }
0xe2: {  	[sflag:s21] =	ssyncadd.s32 $0xFFFFEC00  }
0xe3: {  	_ =	swait.ge [sflag:s22], $0x1400  }
0xe4: {  	[sflag:s22] =	ssyncset.done $0x0  }
0xe5: {  	[sflag:s22] =	ssyncadd.s32 $0xFFFFEC00  }
0xe6: {  	[tilespmem:s3], [sflag:$0x11] =	stream.linear.gather [spmem:s11], $0x1000, $0x38;
	[tilespmem:$0x19400] =	vst v63  }
0xe7: {  	_ =	swait.ge [sflag:s8], $0x1000  }
0xe8: {  	[sflag:s8] =	ssyncset.done $0x0  }
0xe9: {  	s30 =	rddreg [dreg:$0x8];
	[sflag:s8] =	ssyncadd.s32 $0xFFFFF000  }
0xea: {  	[hbm4b:s30+s4] =	stream.linear.scatter [tilespmem:s3], [sflag:$0x11], $0x1000, $0x38;
	[tilespmem:$0x19400] =	vst v63  }
0xeb: {  	_ =	swait.ge [sflag:s8], $0x1000  }
0xec: {  	s24 =	sadd.s32 $0x1, s24;
	s31 =	rddreg [dreg:$0x9]  }
0xed: {  	p0 =	sne.s32 s24, s31  }
.Ltmp4:
0xee: {  	_ = 	snop;
	(pc) =	sbr.rel @p0 .LBB2_1-.Ltmp4, $3  }
0xef: {  	_ =	sdelay $0x1  }
0xf0: {  	[sflag:s8] =	ssyncset.done $0x0  }
0xf1: {  	s19 =	simm.s32 $0x1C00;
	[sflag:s8] =	ssyncadd.s32 $0xFFFFF000  }
0xf2: {  	_ =	sfence.sel $0x180000  }
0xf3: {  	[bflag:$0x0] =	sbarrier.arrive $0xFFFF  }
0xf4: {  	_ =	strace $0x90000047  }
0xf5: {  	s0 =	stileid.u32;
	[bflag:$0x2] =	sbarrier.arrive $0xFFFF  }
0xf6: {  	p0 =	sne.s32 s0, $0x0;
	s0 =	rddreg [dreg:$0x3]  }
0xf7: {  	s0 =	sadd.s32 @!p0 $0x100000, s0  }
0xf8: {  	[sflag:s0] =	ssyncadd.tile.s32 @!p0 $0x1;
	_ =	shalt  }
.Lfunc_end2:
_tile_overlayer_lowered:
.L_overlay_start_2:
0xf9: {  	(tag) =	ssettag $0x2  }
0xfa: {  	s0 =	rddreg [dreg:$0x0];
	s2 =	stileid.u32  }
0xfb: {  	s1 =	rddreg [dreg:$0x1];
	p0 =	sne.s32 s2, $0x0  }
0xfc: {  	s3 =	rddreg [dreg:$0x2];
	[bflag:$0x3] =	sbarrier.arrive $0xFFFF;
	s2 =	simm.s32 @!p0 $0x1C11  }
0xfd: {  	[timem:s3], [sflag:s2] =	dma.local @!p0 [hbm:s0], s1  }
0xfe: {  	s0 =	simm.s32 @!p0 $0x11  }
0xff: {  	_ =	swait.ge @!p0 [sflag:s0], s1  }
0x100: {  	s1 =	ssub.s32 @!p0 $0x0, s1;
	[sflag:s0] =	ssyncset.done @!p0 $0x0  }
0x101: {  	[sflag:s0] =	ssyncadd.s32 @!p0 s1  }
0x102: {  	[bflag:$0x3] =	sbarrier.arrive $0xFFFF  }
0x103: {  	_ =	shalt  }

// kernel: kernel.9.cloned.1.call-start
scs
__scs_entry_jumppad:
0x0: {  	(pc) =	sbr.rel $0x88, $3  }
0x1: {  	(tag) =	ssettag $0x0;
	lr =	simm.s32 $0x1  }
0x2: {  	[smem:$0x3F93] =	sst lr;
	_ =	strace $0xD0000000  }
0x3: {  	_ = 	snop  }
0x4: {  	_ = 	snop  }
0x5: {  	_ = 	snop  }
0x6: {  	_ = 	snop  }
0x7: {  	_ = 	snop  }
__scs_overlays_trampoline_lowered:
0x8: {  	[smem:$0x3FA2] =	sst s0  }
0x9: {  	[smem:$0x3FA3] =	sst s1  }
0xa: {  	[smem:$0x3FA4] =	sst s2  }
0xb: {  	[smem:$0x3FA5] =	sst s3  }
0xc: {  	[smem:$0x3FA6] =	sst s4  }
0xd: {  	[smem:$0x3FA7] =	sst s5  }
0xe: {  	[smem:$0x3FA8] =	sst s6  }
0xf: {  	[smem:$0x3FA9] =	sst s7  }
0x10: {  	[smem:$0x3FAA] =	sst s8  }
0x11: {  	[smem:$0x3FAB] =	sst s9;
	s0 =	simm.s32 @!p0 $0x0  }
0x12: {  	s1 =	sld [smem:$0x3F91];
	s0 =	simm.s32 @p0 $0x1  }
0x13: {  	[smem:$0x3FAC] =	sst s0;
	s0 =	simm.s32 @!p1 $0x0  }
0x14: {  	s2 =	sld [smem:$0x3F90];
	s0 =	simm.s32 @p1 $0x1  }
0x15: {  	[smem:$0x3FAD] =	sst s0;
	s0 =	simm.s32 @!p2 $0x0  }
0x16: {  	s3 =	sld [smem:$0x3FDB];
	s0 =	simm.s32 @p2 $0x1  }
0x17: {  	s4 =	simm.s32 $0x1BF5;
	[smem:$0x3FAF] =	sst s0  }
0x18: {  	s0 =	sld [smem:$0x3F92];
	_ =	swait.ge [sflag:s4], $0x0  }
0x19: {  	s7 =	sld [smem:$0x3F93]  }
0x1a: {  	s8 =	sadd.s32 $0xFFFFE003, lr  }
0x1b: {  	s9 =	sadd.s32 $0xFFFFFEF7, lr;
	s5 =	simm.s32 $0xFFFFFFFF;
	p2 =	slt.u32 s8, $0xFFFFF086  }
0x1c: {  	p1 =	slt.u32 s9, $0xF7A;
	s5 =	simm.s32 @!p2 $0x0  }
0x1d: {  	s5 =	simm.s32 @p1 $0x1;
	p0 =	seq.s32 s7, s2  }
0x1e: {  	s7 =	smul.u32 @!p0 $0xF7A, s2;
	p2 =	seq.s32 @!p0 s5, $0x0  }
0x1f: {  	s9 =	smul.u32 $0xF7A, s1;
	s8 =	simm.s32 @!p0 $0x1BF5;
	p2 =	por !p2, p0  }
0x20: {  	[sflag:s8] =	ssyncset.s32 @!p0 $0xFFFFF086;
	s6 =	sadd.s32 @!p0 s3, s7;
	s7 =	simm.s32 @!p0 $0x108  }
0x21: {  	s3 =	sadd.s32 s3, s9;
	s6 =	sadd.s32 @!p0 $0x88, s6;
	s7 =	simm.s32 @p2 $0x1082  }
0x22: {  	[simem:s7], [sflag:s8] =	dma.local @!p0 [hbm:s6], $0xF7A  }
0x23: {  	s9 =	sor.u32 $0xD0000000, s2;
	s6 =	simm.s32 $0x108;
	_ =	swait.ge @!p0 [sflag:s8], $0x0  }
0x24: {  	s3 =	sadd.s32 $0x88, s3;
	s6 =	simm.s32 @!p1 $0x1082;
	[sflag:s4] =	ssyncset.s32 $0xFFFFF086  }
0x25: {  	[simem:s6], [sflag:s4] =	dma.local [hbm:s3], $0xF7A  }
0x26: {  	[smem:$0x3F93] =	sst s1;
	(tag) =	ssettag s2;
	_ =	strace s9  }
0x27: {  	s1 =	sld [smem:$0x3FA3]  }
0x28: {  	s2 =	sld [smem:$0x3FA4]  }
0x29: {  	s4 =	sld [smem:$0x3FA6]  }
0x2a: {  	p0 =	seq.s32 s5, $0x0;
	s5 =	sld [smem:$0x3FA7]  }
0x2b: {  	s6 =	sld [smem:$0x3FA8]  }
0x2c: {  	s7 =	sld [smem:$0x3FA9]  }
0x2d: {  	s3 =	simm.s32 $0x108;
	s8 =	sld [smem:$0x3FAA]  }
0x2e: {  	s3 =	simm.s32 @!p0 $0x1082;
	s9 =	sld [smem:$0x3FAB]  }
0x2f: {  	lr =	sadd.s32 s0, s3;
	s0 =	sld [smem:$0x3FA2]  }
0x30: {  	s3 =	sld [smem:$0x3FA5]  }
0x31: {  	[smem:$0x3FAE] =	sst s10  }
0x32: {  	s10 =	sld [smem:$0x3FAC];
	_ =	sdelay $0x3  }
0x33: {  	p0 =	seq.s32 s10, $0x1;
	s10 =	sld [smem:$0x3FAE];
	_ =	sdelay $0x3  }
0x34: {  	[smem:$0x3FAE] =	sst s10  }
0x35: {  	s10 =	sld [smem:$0x3FAD];
	_ =	sdelay $0x3  }
0x36: {  	p1 =	seq.s32 s10, $0x1;
	s10 =	sld [smem:$0x3FAE];
	_ =	sdelay $0x3  }
0x37: {  	[smem:$0x3FAE] =	sst s10  }
0x38: {  	s10 =	sld [smem:$0x3FAF]  }
0x39: {  	_ = 	snop;
	(pc) =	sbr.ind lr, $3  }
0x3a: {  	_ = 	snop  }
0x3b: {  	_ = 	snop  }
0x3c: {  	p2 =	seq.s32 s10, $0x1;
	s10 =	sld [smem:$0x3FAE]  }
0x3d: {  	_ =	shalt  }
0x3e: {  	_ =	shalt  }
0x3f: {  	_ =	shalt  }
0x40: {  	_ =	shalt  }
0x41: {  	_ =	shalt  }
0x42: {  	_ =	shalt  }
0x43: {  	_ =	shalt  }
0x44: {  	_ =	shalt  }
0x45: {  	_ =	shalt  }
0x46: {  	_ =	shalt  }
0x47: {  	_ =	shalt  }
0x48: {  	_ =	shalt  }
0x49: {  	_ =	shalt  }
0x4a: {  	_ =	shalt  }
0x4b: {  	_ =	shalt  }
0x4c: {  	_ =	shalt  }
0x4d: {  	_ =	shalt  }
0x4e: {  	_ =	shalt  }
0x4f: {  	_ =	shalt  }
0x50: {  	_ =	shalt  }
0x51: {  	_ =	shalt  }
0x52: {  	_ =	shalt  }
0x53: {  	_ =	shalt  }
0x54: {  	_ =	shalt  }
0x55: {  	_ =	shalt  }
0x56: {  	_ =	shalt  }
0x57: {  	_ =	shalt  }
0x58: {  	_ =	shalt  }
0x59: {  	_ =	shalt  }
0x5a: {  	_ =	shalt  }
0x5b: {  	_ =	shalt  }
0x5c: {  	_ =	shalt  }
0x5d: {  	_ =	shalt  }
0x5e: {  	_ =	shalt  }
0x5f: {  	_ =	shalt  }
0x60: {  	_ =	shalt  }
0x61: {  	_ =	shalt  }
0x62: {  	_ =	shalt  }
0x63: {  	_ =	shalt  }
0x64: {  	_ =	shalt  }
0x65: {  	_ =	shalt  }
0x66: {  	_ =	shalt  }
0x67: {  	_ =	shalt  }
0x68: {  	_ =	shalt  }
0x69: {  	_ =	shalt  }
0x6a: {  	_ =	shalt  }
0x6b: {  	_ =	shalt  }
0x6c: {  	_ =	shalt  }
0x6d: {  	_ =	shalt  }
0x6e: {  	_ =	shalt  }
0x6f: {  	_ =	shalt  }
0x70: {  	_ =	shalt  }
0x71: {  	_ =	shalt  }
0x72: {  	_ =	shalt  }
0x73: {  	_ =	shalt  }
0x74: {  	_ =	shalt  }
0x75: {  	_ =	shalt  }
0x76: {  	_ =	shalt  }
0x77: {  	_ =	shalt  }
0x78: {  	_ =	shalt  }
0x79: {  	_ =	shalt  }
0x7a: {  	_ =	shalt  }
0x7b: {  	_ =	shalt  }
0x7c: {  	_ =	shalt  }
0x7d: {  	_ =	shalt  }
0x7e: {  	_ =	shalt  }
0x7f: {  	_ =	shalt  }
0x80: {  	_ =	shalt  }
0x81: {  	_ =	shalt  }
0x82: {  	_ =	shalt  }
0x83: {  	_ =	shalt  }
0x84: {  	_ =	shalt  }
0x85: {  	_ =	shalt  }
0x86: {  	_ =	shalt  }
0x87: {  	_ =	shalt  }
.Lfunc_end0:
.L_simem_size_0:
called_computation.1_lowered:
.L_overlay_start_0:
0x88: {  	s2 =	sld [smem:$0x3FD9]  }
0x89: {  	s3 =	sld [smem:$0x3FFE];
	_ =	sdelay $0x1  }
0x8a: {  	s1 =	srdreg.scid  }
0x8b: {  	s0 =	sand.u32 $0x1, s1  }
0x8c: {  	s17 =	sshll.u32 s0, $0xA;
	s2 =	sadd.s32 s3, s2  }
0x8d: {  	s2 =	sadd.s32 s2, s17  }
0x8e: {  	[smem:$0x3FBA] =	sst s2  }
0x8f: {  	_ = 	snop  }
0x90: {  	s2 =	sld [smem:$0x3FD0];
	(tm) =	ssettm $0x1  }
0x91: {  	s18 =	sld [smem:$0x3FFB];
	_ =	sdelay $0x3  }
0x92: {  	_ =	strace s18  }
0x93: {  	s3 =	sld [smem:$0x3FFC];
	_ =	sdelay $0x3  }
0x94: {  	_ =	strace s3  }
0x95: {  	s3 =	sld [smem:$0x3FFD];
	_ =	sdelay $0x3  }
0x96: {  	_ =	strace s3  }
0x97: {  	_ =	strace $0x8FFFFFFF  }
0x98: {  	s19 =	sld [smem:$0x3FDB];
	_ =	sdelay $0x1  }
0x99: {  	s4 =	simm.s32 $_scs_section_size  }
0x9a: {  	s5 =	simm.s32 $_size__tile_overlayer_lowered;
	s6 =	simm.s32 $_tile_overlayer_lowered  }
0x9b: {  	s22 =	simm.s32 $0x1BFF;
	s21 =	sshll.u32 s6, $0x1;
	s3 =	sadd.s32 s4, s19  }
0x9c: {  	s7 =	simm.s32 $0x0;
	s20 =	sshll.u32 s5, $0x1;
	s5 =	sadd.s32 s21, s3  }
0x9d: {  	[timem:s7], [sflag:s22] =	dma.local [hbm:s5], s20  }
0x9e: {  	_ =	swait.ge [sflag:s22], s20  }
0x9f: {  	s4 =	ssub.s32 $0x0, s20;
	[sflag:s22] =	ssyncset.done $0x0  }
0xa0: {  	[sflag:s22] =	ssyncadd.s32 s4;
	_ =	sdelay $0x1  }
0xa1: {  	s23 =	simm.s32 $0x1B8B  }
0xa2: {  	_ =	swait.ge [sflag:s23], $0x1  }
0xa3: {  	[sflag:s23] =	ssyncset.done $0x0  }
0xa4: {  	s25 =	simm.s32 $0x1B8E;
	s24 =	sld [smem:$0x3FFE];
	[sflag:s23] =	ssyncadd.s32 $0xFFFFFFFF  }
0xa5: {  	s26 =	simm.s32 $execute0_lowered;
	[smem:$0x3FD2] =	sst s25  }
0xa6: {  	s5 =	sshll.u32 s26, $0x1;
	_ =	strace $0x80000049;
	[dreg:$0x1] =	wrdreg $0xFFFFFFFF  }
0xa7: {  	s28 =	simm.s32 $_size_execute0_lowered;
	s3 =	sadd.s32 s3, s5;
	[dreg:$0x0] =	wrdreg $0x0  }
0xa8: {  	s5 =	sshll.u32 s28, $0x1;
	[dreg:$0x2] =	wrdreg s3  }
0xa9: {  	[dreg:$0x3] =	wrdreg s5  }
0xaa: {  	[dreg:$0x4] =	wrdreg $0xC0  }
0xab: {  	_ =	task [dreg:s7], $0x5FFFF  }
0xac: {  	[dreg:$0x1] =	wrdreg $0xFFFFFFFF  }
0xad: {  	[dreg:$0x0] =	wrdreg $0x60  }
0xae: {  	[dreg:$0x2] =	wrdreg s2  }
0xaf: {  	[dreg:$0x3] =	wrdreg s24  }
0xb0: {  	[dreg:$0x4] =	wrdreg $0x58000  }
0xb1: {  	[dreg:$0x5] =	wrdreg $0x9  }
0xb2: {  	_ =	task.clear_ibuf [dreg:s7], $0x6FFFF;
	_ =	strace $0x90000049  }
0xb3: {  	s29 =	simm.s32 $0x9;
	_ =	strace $0x8000004B  }
0xb4: {  	_ =	swait.ge [sflag:s29], $0x1  }
0xb5: {  	[sflag:s29] =	ssyncadd.s32 $0xFFFFFFFF  }
0xb6: {  	_ =	strace $0x9000004B  }
0xb7: {  	_ =	sfence  }
0xb8: {  	s30 =	sld [smem:$0x0];
	_ =	sdelay $0x2  }
0xb9: {  	s31 =	sshll.u32 s1, $0xD;
	s1 =	sshrl.u32 s1, $0x2  }
0xba: {  	s3 =	sand.u32 $0x4000, s31;
	s1 =	sadd.s32 s1, s30  }
0xbb: {  	s0 =	sor.u32 s3, s0;
	s1 =	sshll.u32 s1, $0x11  }
0xbc: {  	s0 =	sor.u32 s1, s0  }
0xbd: {  	s0 =	sadd.s32 $0x8F2B, s0  }
0xbe: {  	[sflag:s0] =	ssyncadd.remote.s32 $0x1  }
0xbf: {  	_ =	sfence.sel $0xFFFF  }
0xc0: {  	[dreg:$0x0] =	wrdreg $0xFFFFFFFF;
	(pc) =	sbr.abs _section_cstart, $3  }
0xc1: {  	[dreg:$0x1] =	wrdreg $0xFFFFFFFF  }
0xc2: {  	_ =	task.clear_ibuf [dreg:s7], $0x2FFFF;
	_ =	strace $0x9FFFFFFF  }
0xc3: {  	(tm) =	ssettm $0x7FFFFFFF  }
tec
execute0_lowered:
.L_overlay_start_1:
0x0: {  	(tag) =	ssettag $0x1  }
0x1: {  	s1 =	rddreg [dreg:$0x0]  }
0x2: {  	s0 =	rddreg [dreg:$0x1];
	s16 =	stileid.u32  }
0x3: {  	s2 =	rddreg [dreg:$0x2];
	s28 =	smul.u32 $0x13C00, s16  }
0x4: {  	s3 =	srdreg.scid;
	s4 =	simm.s32 $0x0;
	s11 =	smul.u32 $0x4F000, s16  }
0x5: {  	s3 =	sand.u32 $0x1, s3;
	[smem:$0x7FF] =	sst s4;
	s21 =	smul.u32 $0x7D00, s16  }
0x6: {  	s5 =	sshll.u32 s3, $0x4;
	_ =	strace $0x8000004A;
	s31 =	smul.u32 $0x13C000, s3  }
0x7: {  	s7 =	ssub.s32 $0x2, s3;
	s3 =	smul.u32 $0x7D000, s3;
	s6 =	sor.u32 s16, s5  }
0x8: {  	s5 =	sadd.s32 $0x21C00, s0;
	s9 =	sshrl.u32 s7, $0x1;
	s17 =	sadd.s32 $0x12C00, s28  }
0x9: {  	s12 =	sshrl.u32 s11, $0x2;
	s18 =	sadd.s32 s2, s28;
	s16 =	simm.s32 $0x28  }
0xa: {  	s8 =	smul.u32 $0x7D00, s6;
	s6 =	sadd.s32 $0x2800, s0;
	s0 =	sadd.s32 $0x41000, s0  }
0xb: {  	s7 =	ssub.s32 s7, s9;
	s11 =	sadd.s32 s17, s2;
	s19 =	sadd.s32 $0x5000, s18  }
0xc: {  	s12 =	sadd.s32 s12, s2;
	s7 =	smax.u32 s7, $0x1;
	[dreg:$0xa] =	wrdreg s19  }
0xd: {  	s3 =	sadd.s32 s21, s3;
	s20 =	sadd.s32 $0x6400, s12;
	[dreg:$0x9] =	wrdreg s7  }
0xe: {  	s21 =	simm.s32 $0x2;
	s22 =	sadd.s32 $0x7800, s12;
	[dreg:$0xb] =	wrdreg s20  }
0xf: {  	s13 =	sadd.s32 $0x1400, s12;
	s23 =	sadd.s32 $0x8C00, s12;
	[dreg:$0xc] =	wrdreg s22  }
0x10: {  	s14 =	sadd.s32 $0x2800, s12;
	s24 =	sadd.s32 $0xA000, s12;
	[dreg:$0xd] =	wrdreg s23  }
0x11: {  	s15 =	sadd.s32 $0x3C00, s12;
	s25 =	sadd.s32 $0xB400, s12;
	[dreg:$0xe] =	wrdreg s24  }
0x12: {  	s26 =	sadd.s32 $0xC800, s12;
	s19 =	simm.s32 $0x1C00;
	[dreg:$0xf] =	wrdreg s25  }
0x13: {  	s8 =	sshrl.u32 s8, $0x3;
	s25 =	sadd.s32 $0x200, s3;
	[dreg:$0x10] =	wrdreg s26  }
0x14: {  	s3 =	simm.s32 $0x800;
	s7 =	simm.s32 $0x1;
	s10 =	sadd.s32 s5, s8  }
0x15: {  	s29 =	sadd.s32 $0x20, s8;
	s8 =	sadd.s32 s6, s8;
	[dreg:$0x4] =	wrdreg s10  }
0x16: {  	s22 =	simm.s32 $0x3;
	[dreg:$0x5] =	wrdreg s8;
	s30 =	sadd.s32 s5, s29  }
0x17: {  	s24 =	simm.s32 $0x0;
	s10 =	sadd.s32 s6, s29;
	[dreg:$0x6] =	wrdreg s30  }
0x18: {  	s8 =	sadd.s32 s28, s31;
	s28 =	sadd.s32 $0xDC00, s12;
	[dreg:$0x7] =	wrdreg s10  }
0x19: {  	s29 =	sadd.s32 $0xF000, s12;
	s10 =	sadd.s32 s31, s17;
	[dreg:$0x11] =	wrdreg s28  }
0x1a: {  	s8 =	sshrl.u32 s8, $0x3;
	[dreg:$0x12] =	wrdreg s29;
	s30 =	sadd.s32 $0x10400, s12  }
0x1b: {  	s31 =	sadd.s32 $0x11800, s12;
	s10 =	sshrl.u32 s10, $0x3;
	[dreg:$0x13] =	wrdreg s30  }
0x1c: {  	s23 =	sadd.s32 s8, s0;
	[dreg:$0x14] =	wrdreg s31;
	s10 =	sadd.s32 s0, s10  }
0x1d: {  	v0 =	vimm.f32 $0.0e+00;
	s8 =	simm.s32 $0x11;
	s0 =	sadd.s32 $0x5000, s12;
	[dreg:$0x8] =	wrdreg s10  }
.LBB2_1:
0x1e: {  	s9 =	rddreg [dreg:$0x4]  }
0x1f: {  	s26 =	rddreg [dreg:$0x5]  }
0x20: {  	[tilespmem:s4], [sflag:$0x9] =	stream.linear.gather [hbm4b:s9+s4], $0x100, $0x38;
	[tilespmem:$0x19400] =	vst v63  }
0x21: {  	s10 =	simm.s32 $0x400;
	s28 =	rddreg [dreg:$0x6]  }
0x22: {  	[tilespmem:s10], [sflag:$0xD] =	stream.linear.gather [hbm4b:s26+s4], $0x100, $0x38;
	[tilespmem:$0x19400] =	vst v63  }
0x23: {  	s29 =	simm.s32 $0x100;
	s30 =	rddreg [dreg:$0x7]  }
0x24: {  	[tilespmem:s29], [sflag:$0xA] =	stream.linear.gather [hbm4b:s28+s4], $0x100, $0x38;
	[tilespmem:$0x19400] =	vst v63  }
0x25: {  	s31 =	simm.s32 $0x500;
	s17 =	simm.s32 $0x0;
	s9 =	simm.s32 $0x200  }
0x26: {  	[tilespmem:s31], [sflag:$0xE] =	stream.linear.gather [hbm4b:s30+s4], $0x100, $0x38;
	[tilespmem:$0x19400] =	vst v63  }
.LBB2_2:
0x27: {  	p0 =	sne.s32 s9, $0x4E00;
	[tilespmem:s17+$0x870] =	vst v0  }
0x28: {  	[tilespmem:s17+$0x800] =	vst v0  }
0x29: {  	[tilespmem:s17+$0x810] =	vst v0  }
.Ltmp0:
0x2a: {  	[tilespmem:s17+$0x820] =	vst v0;
	(pc) =	sbr.rel @p0 .LBB2_2-.Ltmp0, $4  }
0x2b: {  	[tilespmem:s17+$0x830] =	vst v0  }
0x2c: {  	[tilespmem:s17+$0x840] =	vst v0  }
0x2d: {  	[tilespmem:s17+$0x850] =	vst v0  }
0x2e: {  	[tilespmem:s17+$0x860] =	vst v0;
	s17 =	sshra.s32 s9, $0x2;
	s9 =	sadd.s32 $0x200, s9  }
0x2f: {  	[tilespmem:s17+$0x870] =	vst v0  }
0x30: {  	[tilespmem:s17+$0x800] =	vst v0  }
0x31: {  	[tilespmem:s17+$0x810] =	vst v0  }
0x32: {  	[tilespmem:s17+$0x820] =	vst v0  }
0x33: {  	[tilespmem:s17+$0x830] =	vst v0  }
0x34: {  	[tilespmem:s17+$0x840] =	vst v0  }
0x35: {  	[tilespmem:s17+$0x850] =	vst v0  }
0x36: {  	[tilespmem:s17+$0x860] =	vst v0  }
0x37: {  	[spmem:s12] =	stream.linear.scatter [tilespmem:s3], [sflag:$0x1], $0x1400, $0x38;
	[tilespmem:$0x19400] =	vst v63  }
0x38: {  	_ = 	snop  }
0x39: {  	[spmem:s13] =	stream.linear.scatter [tilespmem:s3], [sflag:$0x1], $0x1400, $0x38;
	[tilespmem:$0x19400] =	vst v63  }
0x3a: {  	_ = 	snop  }
0x3b: {  	[spmem:s14] =	stream.linear.scatter [tilespmem:s3], [sflag:$0x1], $0x1400, $0x38;
	[tilespmem:$0x19400] =	vst v63  }
0x3c: {  	_ = 	snop  }
0x3d: {  	[spmem:s15] =	stream.linear.scatter [tilespmem:s3], [sflag:$0x1], $0x1400, $0x38;
	[tilespmem:$0x19400] =	vst v63  }
0x3e: {  	s9 =	rddreg [dreg:$0xa]  }
0x3f: {  	[spmem:s9] =	stream.linear.scatter [tilespmem:s3], [sflag:$0x1], $0x1400, $0x38;
	[tilespmem:$0x19400] =	vst v63  }
0x40: {  	s17 =	rddreg [dreg:$0xb]  }
0x41: {  	[spmem:s17] =	stream.linear.scatter [tilespmem:s3], [sflag:$0x1], $0x1400, $0x38;
	[tilespmem:$0x19400] =	vst v63  }
0x42: {  	s18 =	rddreg [dreg:$0xc]  }
0x43: {  	[spmem:s18] =	stream.linear.scatter [tilespmem:s3], [sflag:$0x1], $0x1400, $0x38;
	[tilespmem:$0x19400] =	vst v63  }
0x44: {  	s20 =	rddreg [dreg:$0xd]  }
0x45: {  	[spmem:s20] =	stream.linear.scatter [tilespmem:s3], [sflag:$0x1], $0x1400, $0x38;
	[tilespmem:$0x19400] =	vst v63  }
0x46: {  	s26 =	rddreg [dreg:$0xe]  }
0x47: {  	[spmem:s26] =	stream.linear.scatter [tilespmem:s3], [sflag:$0x1], $0x1400, $0x38;
	[tilespmem:$0x19400] =	vst v63  }
0x48: {  	s30 =	rddreg [dreg:$0xf]  }
0x49: {  	[spmem:s30] =	stream.linear.scatter [tilespmem:s3], [sflag:$0x1], $0x1400, $0x38;
	[tilespmem:$0x19400] =	vst v63  }
0x4a: {  	s31 =	rddreg [dreg:$0x10]  }
0x4b: {  	[spmem:s31] =	stream.linear.scatter [tilespmem:s3], [sflag:$0x1], $0x1400, $0x38;
	[tilespmem:$0x19400] =	vst v63  }
0x4c: {  	s10 =	rddreg [dreg:$0x11]  }
0x4d: {  	[spmem:s10] =	stream.linear.scatter [tilespmem:s3], [sflag:$0x1], $0x1400, $0x38;
	[tilespmem:$0x19400] =	vst v63  }
0x4e: {  	s17 =	rddreg [dreg:$0x12]  }
0x4f: {  	[spmem:s17] =	stream.linear.scatter [tilespmem:s3], [sflag:$0x1], $0x1400, $0x38;
	[tilespmem:$0x19400] =	vst v63  }
0x50: {  	s18 =	rddreg [dreg:$0x13]  }
0x51: {  	[spmem:s18] =	stream.linear.scatter [tilespmem:s3], [sflag:$0x1], $0x1400, $0x38;
	[tilespmem:$0x19400] =	vst v63  }
0x52: {  	s20 =	rddreg [dreg:$0x14]  }
0x53: {  	[spmem:s20] =	stream.linear.scatter [tilespmem:s3], [sflag:$0x1], $0x1400, $0x38;
	[tilespmem:$0x19400] =	vst v63  }
0x54: {  	_ =	swait.ge [sflag:s7], $0x1400  }
0x55: {  	[sflag:s7] =	ssyncset.done $0x0  }
0x56: {  	[sflag:s7] =	ssyncadd.s32 $0xFFFFEC00  }
0x57: {  	_ =	swait.ge [sflag:s7], $0x1400  }
0x58: {  	[sflag:s7] =	ssyncset.done $0x0  }
0x59: {  	[sflag:s7] =	ssyncadd.s32 $0xFFFFEC00  }
0x5a: {  	_ =	swait.ge [sflag:s7], $0x1400  }
0x5b: {  	[sflag:s7] =	ssyncset.done $0x0  }
0x5c: {  	[sflag:s7] =	ssyncadd.s32 $0xFFFFEC00  }
0x5d: {  	_ =	swait.ge [sflag:s7], $0x1400  }
0x5e: {  	[sflag:s7] =	ssyncset.done $0x0  }
0x5f: {  	[sflag:s7] =	ssyncadd.s32 $0xFFFFEC00  }
0x60: {  	_ =	swait.ge [sflag:s7], $0x1400  }
0x61: {  	[sflag:s7] =	ssyncset.done $0x0  }
0x62: {  	[sflag:s7] =	ssyncadd.s32 $0xFFFFEC00  }
0x63: {  	_ =	swait.ge [sflag:s7], $0x1400  }
0x64: {  	[sflag:s7] =	ssyncset.done $0x0  }
0x65: {  	[sflag:s7] =	ssyncadd.s32 $0xFFFFEC00  }
0x66: {  	_ =	swait.ge [sflag:s7], $0x1400  }
0x67: {  	[sflag:s7] =	ssyncset.done $0x0  }
0x68: {  	[sflag:s7] =	ssyncadd.s32 $0xFFFFEC00  }
0x69: {  	_ =	swait.ge [sflag:s7], $0x1400  }
0x6a: {  	[sflag:s7] =	ssyncset.done $0x0  }
0x6b: {  	[sflag:s7] =	ssyncadd.s32 $0xFFFFEC00  }
0x6c: {  	_ =	swait.ge [sflag:s7], $0x1400  }
0x6d: {  	[sflag:s7] =	ssyncset.done $0x0  }
0x6e: {  	[sflag:s7] =	ssyncadd.s32 $0xFFFFEC00  }
0x6f: {  	_ =	swait.ge [sflag:s7], $0x1400  }
0x70: {  	[sflag:s7] =	ssyncset.done $0x0  }
0x71: {  	[sflag:s7] =	ssyncadd.s32 $0xFFFFEC00  }
0x72: {  	_ =	swait.ge [sflag:s7], $0x1400  }
0x73: {  	[sflag:s7] =	ssyncset.done $0x0  }
0x74: {  	[sflag:s7] =	ssyncadd.s32 $0xFFFFEC00  }
0x75: {  	_ =	swait.ge [sflag:s7], $0x1400  }
0x76: {  	[sflag:s7] =	ssyncset.done $0x0  }
0x77: {  	[sflag:s7] =	ssyncadd.s32 $0xFFFFEC00  }
0x78: {  	_ =	swait.ge [sflag:s7], $0x1400  }
0x79: {  	[sflag:s7] =	ssyncset.done $0x0  }
0x7a: {  	[sflag:s7] =	ssyncadd.s32 $0xFFFFEC00  }
0x7b: {  	_ =	swait.ge [sflag:s7], $0x1400  }
0x7c: {  	[sflag:s7] =	ssyncset.done $0x0  }
0x7d: {  	[sflag:s7] =	ssyncadd.s32 $0xFFFFEC00  }
0x7e: {  	_ =	swait.ge [sflag:s7], $0x1400  }
0x7f: {  	[sflag:s7] =	ssyncset.done $0x0  }
0x80: {  	[sflag:s7] =	ssyncadd.s32 $0xFFFFEC00  }
0x81: {  	[spmem:s11] =	stream.linear.scatter [tilespmem:s3], [sflag:$0x11], $0x1000, $0x38;
	[tilespmem:$0x19400] =	vst v63  }
0x82: {  	_ =	swait.ge [sflag:s8], $0x1000  }
0x83: {  	[sflag:s8] =	ssyncset.done $0x0  }
0x84: {  	s26 =	simm.s32 $0x9;
	[sflag:s8] =	ssyncadd.s32 $0xFFFFF000  }
0x85: {  	_ =	swait.ge [sflag:s26], $0x100  }
0x86: {  	[sflag:s26] =	ssyncset.done $0x0  }
0x87: {  	s30 =	simm.s32 $0xD;
	[sflag:s26] =	ssyncadd.s32 $0xFFFFFF00  }
0x88: {  	_ =	swait.ge [sflag:s30], $0x100  }
0x89: {  	[sflag:s30] =	ssyncset.done $0x0  }
0x8a: {  	[sflag:s30] =	ssyncadd.s32 $0xFFFFFF00  }
0x8b: {  	s26 =	simm.s32 $0x0;
	[bflag:$0x0] =	sbarrier.arrive $0xFFFF  }
0x8c: {  	[tilespmem:s3], [sflag:$0x1] =	stream.indirect.gather [hbm4b:s1+s16], $0x80, s26, s16, $0xb8;
	[tilespmem:$0x19400] =	vst v63  }
0x8d: {  	s28 =	simm.s32 $0x0;
	s29 =	simm.s32 $0x0;
	s31 =	simm.s32 $0x80  }
0x8e: {  	[tilespmem:s19], [sflag:$0x2] =	stream.indirect.gather [hbm4b:s1+s16], $0x80, s31, s16, $0xb8;
	[tilespmem:$0x19400] =	vst v63  }
.LBB2_4:
0x8f: {  	p0 =	sgt.u32 s28, $0x7A  }
0x90: {  	s9 =	sadd.s32 @!p0 $0x2, s28;
	s17 =	sadd.s32 @!p0 s26, s25  }
0x91: {  	s18 =	simm.s32 @!p0 $0x0;
	s9 =	sand.u32 @!p0 $0x3, s9;
	s17 =	sshrl.u32 @!p0 s17, $0x3  }
0x92: {  	s30 =	sshll.u32 @!p0 s9, $0x8;
	s31 =	sadd.s32 @!p0 $0x9, s9;
	s10 =	sadd.s32 @!p0 s5, s17  }
0x93: {  	[tilespmem:s30], [sflag:s31] =	stream.linear.gather @!p0 [hbm4b:s10+s18], $0x100, $0x38;
	[tilespmem:$0x19400] =	vst v63  }
0x94: {  	s9 =	sadd.s32 @!p0 $0xD, s9;
	s17 =	sadd.s32 @!p0 s6, s17;
	s10 =	sand.u32 $0x1, s28  }
0x95: {  	s30 =	sor.u32 @!p0 $0x400, s30;
	s20 =	smul.u32 $0xA000, s10;
	s31 =	sshllo.u32 s10, $0x1  }
0x96: {  	[tilespmem:s30], [sflag:s9] =	stream.linear.gather @!p0 [hbm4b:s17+s18], $0x100, $0x38;
	[tilespmem:$0x19400] =	vst v63  }
0x97: {  	s10 =	sshll.u32 s10, $0x1;
	s30 =	sand.u32 $0x300, s26;
	_ =	swait.ge [sflag:s31], $0x1400  }
0x98: {  	s9 =	sshrl.u32 s20, $0x2;
	s17 =	sor.u32 $0x400, s30;
	[sflag:s31] =	ssyncset.done $0x0  }
0x99: {  	s20 =	sor.u32 $0x5, s10;
	s18 =	sadd.s32 $0x800, s9;
	[sflag:s31] =	ssyncadd.s32 $0xFFFFEC00  }
0x9a: {  	[spmem:s2] =	stream.indirect.scatter.add.f32 [tilespmem:s18], [sflag:s20], $0x80, s17, s16, $0xb8;
	[tilespmem:$0x19400] =	vst v63  }
0x9b: {  	s20 =	sadd.s32 $0x2, s10  }
0x9c: {  	_ =	swait.ge [sflag:s20], $0x1400  }
0x9d: {  	p0 =	seq.s32 s28, $0x0;
	s9 =	sadd.s32 $0x1C00, s9;
	[sflag:s20] =	ssyncset.done $0x0  }
0x9e: {  	s31 =	sor.u32 $0x480, s30;
	s10 =	sadd.s32 $0x6, s10;
	[sflag:s20] =	ssyncadd.s32 $0xFFFFEC00  }
0x9f: {  	[spmem:s2] =	stream.indirect.scatter.add.f32 [tilespmem:s9], [sflag:s10], $0x80, s31, s16, $0xb8;
	[tilespmem:$0x19400] =	vst v63  }
0xa0: {  	s9 =	sxor.u32 @!p0 $0xFFFFFFFF, s29  }
0xa1: {  	s9 =	sand.u32 @!p0 $0x2, s9  }
0xa2: {  	p1 =	seq.s32 @!p0 s28, $0x7C;
	s10 =	sor.u32 @!p0 $0x5, s9  }
0xa3: {  	p1 =	por p0, !p1;
	_ =	swait.ge @!p0 [sflag:s10], $0x1400  }
.Ltmp1:
0xa4: {  	[sflag:s10] =	ssyncset.done @!p0 $0x0;
	(pc) =	sbr.rel @!p1 .LBB2_6-.Ltmp1, $4  }
0xa5: {  	s9 =	sadd.s32 @!p0 $0x6, s9;
	[sflag:s10] =	ssyncadd.s32 @!p0 $0xFFFFEC00  }
0xa6: {  	_ =	swait.ge @!p0 [sflag:s9], $0x1400  }
0xa7: {  	[sflag:s9] =	ssyncset.done @!p0 $0x0  }
0xa8: {  	[sflag:s9] =	ssyncadd.s32 @!p0 $0xFFFFEC00  }
0xa9: {  	s28 =	sadd.s32 $0x1, s28  }
0xaa: {  	s9 =	sand.u32 $0x3, s28  }
0xab: {  	s10 =	sadd.s32 $0x9, s9  }
0xac: {  	s17 =	sand.u32 $0x1, s28;
	_ =	swait.ge [sflag:s10], $0x100  }
0xad: {  	s29 =	sadd.s32 $0x2, s29;
	s18 =	smul.u32 $0xA000, s17;
	[sflag:s10] =	ssyncset.done $0x0  }
0xae: {  	s26 =	sadd.s32 $0x100, s26;
	s30 =	sadd.s32 $0xD, s9;
	[sflag:s10] =	ssyncadd.s32 $0xFFFFFF00  }
0xaf: {  	s9 =	sshll.u32 s9, $0x8;
	s18 =	sshrl.u32 s18, $0x2;
	_ =	swait.ge [sflag:s30], $0x100  }
.Ltmp2:
0xb0: {  	s31 =	sadd.s32 $0x800, s18;
	[sflag:s30] =	ssyncset.done $0x0;
	(pc) =	sbr.rel .LBB2_4-.Ltmp2, $4  }
0xb1: {  	[sflag:s30] =	ssyncadd.s32 $0xFFFFFF00;
	s30 =	sshll.u32 s17, $0x1;
	s17 =	sshllo.u32 s17, $0x1  }
0xb2: {  	[tilespmem:s31], [sflag:s17] =	stream.indirect.gather [hbm4b:s1+s16], $0x80, s9, s16, $0xb8;
	[tilespmem:$0x19400] =	vst v63  }
0xb3: {  	s20 =	sadd.s32 $0x1C00, s18;
	s9 =	sor.u32 $0x80, s9;
	s31 =	sadd.s32 $0x2, s30  }
0xb4: {  	[tilespmem:s20], [sflag:s31] =	stream.indirect.gather [hbm4b:s1+s16], $0x80, s9, s16, $0xb8;
	[tilespmem:$0x19400] =	vst v63  }
.LBB2_6:
0xb5: {  	s9 =	simm.s32 $0x5  }
0xb6: {  	_ =	swait.ge [sflag:s9], $0x1400  }
0xb7: {  	[sflag:s9] =	ssyncset.done $0x0  }
0xb8: {  	s18 =	simm.s32 $0x6;
	[sflag:s9] =	ssyncadd.s32 $0xFFFFEC00  }
0xb9: {  	_ =	swait.ge [sflag:s18], $0x1400  }
0xba: {  	[sflag:s18] =	ssyncset.done $0x0  }
0xbb: {  	[sflag:s18] =	ssyncadd.s32 $0xFFFFEC00  }
0xbc: {  	[bflag:$0x0] =	sbarrier.arrive $0xFFFF  }
0xbd: {  	[tilespmem:s3], [sflag:$0x5] =	stream.linear.gather [spmem:s12], $0x1400, $0x38;
	[tilespmem:$0x19400] =	vst v63  }
0xbe: {  	s20 =	simm.s32 $0x4400;
	s26 =	simm.s32 $0x0;
	s17 =	simm.s32 $0x0  }
0xbf: {  	[tilespmem:s19], [sflag:$0x6] =	stream.linear.gather [spmem:s13], $0x1400, $0x38;
	[tilespmem:$0x19400] =	vst v63  }
0xc0: {  	s10 =	sand.u32 $0x3, s26;
	s9 =	sand.u32 $0x1, s26;
	s19 =	simm.s32 $0x3000  }
0xc1: {  	[tilespmem:s19], [sflag:$0x7] =	stream.linear.gather [spmem:s14], $0x1400, $0x38;
	[tilespmem:$0x19400] =	vst v63  }
0xc2: {  	s31 =	sadd.s32 $0x5, s10;
	p0 =	seq.s32 s9, $0x1;
	s9 =	simm.s32 $0x1400  }
0xc3: {  	[tilespmem:s20], [sflag:$0x8] =	stream.linear.gather [spmem:s15], $0x1400, $0x38;
	[tilespmem:$0x19400] =	vst v63  }
0xc4: {  	s17 =	sand.u32 $0x2800, s17;
	s9 =	simm.s32 @!p0 $0x0;
	_ =	swait.ge [sflag:s31], $0x1400  }
0xc5: {  	p0 =	por $0x0, $0x0;
	s9 =	sor.u32 s9, s17;
	[sflag:s31] =	ssyncset.done $0x0  }
0xc6: {  	s17 =	sadd.s32 $0x800, s9;
	s9 =	sadd.s32 $0x1, s10;
	[sflag:s31] =	ssyncadd.s32 $0xFFFFEC00  }
0xc7: {  	[hbm4b:s23+s4] =	stream.linear.scatter [tilespmem:s17], [sflag:s9], $0x1400, $0x38;
	[tilespmem:$0x19400] =	vst v63  }
0xc8: {  	s28 =	sadd.s32 $0x1400, s0;
	s30 =	sadd.s32 $0x280, s23;
	_ =	swait.ge @!p0 [sflag:s9], $0x1400  }
0xc9: {  	s29 =	smov.u32 s0;
	s26 =	simm.s32 $0x1;
	[sflag:s9] =	ssyncset.done @!p0 $0x0  }
.LBB2_7:
0xca: {  	s10 =	sand.u32 $0x3, s26;
	s18 =	sshll.u32 s26, $0x1E  }
0xcb: {  	[sflag:s9] =	ssyncadd.s32 @!p0 $0xFFFFEC00;
	s9 =	smov.u32 s29;
	s29 =	smov.u32 s28  }
0xcc: {  	s20 =	sand.u32 $0x1, s26;
	s19 =	sadd.s32 $0x5, s10;
	s18 =	sshra.s32 s18, $0x1F  }
0xcd: {  	[tilespmem:s17], [sflag:s31] =	stream.linear.gather @!p0 [spmem:s9], $0x1400, $0x38;
	[tilespmem:$0x19400] =	vst v63  }
0xce: {  	s9 =	sand.u32 $0x2800, s18  }
0xcf: {  	p0 =	seq.s32 s20, $0x1;
	s17 =	simm.s32 $0x1400;
	_ =	swait.ge [sflag:s19], $0x1400  }
0xd0: {  	s17 =	simm.s32 @!p0 $0x0;
	p0 =	sgt.u32 s26, $0xA;
	s26 =	sadd.s32 $0x1, s26  }
0xd1: {  	[sflag:s19] =	ssyncset.done $0x0;
	p1 =	sne.s32 s26, $0xF  }
.Ltmp3:
0xd2: {  	s9 =	sor.u32 s17, s9;
	[sflag:s19] =	ssyncadd.s32 $0xFFFFEC00;
	(pc) =	sbr.rel @p1 .LBB2_7-.Ltmp3, $4  }
0xd3: {  	s17 =	sadd.s32 $0x800, s9;
	s9 =	sadd.s32 $0x1, s10  }
0xd4: {  	[hbm4b:s30+s4] =	stream.linear.scatter [tilespmem:s17], [sflag:s9], $0x1400, $0x38;
	[tilespmem:$0x19400] =	vst v63  }
0xd5: {  	s31 =	smov.u32 s19;
	_ =	swait.ge @!p0 [sflag:s9], $0x1400  }
0xd6: {  	s28 =	sadd.s32 $0x1400, s28;
	s30 =	sadd.s32 $0x280, s30;
	[sflag:s9] =	ssyncset.done @!p0 $0x0  }
0xd7: {  	[sflag:s9] =	ssyncadd.s32 @!p0 $0xFFFFEC00  }
0xd8: {  	[tilespmem:s17], [sflag:s31] =	stream.linear.gather @!p0 [spmem:s29], $0x1400, $0x38;
	[tilespmem:$0x19400] =	vst v63  }
0xd9: {  	s29 =	simm.s32 $0x4  }
0xda: {  	_ =	swait.ge [sflag:s29], $0x1400  }
0xdb: {  	[sflag:s29] =	ssyncset.done $0x0  }
0xdc: {  	[sflag:s29] =	ssyncadd.s32 $0xFFFFEC00  }
0xdd: {  	_ =	swait.ge [sflag:s7], $0x1400  }
0xde: {  	[sflag:s7] =	ssyncset.done $0x0  }
0xdf: {  	[sflag:s7] =	ssyncadd.s32 $0xFFFFEC00  }
0xe0: {  	_ =	swait.ge [sflag:s21], $0x1400  }
0xe1: {  	[sflag:s21] =	ssyncset.done $0x0  }
0xe2: {  	[sflag:s21] =	ssyncadd.s32 $0xFFFFEC00  }
0xe3: {  	_ =	swait.ge [sflag:s22], $0x1400  }
0xe4: {  	[sflag:s22] =	ssyncset.done $0x0  }
0xe5: {  	[sflag:s22] =	ssyncadd.s32 $0xFFFFEC00  }
0xe6: {  	[tilespmem:s3], [sflag:$0x11] =	stream.linear.gather [spmem:s11], $0x1000, $0x38;
	[tilespmem:$0x19400] =	vst v63  }
0xe7: {  	_ =	swait.ge [sflag:s8], $0x1000  }
0xe8: {  	[sflag:s8] =	ssyncset.done $0x0  }
0xe9: {  	s30 =	rddreg [dreg:$0x8];
	[sflag:s8] =	ssyncadd.s32 $0xFFFFF000  }
0xea: {  	[hbm4b:s30+s4] =	stream.linear.scatter [tilespmem:s3], [sflag:$0x11], $0x1000, $0x38;
	[tilespmem:$0x19400] =	vst v63  }
0xeb: {  	_ =	swait.ge [sflag:s8], $0x1000  }
0xec: {  	s24 =	sadd.s32 $0x1, s24;
	s31 =	rddreg [dreg:$0x9]  }
0xed: {  	p0 =	sne.s32 s24, s31  }
.Ltmp4:
0xee: {  	_ = 	snop;
	(pc) =	sbr.rel @p0 .LBB2_1-.Ltmp4, $3  }
0xef: {  	_ =	sdelay $0x1  }
0xf0: {  	[sflag:s8] =	ssyncset.done $0x0  }
0xf1: {  	s19 =	simm.s32 $0x1C00;
	[sflag:s8] =	ssyncadd.s32 $0xFFFFF000  }
0xf2: {  	_ =	sfence.sel $0x180000  }
0xf3: {  	[bflag:$0x0] =	sbarrier.arrive $0xFFFF  }
0xf4: {  	_ =	strace $0x9000004A  }
0xf5: {  	s0 =	stileid.u32;
	[bflag:$0x2] =	sbarrier.arrive $0xFFFF  }
0xf6: {  	p0 =	sne.s32 s0, $0x0;
	s0 =	rddreg [dreg:$0x3]  }
0xf7: {  	s0 =	sadd.s32 @!p0 $0x100000, s0  }
0xf8: {  	[sflag:s0] =	ssyncadd.tile.s32 @!p0 $0x1;
	_ =	shalt  }
.Lfunc_end2:
_tile_overlayer_lowered:
.L_overlay_start_2:
0xf9: {  	(tag) =	ssettag $0x2  }
0xfa: {  	s0 =	rddreg [dreg:$0x0];
	s2 =	stileid.u32  }
0xfb: {  	s1 =	rddreg [dreg:$0x1];
	p0 =	sne.s32 s2, $0x0  }
0xfc: {  	s3 =	rddreg [dreg:$0x2];
	[bflag:$0x3] =	sbarrier.arrive $0xFFFF;
	s2 =	simm.s32 @!p0 $0x1C11  }
0xfd: {  	[timem:s3], [sflag:s2] =	dma.local @!p0 [hbm:s0], s1  }
0xfe: {  	s0 =	simm.s32 @!p0 $0x11  }
0xff: {  	_ =	swait.ge @!p0 [sflag:s0], s1  }
0x100: {  	s1 =	ssub.s32 @!p0 $0x0, s1;
	[sflag:s0] =	ssyncset.done @!p0 $0x0  }
0x101: {  	[sflag:s0] =	ssyncadd.s32 @!p0 s1  }
0x102: {  	[bflag:$0x3] =	sbarrier.arrive $0xFFFF  }
0x103: {  	_ =	shalt  }

</sc_bundles>
